<compile_context>
chip_gen: v7x
topology: tpu7x:2x2x1
jax: 0.10.2.dev20260603
libtpu: 0.0.44.dev20260713+nightly
codegen_flags: <defaults>
</compile_context>

<pallas_src>
import functools

import jax
import jax.numpy as jnp
from jax import lax
from jax.experimental import pallas as pl
from jax.experimental.pallas import tpu as pltpu
from jax.experimental.pallas import tpu_sc as plsc

_VOCAB_PAD = 1008
_EMB = 8
_OUT = 4
_LANES = 16
_NC = 2
_NS = 16
_NW = _NC * _NS


def _project_table(table_pad, fc_w, inv_l):
    def body(t_ref, w_ref, p_ref):
        t = t_ref[...]
        row = lax.broadcasted_iota(jnp.int32, t.shape, 0)
        t = jnp.where(row == 0, 0.0, t)
        p = lax.dot_general(t, w_ref[...], (((1,), (1,)), ((), ())),
                            preferred_element_type=jnp.float32)
        p_ref[...] = p * inv_l

    return pl.pallas_call(
        body,
        out_shape=jax.ShapeDtypeStruct((_VOCAB_PAD, _OUT), jnp.float32),
    )(table_pad, fc_w)


def _make_sc_kernel(B, L):
    rows_per_tile = B // _NW
    chunk = 64
    n_chunks = rows_per_tile // chunk
    groups = chunk // _LANES

    mesh = plsc.VectorSubcoreMesh(core_axis_name="c", subcore_axis_name="s")

    @functools.partial(
        pl.kernel,
        mesh=mesh,
        compiler_params=pltpu.CompilerParams(needs_layout_passes=False),
        out_type=jax.ShapeDtypeStruct((B * _OUT,), jnp.float32),
        scratch_types=[
            pltpu.VMEM((_VOCAB_PAD * _OUT,), jnp.float32),
            pltpu.VMEM((_OUT * _LANES,), jnp.float32),
            pltpu.VMEM((chunk * L,), jnp.int32),
            pltpu.VMEM((chunk * _OUT,), jnp.float32),
        ],
    )
    def sc(ids_hbm, p_hbm, bias_hbm, out_hbm, p_v, bias_v, ids_v, out_v):
        wid = lax.axis_index("s") * _NC + lax.axis_index("c")
        base = wid * rows_per_tile
        pltpu.sync_copy(p_hbm, p_v)
        pltpu.sync_copy(bias_hbm, bias_v)
        lane = lax.iota(jnp.int32, 16)
        cols = [jnp.full((_LANES,), j, jnp.int32) for j in range(_OUT)]
        bias = [bias_v[pl.ds(j * _LANES, _LANES)] for j in range(_OUT)]

        for c in range(n_chunks):
            row0 = base + c * chunk
            pltpu.sync_copy(ids_hbm.at[pl.ds(row0 * L, chunk * L)], ids_v)
            for g in range(groups):
                rows = g * _LANES + lane
                row_base = rows * L

                def step(l, accs, row_base=row_base):
                    fl = jnp.full((_LANES,), l, jnp.int32)
                    idv = plsc.load_gather(ids_v, [row_base + fl])
                    id4 = idv * _OUT
                    return tuple(
                        acc + plsc.load_gather(p_v, [id4 + cols[j]])
                        for j, acc in enumerate(accs)
                    )

                accs = lax.fori_loop(0, L, step, tuple(bias))
                out_base = rows * _OUT
                for j in range(_OUT):
                    plsc.store_scatter(out_v, [out_base + cols[j]], accs[j])
            pltpu.sync_copy(out_v, out_hbm.at[pl.ds(row0 * _OUT, chunk * _OUT)])

    return sc


def kernel(input_ids, table, fc_w, fc_b):
    B, L = input_ids.shape
    ids = input_ids.astype(jnp.int32).reshape(B * L)
    tpad = (jnp.zeros((_VOCAB_PAD, _EMB), jnp.float32)
            .at[:table.shape[0]].set(table.astype(jnp.float32)))
    p = _project_table(tpad, fc_w.astype(jnp.float32), 1.0 / L).reshape(-1)
    bias = jnp.repeat(fc_b.astype(jnp.float32), _LANES)
    out_flat = _make_sc_kernel(B, L)(ids, p, bias)
    return out_flat.reshape(B, _OUT)

# --- scband reference (transcript-rebuilt; emitter-appended) ---
"""Pipeline reference for scband-simple-model-38225208934870 (READ-ONLY COPY).

The authoritative reference and input builder live on the scoring server;
editing this copy changes nothing except your own understanding.
"""

import jax, jax.numpy as jnp
import numpy as np

_VOCAB_SIZE = 1001
_EMBED_DIM = 8
_OUTPUT_DIM = 4


def setup_inputs(seed: int = 0) -> dict:
    key = jax.random.key(seed)
    k1, k2, k3, k4 = jax.random.split(key, 4)
    input_ids = jax.random.randint(k1, (16384, 200), 0, _VOCAB_SIZE, dtype=jnp.int64 if jax.config.jax_enable_x64 else jnp.int32)
    table = jax.random.normal(k2, (_VOCAB_SIZE, _EMBED_DIM), dtype=jnp.float32)
    table = table.at[0].set(0.0)  # padding_idx=0
    bound = 1.0 / np.sqrt(_EMBED_DIM)
    fc_w = jax.random.uniform(k3, (_OUTPUT_DIM, _EMBED_DIM), minval=-bound, maxval=bound, dtype=jnp.float32)
    fc_b = jax.random.uniform(k4, (_OUTPUT_DIM,), minval=-bound, maxval=bound, dtype=jnp.float32)
    return {"input_ids": input_ids, "table": table, "fc_w": fc_w, "fc_b": fc_b}


def reference(input_ids, table, fc_w, fc_b):
    # embedding lookup with padding_idx=0 (row 0 zeroed)
    tbl = table.at[0].set(0.0)
    embedded = jnp.take(tbl, input_ids, axis=0)  # [B, L, D]
    pooled = embedded.mean(axis=1)               # [B, D]
    out = pooled @ fc_w.T + fc_b                 # [B, 4]
    return out

if __name__ == "__main__":
    import jax
    _d = setup_inputs()
    print(jax.jit(kernel)(*tuple(_d.values())))

</pallas_src>

<mosaic_0001>
#map = affine_map<(d0, d1) -> (0)>
module attributes {stable_mosaic.version = 14 : i64} {
  func.func @sc(%arg0: i32, %arg1: i32, %arg2: memref<3276800xi32, #tpu.memory_space<hbm>>, %arg3: memref<4032xf32, #tpu.memory_space<hbm>>, %arg4: memref<64xf32, #tpu.memory_space<hbm>>, %arg5: memref<65536xf32, #tpu.memory_space<hbm>>, %arg6: memref<4032xf32, #tpu.memory_space<vmem>>, %arg7: memref<64xf32, #tpu.memory_space<vmem>>, %arg8: memref<12800xi32, #tpu.memory_space<vmem>>, %arg9: memref<256xf32, #tpu.memory_space<vmem>>) attributes {dimension_semantics = [#tpu.dimension_semantics<core_parallel>, #tpu.dimension_semantics<subcore_parallel>], iteration_bounds = array<i64: 2, 16>, scalar_prefetch = 0 : i64, scratch_operands = 4 : i64, tpu.core_type = #tpu.core_type<sc_vector_subcore>, window_params = [{transform_indices = #map}, {transform_indices = #map}, {transform_indices = #map}, {transform_indices = #map}]} {
    %mul3A = arith.constant 2 : i32
    %mul3A_0 = arith.muli %arg1, %mul3A : i32
    %add3A = arith.addi %mul3A_0, %arg0 : i32
    %mul3A_1 = arith.constant 512 : i32
    %mul3A_2 = arith.muli %add3A, %mul3A_1 : i32
    "tpu.region"() ({
      %run_scoped3A = tpu.sem_alloc : memref<!tpu.dma_semaphore, #tpu.memory_space<semaphore_mem>>
      tpu.enqueue_dma source(%arg3 : memref<4032xf32, #tpu.memory_space<hbm>>) target(%arg6 : memref<4032xf32, #tpu.memory_space<vmem>>) target_semaphore(%run_scoped3A : memref<!tpu.dma_semaphore, #tpu.memory_space<semaphore_mem>>)
      tpu.wait_dma2 semaphore(%run_scoped3A : memref<!tpu.dma_semaphore, #tpu.memory_space<semaphore_mem>>) src(%arg3 : memref<4032xf32, #tpu.memory_space<hbm>>) dst(%arg6 : memref<4032xf32, #tpu.memory_space<vmem>>)
      tpu.yield
    }) : () -> ()
    "tpu.region"() ({
      %run_scoped3A = tpu.sem_alloc : memref<!tpu.dma_semaphore, #tpu.memory_space<semaphore_mem>>
      tpu.enqueue_dma source(%arg4 : memref<64xf32, #tpu.memory_space<hbm>>) target(%arg7 : memref<64xf32, #tpu.memory_space<vmem>>) target_semaphore(%run_scoped3A : memref<!tpu.dma_semaphore, #tpu.memory_space<semaphore_mem>>)
      tpu.wait_dma2 semaphore(%run_scoped3A : memref<!tpu.dma_semaphore, #tpu.memory_space<semaphore_mem>>) src(%arg4 : memref<64xf32, #tpu.memory_space<hbm>>) dst(%arg7 : memref<64xf32, #tpu.memory_space<vmem>>)
      tpu.yield
    }) : () -> ()
    %iota3A = tpu.iota {dimensions = array<i32: 0>} : vector<16xi32>
    %broadcast_in_dim3A = arith.constant 0 : i32
    %broadcast_in_dim3A_3 = vector.broadcast %broadcast_in_dim3A : i32 to vector<16xi32>
    %broadcast_in_dim3A_4 = arith.constant 1 : i32
    %broadcast_in_dim3A_5 = vector.broadcast %broadcast_in_dim3A_4 : i32 to vector<16xi32>
    %broadcast_in_dim3A_6 = arith.constant 2 : i32
    %broadcast_in_dim3A_7 = vector.broadcast %broadcast_in_dim3A_6 : i32 to vector<16xi32>
    %broadcast_in_dim3A_8 = arith.constant 3 : i32
    %broadcast_in_dim3A_9 = vector.broadcast %broadcast_in_dim3A_8 : i32 to vector<16xi32>
    %get3A = arith.constant 0 : index
    %get3A_10 = tpu.vector_load %arg7[%get3A] {strides = array<i32>} : memref<64xf32, #tpu.memory_space<vmem>>, vector<16xf32>,
    %get3A_11 = arith.constant 16 : index
    %get3A_12 = tpu.vector_load %arg7[%get3A_11] {strides = array<i32>} : memref<64xf32, #tpu.memory_space<vmem>>, vector<16xf32>,
    %get3A_13 = arith.constant 32 : index
    %get3A_14 = tpu.vector_load %arg7[%get3A_13] {strides = array<i32>} : memref<64xf32, #tpu.memory_space<vmem>>, vector<16xf32>,
    %get3A_15 = arith.constant 48 : index
    %get3A_16 = tpu.vector_load %arg7[%get3A_15] {strides = array<i32>} : memref<64xf32, #tpu.memory_space<vmem>>, vector<16xf32>,
    %add3A_17 = arith.constant 0 : i32
    %add3A_18 = arith.addi %mul3A_2, %add3A_17 : i32
    %mul3A_19 = arith.constant 200 : i32
    %mul3A_20 = arith.muli %add3A_18, %mul3A_19 : i32
    "tpu.region"() ({
      %run_scoped3A = tpu.sem_alloc : memref<!tpu.dma_semaphore, #tpu.memory_space<semaphore_mem>>
      %dma_start3A = tpu.memref_slice %arg2[%mul3A_20] : memref<3276800xi32, #tpu.memory_space<hbm>> -> memref<12800xi32, #tpu.memory_space<hbm>>
      %dma_start3A_672 = tpu.memref_slice %arg2[%mul3A_20] : memref<3276800xi32, #tpu.memory_space<hbm>> -> memref<12800xi32, #tpu.memory_space<hbm>>
      tpu.enqueue_dma source(%dma_start3A_672 : memref<12800xi32, #tpu.memory_space<hbm>>) target(%arg8 : memref<12800xi32, #tpu.memory_space<vmem>>) target_semaphore(%run_scoped3A : memref<!tpu.dma_semaphore, #tpu.memory_space<semaphore_mem>>)
      %dma_wait3A = tpu.memref_slice %arg2[%mul3A_20] : memref<3276800xi32, #tpu.memory_space<hbm>> -> memref<12800xi32, #tpu.memory_space<hbm>>
      %dma_wait3A_673 = tpu.memref_slice %arg2[%mul3A_20] : memref<3276800xi32, #tpu.memory_space<hbm>> -> memref<12800xi32, #tpu.memory_space<hbm>>
      tpu.wait_dma2 semaphore(%run_scoped3A : memref<!tpu.dma_semaphore, #tpu.memory_space<semaphore_mem>>) src(%dma_wait3A_673 : memref<12800xi32, #tpu.memory_space<hbm>>) dst(%arg8 : memref<12800xi32, #tpu.memory_space<vmem>>)
      tpu.yield
    }) : () -> ()
    %add3A_21 = arith.constant 0 : i32
    %add3A_22 = vector.broadcast %add3A_21 : i32 to vector<16xi32>
    %add3A_23 = arith.addi %add3A_22, %iota3A : vector<16xi32>
    %mul3A_24 = arith.constant 200 : i32
    %mul3A_25 = vector.broadcast %mul3A_24 : i32 to vector<16xi32>
    %mul3A_26 = arith.muli %add3A_23, %mul3A_25 : vector<16xi32>
    %scan3A = arith.constant 0 : i32
    %scan3A_27 = arith.constant 200 : i32
    %scan3A_28 = arith.addi %scan3A, %scan3A_27 : i32
    %scan3A_29 = arith.constant 1 : i32
    %scan3A_30:4 = scf.for %scan3A_672 = %scan3A to %scan3A_28 step %scan3A_29 iter_args(%scan3A_673 = %get3A_10, %scan3A_674 = %get3A_12, %scan3A_675 = %get3A_14, %scan3A_676 = %get3A_16) -> (vector<16xf32>, vector<16xf32>, vector<16xf32>, vector<16xf32>)  : i32 {
      %broadcast_in_dim3A_677 = vector.broadcast %scan3A_672 : i32 to vector<16xi32>
      %add3A_678 = arith.addi %mul3A_26, %broadcast_in_dim3A_677 : vector<16xi32>
      %gather3A = tpu.vector_load_idx %arg8[%add3A_678] : memref<12800xi32, #tpu.memory_space<vmem>>[vector<16xi32>], vector<16xi32>,
      %mul3A_679 = arith.constant 4 : i32
      %mul3A_680 = vector.broadcast %mul3A_679 : i32 to vector<16xi32>
      %mul3A_681 = arith.muli %gather3A, %mul3A_680 : vector<16xi32>
      %add3A_682 = arith.addi %mul3A_681, %broadcast_in_dim3A_3 : vector<16xi32>
      %gather3A_683 = tpu.vector_load_idx %arg6[%add3A_682] : memref<4032xf32, #tpu.memory_space<vmem>>[vector<16xi32>], vector<16xf32>,
      %add3A_684 = arith.addf %scan3A_673, %gather3A_683 : vector<16xf32>
      %add3A_685 = arith.addi %mul3A_681, %broadcast_in_dim3A_5 : vector<16xi32>
      %gather3A_686 = tpu.vector_load_idx %arg6[%add3A_685] : memref<4032xf32, #tpu.memory_space<vmem>>[vector<16xi32>], vector<16xf32>,
      %add3A_687 = arith.addf %scan3A_674, %gather3A_686 : vector<16xf32>
      %add3A_688 = arith.addi %mul3A_681, %broadcast_in_dim3A_7 : vector<16xi32>
      %gather3A_689 = tpu.vector_load_idx %arg6[%add3A_688] : memref<4032xf32, #tpu.memory_space<vmem>>[vector<16xi32>], vector<16xf32>,
      %add3A_690 = arith.addf %scan3A_675, %gather3A_689 : vector<16xf32>
      %add3A_691 = arith.addi %mul3A_681, %broadcast_in_dim3A_9 : vector<16xi32>
      %gather3A_692 = tpu.vector_load_idx %arg6[%add3A_691] : memref<4032xf32, #tpu.memory_space<vmem>>[vector<16xi32>], vector<16xf32>,
      %add3A_693 = arith.addf %scan3A_676, %gather3A_692 : vector<16xf32>
      scf.yield %add3A_684, %add3A_687, %add3A_690, %add3A_693 : vector<16xf32>, vector<16xf32>, vector<16xf32>, vector<16xf32>
    }
    %scan3A_31 = arith.constant 200 : i32
    %mul3A_32 = arith.constant 4 : i32
    %mul3A_33 = vector.broadcast %mul3A_32 : i32 to vector<16xi32>
    %mul3A_34 = arith.muli %add3A_23, %mul3A_33 : vector<16xi32>
    %add3A_35 = arith.addi %mul3A_34, %broadcast_in_dim3A_3 : vector<16xi32>
    tpu.vector_store_idx %arg9[%add3A_35], %scan3A_30#0 : memref<256xf32, #tpu.memory_space<vmem>>[vector<16xi32>], vector<16xf32>,
    %add3A_36 = arith.addi %mul3A_34, %broadcast_in_dim3A_5 : vector<16xi32>
    tpu.vector_store_idx %arg9[%add3A_36], %scan3A_30#1 : memref<256xf32, #tpu.memory_space<vmem>>[vector<16xi32>], vector<16xf32>,
    %add3A_37 = arith.addi %mul3A_34, %broadcast_in_dim3A_7 : vector<16xi32>
    tpu.vector_store_idx %arg9[%add3A_37], %scan3A_30#2 : memref<256xf32, #tpu.memory_space<vmem>>[vector<16xi32>], vector<16xf32>,
    %add3A_38 = arith.addi %mul3A_34, %broadcast_in_dim3A_9 : vector<16xi32>
    tpu.vector_store_idx %arg9[%add3A_38], %scan3A_30#3 : memref<256xf32, #tpu.memory_space<vmem>>[vector<16xi32>], vector<16xf32>,
    %add3A_39 = arith.constant 16 : i32
    %add3A_40 = vector.broadcast %add3A_39 : i32 to vector<16xi32>
    %add3A_41 = arith.addi %add3A_40, %iota3A : vector<16xi32>
    %mul3A_42 = arith.constant 200 : i32
    %mul3A_43 = vector.broadcast %mul3A_42 : i32 to vector<16xi32>
    %mul3A_44 = arith.muli %add3A_41, %mul3A_43 : vector<16xi32>
    %scan3A_45 = arith.constant 0 : i32
    %scan3A_46 = arith.constant 200 : i32
    %scan3A_47 = arith.addi %scan3A_45, %scan3A_46 : i32
    %scan3A_48 = arith.constant 1 : i32
    %scan3A_49:4 = scf.for %scan3A_672 = %scan3A_45 to %scan3A_47 step %scan3A_48 iter_args(%scan3A_673 = %get3A_10, %scan3A_674 = %get3A_12, %scan3A_675 = %get3A_14, %scan3A_676 = %get3A_16) -> (vector<16xf32>, vector<16xf32>, vector<16xf32>, vector<16xf32>)  : i32 {
      %broadcast_in_dim3A_677 = vector.broadcast %scan3A_672 : i32 to vector<16xi32>
      %add3A_678 = arith.addi %mul3A_44, %broadcast_in_dim3A_677 : vector<16xi32>
      %gather3A = tpu.vector_load_idx %arg8[%add3A_678] : memref<12800xi32, #tpu.memory_space<vmem>>[vector<16xi32>], vector<16xi32>,
      %mul3A_679 = arith.constant 4 : i32
      %mul3A_680 = vector.broadcast %mul3A_679 : i32 to vector<16xi32>
      %mul3A_681 = arith.muli %gather3A, %mul3A_680 : vector<16xi32>
      %add3A_682 = arith.addi %mul3A_681, %broadcast_in_dim3A_3 : vector<16xi32>
      %gather3A_683 = tpu.vector_load_idx %arg6[%add3A_682] : memref<4032xf32, #tpu.memory_space<vmem>>[vector<16xi32>], vector<16xf32>,
      %add3A_684 = arith.addf %scan3A_673, %gather3A_683 : vector<16xf32>
      %add3A_685 = arith.addi %mul3A_681, %broadcast_in_dim3A_5 : vector<16xi32>
      %gather3A_686 = tpu.vector_load_idx %arg6[%add3A_685] : memref<4032xf32, #tpu.memory_space<vmem>>[vector<16xi32>], vector<16xf32>,
      %add3A_687 = arith.addf %scan3A_674, %gather3A_686 : vector<16xf32>
      %add3A_688 = arith.addi %mul3A_681, %broadcast_in_dim3A_7 : vector<16xi32>
      %gather3A_689 = tpu.vector_load_idx %arg6[%add3A_688] : memref<4032xf32, #tpu.memory_space<vmem>>[vector<16xi32>], vector<16xf32>,
      %add3A_690 = arith.addf %scan3A_675, %gather3A_689 : vector<16xf32>
      %add3A_691 = arith.addi %mul3A_681, %broadcast_in_dim3A_9 : vector<16xi32>
      %gather3A_692 = tpu.vector_load_idx %arg6[%add3A_691] : memref<4032xf32, #tpu.memory_space<vmem>>[vector<16xi32>], vector<16xf32>,
      %add3A_693 = arith.addf %scan3A_676, %gather3A_692 : vector<16xf32>
      scf.yield %add3A_684, %add3A_687, %add3A_690, %add3A_693 : vector<16xf32>, vector<16xf32>, vector<16xf32>, vector<16xf32>
    }
    %scan3A_50 = arith.constant 200 : i32
    %mul3A_51 = arith.constant 4 : i32
    %mul3A_52 = vector.broadcast %mul3A_51 : i32 to vector<16xi32>
    %mul3A_53 = arith.muli %add3A_41, %mul3A_52 : vector<16xi32>
    %add3A_54 = arith.addi %mul3A_53, %broadcast_in_dim3A_3 : vector<16xi32>
    tpu.vector_store_idx %arg9[%add3A_54], %scan3A_49#0 : memref<256xf32, #tpu.memory_space<vmem>>[vector<16xi32>], vector<16xf32>,
    %add3A_55 = arith.addi %mul3A_53, %broadcast_in_dim3A_5 : vector<16xi32>
    tpu.vector_store_idx %arg9[%add3A_55], %scan3A_49#1 : memref<256xf32, #tpu.memory_space<vmem>>[vector<16xi32>], vector<16xf32>,
    %add3A_56 = arith.addi %mul3A_53, %broadcast_in_dim3A_7 : vector<16xi32>
    tpu.vector_store_idx %arg9[%add3A_56], %scan3A_49#2 : memref<256xf32, #tpu.memory_space<vmem>>[vector<16xi32>], vector<16xf32>,
    %add3A_57 = arith.addi %mul3A_53, %broadcast_in_dim3A_9 : vector<16xi32>
    tpu.vector_store_idx %arg9[%add3A_57], %scan3A_49#3 : memref<256xf32, #tpu.memory_space<vmem>>[vector<16xi32>], vector<16xf32>,
    %add3A_58 = arith.constant 32 : i32
    %add3A_59 = vector.broadcast %add3A_58 : i32 to vector<16xi32>
    %add3A_60 = arith.addi %add3A_59, %iota3A : vector<16xi32>
    %mul3A_61 = arith.constant 200 : i32
    %mul3A_62 = vector.broadcast %mul3A_61 : i32 to vector<16xi32>
    %mul3A_63 = arith.muli %add3A_60, %mul3A_62 : vector<16xi32>
    %scan3A_64 = arith.constant 0 : i32
    %scan3A_65 = arith.constant 200 : i32
    %scan3A_66 = arith.addi %scan3A_64, %scan3A_65 : i32
    %scan3A_67 = arith.constant 1 : i32
    %scan3A_68:4 = scf.for %scan3A_672 = %scan3A_64 to %scan3A_66 step %scan3A_67 iter_args(%scan3A_673 = %get3A_10, %scan3A_674 = %get3A_12, %scan3A_675 = %get3A_14, %scan3A_676 = %get3A_16) -> (vector<16xf32>, vector<16xf32>, vector<16xf32>, vector<16xf32>)  : i32 {
      %broadcast_in_dim3A_677 = vector.broadcast %scan3A_672 : i32 to vector<16xi32>
      %add3A_678 = arith.addi %mul3A_63, %broadcast_in_dim3A_677 : vector<16xi32>
      %gather3A = tpu.vector_load_idx %arg8[%add3A_678] : memref<12800xi32, #tpu.memory_space<vmem>>[vector<16xi32>], vector<16xi32>,
      %mul3A_679 = arith.constant 4 : i32
      %mul3A_680 = vector.broadcast %mul3A_679 : i32 to vector<16xi32>
      %mul3A_681 = arith.muli %gather3A, %mul3A_680 : vector<16xi32>
      %add3A_682 = arith.addi %mul3A_681, %broadcast_in_dim3A_3 : vector<16xi32>
      %gather3A_683 = tpu.vector_load_idx %arg6[%add3A_682] : memref<4032xf32, #tpu.memory_space<vmem>>[vector<16xi32>], vector<16xf32>,
      %add3A_684 = arith.addf %scan3A_673, %gather3A_683 : vector<16xf32>
      %add3A_685 = arith.addi %mul3A_681, %broadcast_in_dim3A_5 : vector<16xi32>
      %gather3A_686 = tpu.vector_load_idx %arg6[%add3A_685] : memref<4032xf32, #tpu.memory_space<vmem>>[vector<16xi32>], vector<16xf32>,
      %add3A_687 = arith.addf %scan3A_674, %gather3A_686 : vector<16xf32>
      %add3A_688 = arith.addi %mul3A_681, %broadcast_in_dim3A_7 : vector<16xi32>
      %gather3A_689 = tpu.vector_load_idx %arg6[%add3A_688] : memref<4032xf32, #tpu.memory_space<vmem>>[vector<16xi32>], vector<16xf32>,
      %add3A_690 = arith.addf %scan3A_675, %gather3A_689 : vector<16xf32>
      %add3A_691 = arith.addi %mul3A_681, %broadcast_in_dim3A_9 : vector<16xi32>
      %gather3A_692 = tpu.vector_load_idx %arg6[%add3A_691] : memref<4032xf32, #tpu.memory_space<vmem>>[vector<16xi32>], vector<16xf32>,
      %add3A_693 = arith.addf %scan3A_676, %gather3A_692 : vector<16xf32>
      scf.yield %add3A_684, %add3A_687, %add3A_690, %add3A_693 : vector<16xf32>, vector<16xf32>, vector<16xf32>, vector<16xf32>
    }
    %scan3A_69 = arith.constant 200 : i32
    %mul3A_70 = arith.constant 4 : i32
    %mul3A_71 = vector.broadcast %mul3A_70 : i32 to vector<16xi32>
    %mul3A_72 = arith.muli %add3A_60, %mul3A_71 : vector<16xi32>
    %add3A_73 = arith.addi %mul3A_72, %broadcast_in_dim3A_3 : vector<16xi32>
    tpu.vector_store_idx %arg9[%add3A_73], %scan3A_68#0 : memref<256xf32, #tpu.memory_space<vmem>>[vector<16xi32>], vector<16xf32>,
    %add3A_74 = arith.addi %mul3A_72, %broadcast_in_dim3A_5 : vector<16xi32>
    tpu.vector_store_idx %arg9[%add3A_74], %scan3A_68#1 : memref<256xf32, #tpu.memory_space<vmem>>[vector<16xi32>], vector<16xf32>,
    %add3A_75 = arith.addi %mul3A_72, %broadcast_in_dim3A_7 : vector<16xi32>
    tpu.vector_store_idx %arg9[%add3A_75], %scan3A_68#2 : memref<256xf32, #tpu.memory_space<vmem>>[vector<16xi32>], vector<16xf32>,
    %add3A_76 = arith.addi %mul3A_72, %broadcast_in_dim3A_9 : vector<16xi32>
    tpu.vector_store_idx %arg9[%add3A_76], %scan3A_68#3 : memref<256xf32, #tpu.memory_space<vmem>>[vector<16xi32>], vector<16xf32>,
    %add3A_77 = arith.constant 48 : i32
    %add3A_78 = vector.broadcast %add3A_77 : i32 to vector<16xi32>
    %add3A_79 = arith.addi %add3A_78, %iota3A : vector<16xi32>
    %mul3A_80 = arith.constant 200 : i32
    %mul3A_81 = vector.broadcast %mul3A_80 : i32 to vector<16xi32>
    %mul3A_82 = arith.muli %add3A_79, %mul3A_81 : vector<16xi32>
    %scan3A_83 = arith.constant 0 : i32
    %scan3A_84 = arith.constant 200 : i32
    %scan3A_85 = arith.addi %scan3A_83, %scan3A_84 : i32
    %scan3A_86 = arith.constant 1 : i32
    %scan3A_87:4 = scf.for %scan3A_672 = %scan3A_83 to %scan3A_85 step %scan3A_86 iter_args(%scan3A_673 = %get3A_10, %scan3A_674 = %get3A_12, %scan3A_675 = %get3A_14, %scan3A_676 = %get3A_16) -> (vector<16xf32>, vector<16xf32>, vector<16xf32>, vector<16xf32>)  : i32 {
      %broadcast_in_dim3A_677 = vector.broadcast %scan3A_672 : i32 to vector<16xi32>
      %add3A_678 = arith.addi %mul3A_82, %broadcast_in_dim3A_677 : vector<16xi32>
      %gather3A = tpu.vector_load_idx %arg8[%add3A_678] : memref<12800xi32, #tpu.memory_space<vmem>>[vector<16xi32>], vector<16xi32>,
      %mul3A_679 = arith.constant 4 : i32
      %mul3A_680 = vector.broadcast %mul3A_679 : i32 to vector<16xi32>
      %mul3A_681 = arith.muli %gather3A, %mul3A_680 : vector<16xi32>
      %add3A_682 = arith.addi %mul3A_681, %broadcast_in_dim3A_3 : vector<16xi32>
      %gather3A_683 = tpu.vector_load_idx %arg6[%add3A_682] : memref<4032xf32, #tpu.memory_space<vmem>>[vector<16xi32>], vector<16xf32>,
      %add3A_684 = arith.addf %scan3A_673, %gather3A_683 : vector<16xf32>
      %add3A_685 = arith.addi %mul3A_681, %broadcast_in_dim3A_5 : vector<16xi32>
      %gather3A_686 = tpu.vector_load_idx %arg6[%add3A_685] : memref<4032xf32, #tpu.memory_space<vmem>>[vector<16xi32>], vector<16xf32>,
      %add3A_687 = arith.addf %scan3A_674, %gather3A_686 : vector<16xf32>
      %add3A_688 = arith.addi %mul3A_681, %broadcast_in_dim3A_7 : vector<16xi32>
      %gather3A_689 = tpu.vector_load_idx %arg6[%add3A_688] : memref<4032xf32, #tpu.memory_space<vmem>>[vector<16xi32>], vector<16xf32>,
      %add3A_690 = arith.addf %scan3A_675, %gather3A_689 : vector<16xf32>
      %add3A_691 = arith.addi %mul3A_681, %broadcast_in_dim3A_9 : vector<16xi32>
      %gather3A_692 = tpu.vector_load_idx %arg6[%add3A_691] : memref<4032xf32, #tpu.memory_space<vmem>>[vector<16xi32>], vector<16xf32>,
      %add3A_693 = arith.addf %scan3A_676, %gather3A_692 : vector<16xf32>
      scf.yield %add3A_684, %add3A_687, %add3A_690, %add3A_693 : vector<16xf32>, vector<16xf32>, vector<16xf32>, vector<16xf32>
    }
    %scan3A_88 = arith.constant 200 : i32
    %mul3A_89 = arith.constant 4 : i32
    %mul3A_90 = vector.broadcast %mul3A_89 : i32 to vector<16xi32>
    %mul3A_91 = arith.muli %add3A_79, %mul3A_90 : vector<16xi32>
    %add3A_92 = arith.addi %mul3A_91, %broadcast_in_dim3A_3 : vector<16xi32>
    tpu.vector_store_idx %arg9[%add3A_92], %scan3A_87#0 : memref<256xf32, #tpu.memory_space<vmem>>[vector<16xi32>], vector<16xf32>,
    %add3A_93 = arith.addi %mul3A_91, %broadcast_in_dim3A_5 : vector<16xi32>
    tpu.vector_store_idx %arg9[%add3A_93], %scan3A_87#1 : memref<256xf32, #tpu.memory_space<vmem>>[vector<16xi32>], vector<16xf32>,
    %add3A_94 = arith.addi %mul3A_91, %broadcast_in_dim3A_7 : vector<16xi32>
    tpu.vector_store_idx %arg9[%add3A_94], %scan3A_87#2 : memref<256xf32, #tpu.memory_space<vmem>>[vector<16xi32>], vector<16xf32>,
    %add3A_95 = arith.addi %mul3A_91, %broadcast_in_dim3A_9 : vector<16xi32>
    tpu.vector_store_idx %arg9[%add3A_95], %scan3A_87#3 : memref<256xf32, #tpu.memory_space<vmem>>[vector<16xi32>], vector<16xf32>,
    %mul3A_96 = arith.constant 4 : i32
    %mul3A_97 = arith.muli %add3A_18, %mul3A_96 : i32
    "tpu.region"() ({
      %run_scoped3A = tpu.sem_alloc : memref<!tpu.dma_semaphore, #tpu.memory_space<semaphore_mem>>
      %dma_start3A = tpu.memref_slice %arg5[%mul3A_97] : memref<65536xf32, #tpu.memory_space<hbm>> -> memref<256xf32, #tpu.memory_space<hbm>>
      %dma_start3A_672 = tpu.memref_slice %arg5[%mul3A_97] : memref<65536xf32, #tpu.memory_space<hbm>> -> memref<256xf32, #tpu.memory_space<hbm>>
      tpu.enqueue_dma source(%arg9 : memref<256xf32, #tpu.memory_space<vmem>>) target(%dma_start3A_672 : memref<256xf32, #tpu.memory_space<hbm>>) target_semaphore(%run_scoped3A : memref<!tpu.dma_semaphore, #tpu.memory_space<semaphore_mem>>)
      %dma_wait3A = tpu.memref_slice %arg5[%mul3A_97] : memref<65536xf32, #tpu.memory_space<hbm>> -> memref<256xf32, #tpu.memory_space<hbm>>
      %dma_wait3A_673 = tpu.memref_slice %arg5[%mul3A_97] : memref<65536xf32, #tpu.memory_space<hbm>> -> memref<256xf32, #tpu.memory_space<hbm>>
      tpu.wait_dma2 semaphore(%run_scoped3A : memref<!tpu.dma_semaphore, #tpu.memory_space<semaphore_mem>>) src(%arg9 : memref<256xf32, #tpu.memory_space<vmem>>) dst(%dma_wait3A_673 : memref<256xf32, #tpu.memory_space<hbm>>)
      tpu.yield
    }) : () -> ()
    %add3A_98 = arith.constant 64 : i32
    %add3A_99 = arith.addi %mul3A_2, %add3A_98 : i32
    %mul3A_100 = arith.constant 200 : i32
    %mul3A_101 = arith.muli %add3A_99, %mul3A_100 : i32
    "tpu.region"() ({
      %run_scoped3A = tpu.sem_alloc : memref<!tpu.dma_semaphore, #tpu.memory_space<semaphore_mem>>
      %dma_start3A = tpu.memref_slice %arg2[%mul3A_101] : memref<3276800xi32, #tpu.memory_space<hbm>> -> memref<12800xi32, #tpu.memory_space<hbm>>
      %dma_start3A_672 = tpu.memref_slice %arg2[%mul3A_101] : memref<3276800xi32, #tpu.memory_space<hbm>> -> memref<12800xi32, #tpu.memory_space<hbm>>
      tpu.enqueue_dma source(%dma_start3A_672 : memref<12800xi32, #tpu.memory_space<hbm>>) target(%arg8 : memref<12800xi32, #tpu.memory_space<vmem>>) target_semaphore(%run_scoped3A : memref<!tpu.dma_semaphore, #tpu.memory_space<semaphore_mem>>)
      %dma_wait3A = tpu.memref_slice %arg2[%mul3A_101] : memref<3276800xi32, #tpu.memory_space<hbm>> -> memref<12800xi32, #tpu.memory_space<hbm>>
      %dma_wait3A_673 = tpu.memref_slice %arg2[%mul3A_101] : memref<3276800xi32, #tpu.memory_space<hbm>> -> memref<12800xi32, #tpu.memory_space<hbm>>
      tpu.wait_dma2 semaphore(%run_scoped3A : memref<!tpu.dma_semaphore, #tpu.memory_space<semaphore_mem>>) src(%dma_wait3A_673 : memref<12800xi32, #tpu.memory_space<hbm>>) dst(%arg8 : memref<12800xi32, #tpu.memory_space<vmem>>)
      tpu.yield
    }) : () -> ()
    %add3A_102 = arith.constant 0 : i32
    %add3A_103 = vector.broadcast %add3A_102 : i32 to vector<16xi32>
    %add3A_104 = arith.addi %add3A_103, %iota3A : vector<16xi32>
    %mul3A_105 = arith.constant 200 : i32
    %mul3A_106 = vector.broadcast %mul3A_105 : i32 to vector<16xi32>
    %mul3A_107 = arith.muli %add3A_104, %mul3A_106 : vector<16xi32>
    %scan3A_108 = arith.constant 0 : i32
    %scan3A_109 = arith.constant 200 : i32
    %scan3A_110 = arith.addi %scan3A_108, %scan3A_109 : i32
    %scan3A_111 = arith.constant 1 : i32
    %scan3A_112:4 = scf.for %scan3A_672 = %scan3A_108 to %scan3A_110 step %scan3A_111 iter_args(%scan3A_673 = %get3A_10, %scan3A_674 = %get3A_12, %scan3A_675 = %get3A_14, %scan3A_676 = %get3A_16) -> (vector<16xf32>, vector<16xf32>, vector<16xf32>, vector<16xf32>)  : i32 {
      %broadcast_in_dim3A_677 = vector.broadcast %scan3A_672 : i32 to vector<16xi32>
      %add3A_678 = arith.addi %mul3A_107, %broadcast_in_dim3A_677 : vector<16xi32>
      %gather3A = tpu.vector_load_idx %arg8[%add3A_678] : memref<12800xi32, #tpu.memory_space<vmem>>[vector<16xi32>], vector<16xi32>,
      %mul3A_679 = arith.constant 4 : i32
      %mul3A_680 = vector.broadcast %mul3A_679 : i32 to vector<16xi32>
      %mul3A_681 = arith.muli %gather3A, %mul3A_680 : vector<16xi32>
      %add3A_682 = arith.addi %mul3A_681, %broadcast_in_dim3A_3 : vector<16xi32>
      %gather3A_683 = tpu.vector_load_idx %arg6[%add3A_682] : memref<4032xf32, #tpu.memory_space<vmem>>[vector<16xi32>], vector<16xf32>,
      %add3A_684 = arith.addf %scan3A_673, %gather3A_683 : vector<16xf32>
      %add3A_685 = arith.addi %mul3A_681, %broadcast_in_dim3A_5 : vector<16xi32>
      %gather3A_686 = tpu.vector_load_idx %arg6[%add3A_685] : memref<4032xf32, #tpu.memory_space<vmem>>[vector<16xi32>], vector<16xf32>,
      %add3A_687 = arith.addf %scan3A_674, %gather3A_686 : vector<16xf32>
      %add3A_688 = arith.addi %mul3A_681, %broadcast_in_dim3A_7 : vector<16xi32>
      %gather3A_689 = tpu.vector_load_idx %arg6[%add3A_688] : memref<4032xf32, #tpu.memory_space<vmem>>[vector<16xi32>], vector<16xf32>,
      %add3A_690 = arith.addf %scan3A_675, %gather3A_689 : vector<16xf32>
      %add3A_691 = arith.addi %mul3A_681, %broadcast_in_dim3A_9 : vector<16xi32>
      %gather3A_692 = tpu.vector_load_idx %arg6[%add3A_691] : memref<4032xf32, #tpu.memory_space<vmem>>[vector<16xi32>], vector<16xf32>,
      %add3A_693 = arith.addf %scan3A_676, %gather3A_692 : vector<16xf32>
      scf.yield %add3A_684, %add3A_687, %add3A_690, %add3A_693 : vector<16xf32>, vector<16xf32>, vector<16xf32>, vector<16xf32>
    }
    %scan3A_113 = arith.constant 200 : i32
    %mul3A_114 = arith.constant 4 : i32
    %mul3A_115 = vector.broadcast %mul3A_114 : i32 to vector<16xi32>
    %mul3A_116 = arith.muli %add3A_104, %mul3A_115 : vector<16xi32>
    %add3A_117 = arith.addi %mul3A_116, %broadcast_in_dim3A_3 : vector<16xi32>
    tpu.vector_store_idx %arg9[%add3A_117], %scan3A_112#0 : memref<256xf32, #tpu.memory_space<vmem>>[vector<16xi32>], vector<16xf32>,
    %add3A_118 = arith.addi %mul3A_116, %broadcast_in_dim3A_5 : vector<16xi32>
    tpu.vector_store_idx %arg9[%add3A_118], %scan3A_112#1 : memref<256xf32, #tpu.memory_space<vmem>>[vector<16xi32>], vector<16xf32>,
    %add3A_119 = arith.addi %mul3A_116, %broadcast_in_dim3A_7 : vector<16xi32>
    tpu.vector_store_idx %arg9[%add3A_119], %scan3A_112#2 : memref<256xf32, #tpu.memory_space<vmem>>[vector<16xi32>], vector<16xf32>,
    %add3A_120 = arith.addi %mul3A_116, %broadcast_in_dim3A_9 : vector<16xi32>
    tpu.vector_store_idx %arg9[%add3A_120], %scan3A_112#3 : memref<256xf32, #tpu.memory_space<vmem>>[vector<16xi32>], vector<16xf32>,
    %add3A_121 = arith.constant 16 : i32
    %add3A_122 = vector.broadcast %add3A_121 : i32 to vector<16xi32>
    %add3A_123 = arith.addi %add3A_122, %iota3A : vector<16xi32>
    %mul3A_124 = arith.constant 200 : i32
    %mul3A_125 = vector.broadcast %mul3A_124 : i32 to vector<16xi32>
    %mul3A_126 = arith.muli %add3A_123, %mul3A_125 : vector<16xi32>
    %scan3A_127 = arith.constant 0 : i32
    %scan3A_128 = arith.constant 200 : i32
    %scan3A_129 = arith.addi %scan3A_127, %scan3A_128 : i32
    %scan3A_130 = arith.constant 1 : i32
    %scan3A_131:4 = scf.for %scan3A_672 = %scan3A_127 to %scan3A_129 step %scan3A_130 iter_args(%scan3A_673 = %get3A_10, %scan3A_674 = %get3A_12, %scan3A_675 = %get3A_14, %scan3A_676 = %get3A_16) -> (vector<16xf32>, vector<16xf32>, vector<16xf32>, vector<16xf32>)  : i32 {
      %broadcast_in_dim3A_677 = vector.broadcast %scan3A_672 : i32 to vector<16xi32>
      %add3A_678 = arith.addi %mul3A_126, %broadcast_in_dim3A_677 : vector<16xi32>
      %gather3A = tpu.vector_load_idx %arg8[%add3A_678] : memref<12800xi32, #tpu.memory_space<vmem>>[vector<16xi32>], vector<16xi32>,
      %mul3A_679 = arith.constant 4 : i32
      %mul3A_680 = vector.broadcast %mul3A_679 : i32 to vector<16xi32>
      %mul3A_681 = arith.muli %gather3A, %mul3A_680 : vector<16xi32>
      %add3A_682 = arith.addi %mul3A_681, %broadcast_in_dim3A_3 : vector<16xi32>
      %gather3A_683 = tpu.vector_load_idx %arg6[%add3A_682] : memref<4032xf32, #tpu.memory_space<vmem>>[vector<16xi32>], vector<16xf32>,
      %add3A_684 = arith.addf %scan3A_673, %gather3A_683 : vector<16xf32>
      %add3A_685 = arith.addi %mul3A_681, %broadcast_in_dim3A_5 : vector<16xi32>
      %gather3A_686 = tpu.vector_load_idx %arg6[%add3A_685] : memref<4032xf32, #tpu.memory_space<vmem>>[vector<16xi32>], vector<16xf32>,
      %add3A_687 = arith.addf %scan3A_674, %gather3A_686 : vector<16xf32>
      %add3A_688 = arith.addi %mul3A_681, %broadcast_in_dim3A_7 : vector<16xi32>
      %gather3A_689 = tpu.vector_load_idx %arg6[%add3A_688] : memref<4032xf32, #tpu.memory_space<vmem>>[vector<16xi32>], vector<16xf32>,
      %add3A_690 = arith.addf %scan3A_675, %gather3A_689 : vector<16xf32>
      %add3A_691 = arith.addi %mul3A_681, %broadcast_in_dim3A_9 : vector<16xi32>
      %gather3A_692 = tpu.vector_load_idx %arg6[%add3A_691] : memref<4032xf32, #tpu.memory_space<vmem>>[vector<16xi32>], vector<16xf32>,
      %add3A_693 = arith.addf %scan3A_676, %gather3A_692 : vector<16xf32>
      scf.yield %add3A_684, %add3A_687, %add3A_690, %add3A_693 : vector<16xf32>, vector<16xf32>, vector<16xf32>, vector<16xf32>
    }
    %scan3A_132 = arith.constant 200 : i32
    %mul3A_133 = arith.constant 4 : i32
    %mul3A_134 = vector.broadcast %mul3A_133 : i32 to vector<16xi32>
    %mul3A_135 = arith.muli %add3A_123, %mul3A_134 : vector<16xi32>
    %add3A_136 = arith.addi %mul3A_135, %broadcast_in_dim3A_3 : vector<16xi32>
    tpu.vector_store_idx %arg9[%add3A_136], %scan3A_131#0 : memref<256xf32, #tpu.memory_space<vmem>>[vector<16xi32>], vector<16xf32>,
    %add3A_137 = arith.addi %mul3A_135, %broadcast_in_dim3A_5 : vector<16xi32>
    tpu.vector_store_idx %arg9[%add3A_137], %scan3A_131#1 : memref<256xf32, #tpu.memory_space<vmem>>[vector<16xi32>], vector<16xf32>,
    %add3A_138 = arith.addi %mul3A_135, %broadcast_in_dim3A_7 : vector<16xi32>
    tpu.vector_store_idx %arg9[%add3A_138], %scan3A_131#2 : memref<256xf32, #tpu.memory_space<vmem>>[vector<16xi32>], vector<16xf32>,
    %add3A_139 = arith.addi %mul3A_135, %broadcast_in_dim3A_9 : vector<16xi32>
    tpu.vector_store_idx %arg9[%add3A_139], %scan3A_131#3 : memref<256xf32, #tpu.memory_space<vmem>>[vector<16xi32>], vector<16xf32>,
    %add3A_140 = arith.constant 32 : i32
    %add3A_141 = vector.broadcast %add3A_140 : i32 to vector<16xi32>
    %add3A_142 = arith.addi %add3A_141, %iota3A : vector<16xi32>
    %mul3A_143 = arith.constant 200 : i32
    %mul3A_144 = vector.broadcast %mul3A_143 : i32 to vector<16xi32>
    %mul3A_145 = arith.muli %add3A_142, %mul3A_144 : vector<16xi32>
    %scan3A_146 = arith.constant 0 : i32
    %scan3A_147 = arith.constant 200 : i32
    %scan3A_148 = arith.addi %scan3A_146, %scan3A_147 : i32
    %scan3A_149 = arith.constant 1 : i32
    %scan3A_150:4 = scf.for %scan3A_672 = %scan3A_146 to %scan3A_148 step %scan3A_149 iter_args(%scan3A_673 = %get3A_10, %scan3A_674 = %get3A_12, %scan3A_675 = %get3A_14, %scan3A_676 = %get3A_16) -> (vector<16xf32>, vector<16xf32>, vector<16xf32>, vector<16xf32>)  : i32 {
      %broadcast_in_dim3A_677 = vector.broadcast %scan3A_672 : i32 to vector<16xi32>
      %add3A_678 = arith.addi %mul3A_145, %broadcast_in_dim3A_677 : vector<16xi32>
      %gather3A = tpu.vector_load_idx %arg8[%add3A_678] : memref<12800xi32, #tpu.memory_space<vmem>>[vector<16xi32>], vector<16xi32>,
      %mul3A_679 = arith.constant 4 : i32
      %mul3A_680 = vector.broadcast %mul3A_679 : i32 to vector<16xi32>
      %mul3A_681 = arith.muli %gather3A, %mul3A_680 : vector<16xi32>
      %add3A_682 = arith.addi %mul3A_681, %broadcast_in_dim3A_3 : vector<16xi32>
      %gather3A_683 = tpu.vector_load_idx %arg6[%add3A_682] : memref<4032xf32, #tpu.memory_space<vmem>>[vector<16xi32>], vector<16xf32>,
      %add3A_684 = arith.addf %scan3A_673, %gather3A_683 : vector<16xf32>
      %add3A_685 = arith.addi %mul3A_681, %broadcast_in_dim3A_5 : vector<16xi32>
      %gather3A_686 = tpu.vector_load_idx %arg6[%add3A_685] : memref<4032xf32, #tpu.memory_space<vmem>>[vector<16xi32>], vector<16xf32>,
      %add3A_687 = arith.addf %scan3A_674, %gather3A_686 : vector<16xf32>
      %add3A_688 = arith.addi %mul3A_681, %broadcast_in_dim3A_7 : vector<16xi32>
      %gather3A_689 = tpu.vector_load_idx %arg6[%add3A_688] : memref<4032xf32, #tpu.memory_space<vmem>>[vector<16xi32>], vector<16xf32>,
      %add3A_690 = arith.addf %scan3A_675, %gather3A_689 : vector<16xf32>
      %add3A_691 = arith.addi %mul3A_681, %broadcast_in_dim3A_9 : vector<16xi32>
      %gather3A_692 = tpu.vector_load_idx %arg6[%add3A_691] : memref<4032xf32, #tpu.memory_space<vmem>>[vector<16xi32>], vector<16xf32>,
      %add3A_693 = arith.addf %scan3A_676, %gather3A_692 : vector<16xf32>
      scf.yield %add3A_684, %add3A_687, %add3A_690, %add3A_693 : vector<16xf32>, vector<16xf32>, vector<16xf32>, vector<16xf32>
    }
    %scan3A_151 = arith.constant 200 : i32
    %mul3A_152 = arith.constant 4 : i32
    %mul3A_153 = vector.broadcast %mul3A_152 : i32 to vector<16xi32>
    %mul3A_154 = arith.muli %add3A_142, %mul3A_153 : vector<16xi32>
    %add3A_155 = arith.addi %mul3A_154, %broadcast_in_dim3A_3 : vector<16xi32>
    tpu.vector_store_idx %arg9[%add3A_155], %scan3A_150#0 : memref<256xf32, #tpu.memory_space<vmem>>[vector<16xi32>], vector<16xf32>,
    %add3A_156 = arith.addi %mul3A_154, %broadcast_in_dim3A_5 : vector<16xi32>
    tpu.vector_store_idx %arg9[%add3A_156], %scan3A_150#1 : memref<256xf32, #tpu.memory_space<vmem>>[vector<16xi32>], vector<16xf32>,
    %add3A_157 = arith.addi %mul3A_154, %broadcast_in_dim3A_7 : vector<16xi32>
    tpu.vector_store_idx %arg9[%add3A_157], %scan3A_150#2 : memref<256xf32, #tpu.memory_space<vmem>>[vector<16xi32>], vector<16xf32>,
    %add3A_158 = arith.addi %mul3A_154, %broadcast_in_dim3A_9 : vector<16xi32>
    tpu.vector_store_idx %arg9[%add3A_158], %scan3A_150#3 : memref<256xf32, #tpu.memory_space<vmem>>[vector<16xi32>], vector<16xf32>,
    %add3A_159 = arith.constant 48 : i32
    %add3A_160 = vector.broadcast %add3A_159 : i32 to vector<16xi32>
    %add3A_161 = arith.addi %add3A_160, %iota3A : vector<16xi32>
    %mul3A_162 = arith.constant 200 : i32
    %mul3A_163 = vector.broadcast %mul3A_162 : i32 to vector<16xi32>
    %mul3A_164 = arith.muli %add3A_161, %mul3A_163 : vector<16xi32>
    %scan3A_165 = arith.constant 0 : i32
    %scan3A_166 = arith.constant 200 : i32
    %scan3A_167 = arith.addi %scan3A_165, %scan3A_166 : i32
    %scan3A_168 = arith.constant 1 : i32
    %scan3A_169:4 = scf.for %scan3A_672 = %scan3A_165 to %scan3A_167 step %scan3A_168 iter_args(%scan3A_673 = %get3A_10, %scan3A_674 = %get3A_12, %scan3A_675 = %get3A_14, %scan3A_676 = %get3A_16) -> (vector<16xf32>, vector<16xf32>, vector<16xf32>, vector<16xf32>)  : i32 {
      %broadcast_in_dim3A_677 = vector.broadcast %scan3A_672 : i32 to vector<16xi32>
      %add3A_678 = arith.addi %mul3A_164, %broadcast_in_dim3A_677 : vector<16xi32>
      %gather3A = tpu.vector_load_idx %arg8[%add3A_678] : memref<12800xi32, #tpu.memory_space<vmem>>[vector<16xi32>], vector<16xi32>,
      %mul3A_679 = arith.constant 4 : i32
      %mul3A_680 = vector.broadcast %mul3A_679 : i32 to vector<16xi32>
      %mul3A_681 = arith.muli %gather3A, %mul3A_680 : vector<16xi32>
      %add3A_682 = arith.addi %mul3A_681, %broadcast_in_dim3A_3 : vector<16xi32>
      %gather3A_683 = tpu.vector_load_idx %arg6[%add3A_682] : memref<4032xf32, #tpu.memory_space<vmem>>[vector<16xi32>], vector<16xf32>,
      %add3A_684 = arith.addf %scan3A_673, %gather3A_683 : vector<16xf32>
      %add3A_685 = arith.addi %mul3A_681, %broadcast_in_dim3A_5 : vector<16xi32>
      %gather3A_686 = tpu.vector_load_idx %arg6[%add3A_685] : memref<4032xf32, #tpu.memory_space<vmem>>[vector<16xi32>], vector<16xf32>,
      %add3A_687 = arith.addf %scan3A_674, %gather3A_686 : vector<16xf32>
      %add3A_688 = arith.addi %mul3A_681, %broadcast_in_dim3A_7 : vector<16xi32>
      %gather3A_689 = tpu.vector_load_idx %arg6[%add3A_688] : memref<4032xf32, #tpu.memory_space<vmem>>[vector<16xi32>], vector<16xf32>,
      %add3A_690 = arith.addf %scan3A_675, %gather3A_689 : vector<16xf32>
      %add3A_691 = arith.addi %mul3A_681, %broadcast_in_dim3A_9 : vector<16xi32>
      %gather3A_692 = tpu.vector_load_idx %arg6[%add3A_691] : memref<4032xf32, #tpu.memory_space<vmem>>[vector<16xi32>], vector<16xf32>,
      %add3A_693 = arith.addf %scan3A_676, %gather3A_692 : vector<16xf32>
      scf.yield %add3A_684, %add3A_687, %add3A_690, %add3A_693 : vector<16xf32>, vector<16xf32>, vector<16xf32>, vector<16xf32>
    }
    %scan3A_170 = arith.constant 200 : i32
    %mul3A_171 = arith.constant 4 : i32
    %mul3A_172 = vector.broadcast %mul3A_171 : i32 to vector<16xi32>
    %mul3A_173 = arith.muli %add3A_161, %mul3A_172 : vector<16xi32>
    %add3A_174 = arith.addi %mul3A_173, %broadcast_in_dim3A_3 : vector<16xi32>
    tpu.vector_store_idx %arg9[%add3A_174], %scan3A_169#0 : memref<256xf32, #tpu.memory_space<vmem>>[vector<16xi32>], vector<16xf32>,
    %add3A_175 = arith.addi %mul3A_173, %broadcast_in_dim3A_5 : vector<16xi32>
    tpu.vector_store_idx %arg9[%add3A_175], %scan3A_169#1 : memref<256xf32, #tpu.memory_space<vmem>>[vector<16xi32>], vector<16xf32>,
    %add3A_176 = arith.addi %mul3A_173, %broadcast_in_dim3A_7 : vector<16xi32>
    tpu.vector_store_idx %arg9[%add3A_176], %scan3A_169#2 : memref<256xf32, #tpu.memory_space<vmem>>[vector<16xi32>], vector<16xf32>,
    %add3A_177 = arith.addi %mul3A_173, %broadcast_in_dim3A_9 : vector<16xi32>
    tpu.vector_store_idx %arg9[%add3A_177], %scan3A_169#3 : memref<256xf32, #tpu.memory_space<vmem>>[vector<16xi32>], vector<16xf32>,
    %mul3A_178 = arith.constant 4 : i32
    %mul3A_179 = arith.muli %add3A_99, %mul3A_178 : i32
    "tpu.region"() ({
      %run_scoped3A = tpu.sem_alloc : memref<!tpu.dma_semaphore, #tpu.memory_space<semaphore_mem>>
      %dma_start3A = tpu.memref_slice %arg5[%mul3A_179] : memref<65536xf32, #tpu.memory_space<hbm>> -> memref<256xf32, #tpu.memory_space<hbm>>
      %dma_start3A_672 = tpu.memref_slice %arg5[%mul3A_179] : memref<65536xf32, #tpu.memory_space<hbm>> -> memref<256xf32, #tpu.memory_space<hbm>>
      tpu.enqueue_dma source(%arg9 : memref<256xf32, #tpu.memory_space<vmem>>) target(%dma_start3A_672 : memref<256xf32, #tpu.memory_space<hbm>>) target_semaphore(%run_scoped3A : memref<!tpu.dma_semaphore, #tpu.memory_space<semaphore_mem>>)
      %dma_wait3A = tpu.memref_slice %arg5[%mul3A_179] : memref<65536xf32, #tpu.memory_space<hbm>> -> memref<256xf32, #tpu.memory_space<hbm>>
      %dma_wait3A_673 = tpu.memref_slice %arg5[%mul3A_179] : memref<65536xf32, #tpu.memory_space<hbm>> -> memref<256xf32, #tpu.memory_space<hbm>>
      tpu.wait_dma2 semaphore(%run_scoped3A : memref<!tpu.dma_semaphore, #tpu.memory_space<semaphore_mem>>) src(%arg9 : memref<256xf32, #tpu.memory_space<vmem>>) dst(%dma_wait3A_673 : memref<256xf32, #tpu.memory_space<hbm>>)
      tpu.yield
    }) : () -> ()
    %add3A_180 = arith.constant 128 : i32
    %add3A_181 = arith.addi %mul3A_2, %add3A_180 : i32
    %mul3A_182 = arith.constant 200 : i32
    %mul3A_183 = arith.muli %add3A_181, %mul3A_182 : i32
    "tpu.region"() ({
      %run_scoped3A = tpu.sem_alloc : memref<!tpu.dma_semaphore, #tpu.memory_space<semaphore_mem>>
      %dma_start3A = tpu.memref_slice %arg2[%mul3A_183] : memref<3276800xi32, #tpu.memory_space<hbm>> -> memref<12800xi32, #tpu.memory_space<hbm>>
      %dma_start3A_672 = tpu.memref_slice %arg2[%mul3A_183] : memref<3276800xi32, #tpu.memory_space<hbm>> -> memref<12800xi32, #tpu.memory_space<hbm>>
      tpu.enqueue_dma source(%dma_start3A_672 : memref<12800xi32, #tpu.memory_space<hbm>>) target(%arg8 : memref<12800xi32, #tpu.memory_space<vmem>>) target_semaphore(%run_scoped3A : memref<!tpu.dma_semaphore, #tpu.memory_space<semaphore_mem>>)
      %dma_wait3A = tpu.memref_slice %arg2[%mul3A_183] : memref<3276800xi32, #tpu.memory_space<hbm>> -> memref<12800xi32, #tpu.memory_space<hbm>>
      %dma_wait3A_673 = tpu.memref_slice %arg2[%mul3A_183] : memref<3276800xi32, #tpu.memory_space<hbm>> -> memref<12800xi32, #tpu.memory_space<hbm>>
      tpu.wait_dma2 semaphore(%run_scoped3A : memref<!tpu.dma_semaphore, #tpu.memory_space<semaphore_mem>>) src(%dma_wait3A_673 : memref<12800xi32, #tpu.memory_space<hbm>>) dst(%arg8 : memref<12800xi32, #tpu.memory_space<vmem>>)
      tpu.yield
    }) : () -> ()
    %add3A_184 = arith.constant 0 : i32
    %add3A_185 = vector.broadcast %add3A_184 : i32 to vector<16xi32>
    %add3A_186 = arith.addi %add3A_185, %iota3A : vector<16xi32>
    %mul3A_187 = arith.constant 200 : i32
    %mul3A_188 = vector.broadcast %mul3A_187 : i32 to vector<16xi32>
    %mul3A_189 = arith.muli %add3A_186, %mul3A_188 : vector<16xi32>
    %scan3A_190 = arith.constant 0 : i32
    %scan3A_191 = arith.constant 200 : i32
    %scan3A_192 = arith.addi %scan3A_190, %scan3A_191 : i32
    %scan3A_193 = arith.constant 1 : i32
    %scan3A_194:4 = scf.for %scan3A_672 = %scan3A_190 to %scan3A_192 step %scan3A_193 iter_args(%scan3A_673 = %get3A_10, %scan3A_674 = %get3A_12, %scan3A_675 = %get3A_14, %scan3A_676 = %get3A_16) -> (vector<16xf32>, vector<16xf32>, vector<16xf32>, vector<16xf32>)  : i32 {
      %broadcast_in_dim3A_677 = vector.broadcast %scan3A_672 : i32 to vector<16xi32>
      %add3A_678 = arith.addi %mul3A_189, %broadcast_in_dim3A_677 : vector<16xi32>
      %gather3A = tpu.vector_load_idx %arg8[%add3A_678] : memref<12800xi32, #tpu.memory_space<vmem>>[vector<16xi32>], vector<16xi32>,
      %mul3A_679 = arith.constant 4 : i32
      %mul3A_680 = vector.broadcast %mul3A_679 : i32 to vector<16xi32>
      %mul3A_681 = arith.muli %gather3A, %mul3A_680 : vector<16xi32>
      %add3A_682 = arith.addi %mul3A_681, %broadcast_in_dim3A_3 : vector<16xi32>
      %gather3A_683 = tpu.vector_load_idx %arg6[%add3A_682] : memref<4032xf32, #tpu.memory_space<vmem>>[vector<16xi32>], vector<16xf32>,
      %add3A_684 = arith.addf %scan3A_673, %gather3A_683 : vector<16xf32>
      %add3A_685 = arith.addi %mul3A_681, %broadcast_in_dim3A_5 : vector<16xi32>
      %gather3A_686 = tpu.vector_load_idx %arg6[%add3A_685] : memref<4032xf32, #tpu.memory_space<vmem>>[vector<16xi32>], vector<16xf32>,
      %add3A_687 = arith.addf %scan3A_674, %gather3A_686 : vector<16xf32>
      %add3A_688 = arith.addi %mul3A_681, %broadcast_in_dim3A_7 : vector<16xi32>
      %gather3A_689 = tpu.vector_load_idx %arg6[%add3A_688] : memref<4032xf32, #tpu.memory_space<vmem>>[vector<16xi32>], vector<16xf32>,
      %add3A_690 = arith.addf %scan3A_675, %gather3A_689 : vector<16xf32>
      %add3A_691 = arith.addi %mul3A_681, %broadcast_in_dim3A_9 : vector<16xi32>
      %gather3A_692 = tpu.vector_load_idx %arg6[%add3A_691] : memref<4032xf32, #tpu.memory_space<vmem>>[vector<16xi32>], vector<16xf32>,
      %add3A_693 = arith.addf %scan3A_676, %gather3A_692 : vector<16xf32>
      scf.yield %add3A_684, %add3A_687, %add3A_690, %add3A_693 : vector<16xf32>, vector<16xf32>, vector<16xf32>, vector<16xf32>
    }
    %scan3A_195 = arith.constant 200 : i32
    %mul3A_196 = arith.constant 4 : i32
    %mul3A_197 = vector.broadcast %mul3A_196 : i32 to vector<16xi32>
    %mul3A_198 = arith.muli %add3A_186, %mul3A_197 : vector<16xi32>
    %add3A_199 = arith.addi %mul3A_198, %broadcast_in_dim3A_3 : vector<16xi32>
    tpu.vector_store_idx %arg9[%add3A_199], %scan3A_194#0 : memref<256xf32, #tpu.memory_space<vmem>>[vector<16xi32>], vector<16xf32>,
    %add3A_200 = arith.addi %mul3A_198, %broadcast_in_dim3A_5 : vector<16xi32>
    tpu.vector_store_idx %arg9[%add3A_200], %scan3A_194#1 : memref<256xf32, #tpu.memory_space<vmem>>[vector<16xi32>], vector<16xf32>,
    %add3A_201 = arith.addi %mul3A_198, %broadcast_in_dim3A_7 : vector<16xi32>
    tpu.vector_store_idx %arg9[%add3A_201], %scan3A_194#2 : memref<256xf32, #tpu.memory_space<vmem>>[vector<16xi32>], vector<16xf32>,
    %add3A_202 = arith.addi %mul3A_198, %broadcast_in_dim3A_9 : vector<16xi32>
    tpu.vector_store_idx %arg9[%add3A_202], %scan3A_194#3 : memref<256xf32, #tpu.memory_space<vmem>>[vector<16xi32>], vector<16xf32>,
    %add3A_203 = arith.constant 16 : i32
    %add3A_204 = vector.broadcast %add3A_203 : i32 to vector<16xi32>
    %add3A_205 = arith.addi %add3A_204, %iota3A : vector<16xi32>
    %mul3A_206 = arith.constant 200 : i32
    %mul3A_207 = vector.broadcast %mul3A_206 : i32 to vector<16xi32>
    %mul3A_208 = arith.muli %add3A_205, %mul3A_207 : vector<16xi32>
    %scan3A_209 = arith.constant 0 : i32
    %scan3A_210 = arith.constant 200 : i32
    %scan3A_211 = arith.addi %scan3A_209, %scan3A_210 : i32
    %scan3A_212 = arith.constant 1 : i32
    %scan3A_213:4 = scf.for %scan3A_672 = %scan3A_209 to %scan3A_211 step %scan3A_212 iter_args(%scan3A_673 = %get3A_10, %scan3A_674 = %get3A_12, %scan3A_675 = %get3A_14, %scan3A_676 = %get3A_16) -> (vector<16xf32>, vector<16xf32>, vector<16xf32>, vector<16xf32>)  : i32 {
      %broadcast_in_dim3A_677 = vector.broadcast %scan3A_672 : i32 to vector<16xi32>
      %add3A_678 = arith.addi %mul3A_208, %broadcast_in_dim3A_677 : vector<16xi32>
      %gather3A = tpu.vector_load_idx %arg8[%add3A_678] : memref<12800xi32, #tpu.memory_space<vmem>>[vector<16xi32>], vector<16xi32>,
      %mul3A_679 = arith.constant 4 : i32
      %mul3A_680 = vector.broadcast %mul3A_679 : i32 to vector<16xi32>
      %mul3A_681 = arith.muli %gather3A, %mul3A_680 : vector<16xi32>
      %add3A_682 = arith.addi %mul3A_681, %broadcast_in_dim3A_3 : vector<16xi32>
      %gather3A_683 = tpu.vector_load_idx %arg6[%add3A_682] : memref<4032xf32, #tpu.memory_space<vmem>>[vector<16xi32>], vector<16xf32>,
      %add3A_684 = arith.addf %scan3A_673, %gather3A_683 : vector<16xf32>
      %add3A_685 = arith.addi %mul3A_681, %broadcast_in_dim3A_5 : vector<16xi32>
      %gather3A_686 = tpu.vector_load_idx %arg6[%add3A_685] : memref<4032xf32, #tpu.memory_space<vmem>>[vector<16xi32>], vector<16xf32>,
      %add3A_687 = arith.addf %scan3A_674, %gather3A_686 : vector<16xf32>
      %add3A_688 = arith.addi %mul3A_681, %broadcast_in_dim3A_7 : vector<16xi32>
      %gather3A_689 = tpu.vector_load_idx %arg6[%add3A_688] : memref<4032xf32, #tpu.memory_space<vmem>>[vector<16xi32>], vector<16xf32>,
      %add3A_690 = arith.addf %scan3A_675, %gather3A_689 : vector<16xf32>
      %add3A_691 = arith.addi %mul3A_681, %broadcast_in_dim3A_9 : vector<16xi32>
      %gather3A_692 = tpu.vector_load_idx %arg6[%add3A_691] : memref<4032xf32, #tpu.memory_space<vmem>>[vector<16xi32>], vector<16xf32>,
      %add3A_693 = arith.addf %scan3A_676, %gather3A_692 : vector<16xf32>
      scf.yield %add3A_684, %add3A_687, %add3A_690, %add3A_693 : vector<16xf32>, vector<16xf32>, vector<16xf32>, vector<16xf32>
    }
    %scan3A_214 = arith.constant 200 : i32
    %mul3A_215 = arith.constant 4 : i32
    %mul3A_216 = vector.broadcast %mul3A_215 : i32 to vector<16xi32>
    %mul3A_217 = arith.muli %add3A_205, %mul3A_216 : vector<16xi32>
    %add3A_218 = arith.addi %mul3A_217, %broadcast_in_dim3A_3 : vector<16xi32>
    tpu.vector_store_idx %arg9[%add3A_218], %scan3A_213#0 : memref<256xf32, #tpu.memory_space<vmem>>[vector<16xi32>], vector<16xf32>,
    %add3A_219 = arith.addi %mul3A_217, %broadcast_in_dim3A_5 : vector<16xi32>
    tpu.vector_store_idx %arg9[%add3A_219], %scan3A_213#1 : memref<256xf32, #tpu.memory_space<vmem>>[vector<16xi32>], vector<16xf32>,
    %add3A_220 = arith.addi %mul3A_217, %broadcast_in_dim3A_7 : vector<16xi32>
    tpu.vector_store_idx %arg9[%add3A_220], %scan3A_213#2 : memref<256xf32, #tpu.memory_space<vmem>>[vector<16xi32>], vector<16xf32>,
    %add3A_221 = arith.addi %mul3A_217, %broadcast_in_dim3A_9 : vector<16xi32>
    tpu.vector_store_idx %arg9[%add3A_221], %scan3A_213#3 : memref<256xf32, #tpu.memory_space<vmem>>[vector<16xi32>], vector<16xf32>,
    %add3A_222 = arith.constant 32 : i32
    %add3A_223 = vector.broadcast %add3A_222 : i32 to vector<16xi32>
    %add3A_224 = arith.addi %add3A_223, %iota3A : vector<16xi32>
    %mul3A_225 = arith.constant 200 : i32
    %mul3A_226 = vector.broadcast %mul3A_225 : i32 to vector<16xi32>
    %mul3A_227 = arith.muli %add3A_224, %mul3A_226 : vector<16xi32>
    %scan3A_228 = arith.constant 0 : i32
    %scan3A_229 = arith.constant 200 : i32
    %scan3A_230 = arith.addi %scan3A_228, %scan3A_229 : i32
    %scan3A_231 = arith.constant 1 : i32
    %scan3A_232:4 = scf.for %scan3A_672 = %scan3A_228 to %scan3A_230 step %scan3A_231 iter_args(%scan3A_673 = %get3A_10, %scan3A_674 = %get3A_12, %scan3A_675 = %get3A_14, %scan3A_676 = %get3A_16) -> (vector<16xf32>, vector<16xf32>, vector<16xf32>, vector<16xf32>)  : i32 {
      %broadcast_in_dim3A_677 = vector.broadcast %scan3A_672 : i32 to vector<16xi32>
      %add3A_678 = arith.addi %mul3A_227, %broadcast_in_dim3A_677 : vector<16xi32>
      %gather3A = tpu.vector_load_idx %arg8[%add3A_678] : memref<12800xi32, #tpu.memory_space<vmem>>[vector<16xi32>], vector<16xi32>,
      %mul3A_679 = arith.constant 4 : i32
      %mul3A_680 = vector.broadcast %mul3A_679 : i32 to vector<16xi32>
      %mul3A_681 = arith.muli %gather3A, %mul3A_680 : vector<16xi32>
      %add3A_682 = arith.addi %mul3A_681, %broadcast_in_dim3A_3 : vector<16xi32>
      %gather3A_683 = tpu.vector_load_idx %arg6[%add3A_682] : memref<4032xf32, #tpu.memory_space<vmem>>[vector<16xi32>], vector<16xf32>,
      %add3A_684 = arith.addf %scan3A_673, %gather3A_683 : vector<16xf32>
      %add3A_685 = arith.addi %mul3A_681, %broadcast_in_dim3A_5 : vector<16xi32>
      %gather3A_686 = tpu.vector_load_idx %arg6[%add3A_685] : memref<4032xf32, #tpu.memory_space<vmem>>[vector<16xi32>], vector<16xf32>,
      %add3A_687 = arith.addf %scan3A_674, %gather3A_686 : vector<16xf32>
      %add3A_688 = arith.addi %mul3A_681, %broadcast_in_dim3A_7 : vector<16xi32>
      %gather3A_689 = tpu.vector_load_idx %arg6[%add3A_688] : memref<4032xf32, #tpu.memory_space<vmem>>[vector<16xi32>], vector<16xf32>,
      %add3A_690 = arith.addf %scan3A_675, %gather3A_689 : vector<16xf32>
      %add3A_691 = arith.addi %mul3A_681, %broadcast_in_dim3A_9 : vector<16xi32>
      %gather3A_692 = tpu.vector_load_idx %arg6[%add3A_691] : memref<4032xf32, #tpu.memory_space<vmem>>[vector<16xi32>], vector<16xf32>,
      %add3A_693 = arith.addf %scan3A_676, %gather3A_692 : vector<16xf32>
      scf.yield %add3A_684, %add3A_687, %add3A_690, %add3A_693 : vector<16xf32>, vector<16xf32>, vector<16xf32>, vector<16xf32>
    }
    %scan3A_233 = arith.constant 200 : i32
    %mul3A_234 = arith.constant 4 : i32
    %mul3A_235 = vector.broadcast %mul3A_234 : i32 to vector<16xi32>
    %mul3A_236 = arith.muli %add3A_224, %mul3A_235 : vector<16xi32>
    %add3A_237 = arith.addi %mul3A_236, %broadcast_in_dim3A_3 : vector<16xi32>
    tpu.vector_store_idx %arg9[%add3A_237], %scan3A_232#0 : memref<256xf32, #tpu.memory_space<vmem>>[vector<16xi32>], vector<16xf32>,
    %add3A_238 = arith.addi %mul3A_236, %broadcast_in_dim3A_5 : vector<16xi32>
    tpu.vector_store_idx %arg9[%add3A_238], %scan3A_232#1 : memref<256xf32, #tpu.memory_space<vmem>>[vector<16xi32>], vector<16xf32>,
    %add3A_239 = arith.addi %mul3A_236, %broadcast_in_dim3A_7 : vector<16xi32>
    tpu.vector_store_idx %arg9[%add3A_239], %scan3A_232#2 : memref<256xf32, #tpu.memory_space<vmem>>[vector<16xi32>], vector<16xf32>,
    %add3A_240 = arith.addi %mul3A_236, %broadcast_in_dim3A_9 : vector<16xi32>
    tpu.vector_store_idx %arg9[%add3A_240], %scan3A_232#3 : memref<256xf32, #tpu.memory_space<vmem>>[vector<16xi32>], vector<16xf32>,
    %add3A_241 = arith.constant 48 : i32
    %add3A_242 = vector.broadcast %add3A_241 : i32 to vector<16xi32>
    %add3A_243 = arith.addi %add3A_242, %iota3A : vector<16xi32>
    %mul3A_244 = arith.constant 200 : i32
    %mul3A_245 = vector.broadcast %mul3A_244 : i32 to vector<16xi32>
    %mul3A_246 = arith.muli %add3A_243, %mul3A_245 : vector<16xi32>
    %scan3A_247 = arith.constant 0 : i32
    %scan3A_248 = arith.constant 200 : i32
    %scan3A_249 = arith.addi %scan3A_247, %scan3A_248 : i32
    %scan3A_250 = arith.constant 1 : i32
    %scan3A_251:4 = scf.for %scan3A_672 = %scan3A_247 to %scan3A_249 step %scan3A_250 iter_args(%scan3A_673 = %get3A_10, %scan3A_674 = %get3A_12, %scan3A_675 = %get3A_14, %scan3A_676 = %get3A_16) -> (vector<16xf32>, vector<16xf32>, vector<16xf32>, vector<16xf32>)  : i32 {
      %broadcast_in_dim3A_677 = vector.broadcast %scan3A_672 : i32 to vector<16xi32>
      %add3A_678 = arith.addi %mul3A_246, %broadcast_in_dim3A_677 : vector<16xi32>
      %gather3A = tpu.vector_load_idx %arg8[%add3A_678] : memref<12800xi32, #tpu.memory_space<vmem>>[vector<16xi32>], vector<16xi32>,
      %mul3A_679 = arith.constant 4 : i32
      %mul3A_680 = vector.broadcast %mul3A_679 : i32 to vector<16xi32>
      %mul3A_681 = arith.muli %gather3A, %mul3A_680 : vector<16xi32>
      %add3A_682 = arith.addi %mul3A_681, %broadcast_in_dim3A_3 : vector<16xi32>
      %gather3A_683 = tpu.vector_load_idx %arg6[%add3A_682] : memref<4032xf32, #tpu.memory_space<vmem>>[vector<16xi32>], vector<16xf32>,
      %add3A_684 = arith.addf %scan3A_673, %gather3A_683 : vector<16xf32>
      %add3A_685 = arith.addi %mul3A_681, %broadcast_in_dim3A_5 : vector<16xi32>
      %gather3A_686 = tpu.vector_load_idx %arg6[%add3A_685] : memref<4032xf32, #tpu.memory_space<vmem>>[vector<16xi32>], vector<16xf32>,
      %add3A_687 = arith.addf %scan3A_674, %gather3A_686 : vector<16xf32>
      %add3A_688 = arith.addi %mul3A_681, %broadcast_in_dim3A_7 : vector<16xi32>
      %gather3A_689 = tpu.vector_load_idx %arg6[%add3A_688] : memref<4032xf32, #tpu.memory_space<vmem>>[vector<16xi32>], vector<16xf32>,
      %add3A_690 = arith.addf %scan3A_675, %gather3A_689 : vector<16xf32>
      %add3A_691 = arith.addi %mul3A_681, %broadcast_in_dim3A_9 : vector<16xi32>
      %gather3A_692 = tpu.vector_load_idx %arg6[%add3A_691] : memref<4032xf32, #tpu.memory_space<vmem>>[vector<16xi32>], vector<16xf32>,
      %add3A_693 = arith.addf %scan3A_676, %gather3A_692 : vector<16xf32>
      scf.yield %add3A_684, %add3A_687, %add3A_690, %add3A_693 : vector<16xf32>, vector<16xf32>, vector<16xf32>, vector<16xf32>
    }
    %scan3A_252 = arith.constant 200 : i32
    %mul3A_253 = arith.constant 4 : i32
    %mul3A_254 = vector.broadcast %mul3A_253 : i32 to vector<16xi32>
    %mul3A_255 = arith.muli %add3A_243, %mul3A_254 : vector<16xi32>
    %add3A_256 = arith.addi %mul3A_255, %broadcast_in_dim3A_3 : vector<16xi32>
    tpu.vector_store_idx %arg9[%add3A_256], %scan3A_251#0 : memref<256xf32, #tpu.memory_space<vmem>>[vector<16xi32>], vector<16xf32>,
    %add3A_257 = arith.addi %mul3A_255, %broadcast_in_dim3A_5 : vector<16xi32>
    tpu.vector_store_idx %arg9[%add3A_257], %scan3A_251#1 : memref<256xf32, #tpu.memory_space<vmem>>[vector<16xi32>], vector<16xf32>,
    %add3A_258 = arith.addi %mul3A_255, %broadcast_in_dim3A_7 : vector<16xi32>
    tpu.vector_store_idx %arg9[%add3A_258], %scan3A_251#2 : memref<256xf32, #tpu.memory_space<vmem>>[vector<16xi32>], vector<16xf32>,
    %add3A_259 = arith.addi %mul3A_255, %broadcast_in_dim3A_9 : vector<16xi32>
    tpu.vector_store_idx %arg9[%add3A_259], %scan3A_251#3 : memref<256xf32, #tpu.memory_space<vmem>>[vector<16xi32>], vector<16xf32>,
    %mul3A_260 = arith.constant 4 : i32
    %mul3A_261 = arith.muli %add3A_181, %mul3A_260 : i32
    "tpu.region"() ({
      %run_scoped3A = tpu.sem_alloc : memref<!tpu.dma_semaphore, #tpu.memory_space<semaphore_mem>>
      %dma_start3A = tpu.memref_slice %arg5[%mul3A_261] : memref<65536xf32, #tpu.memory_space<hbm>> -> memref<256xf32, #tpu.memory_space<hbm>>
      %dma_start3A_672 = tpu.memref_slice %arg5[%mul3A_261] : memref<65536xf32, #tpu.memory_space<hbm>> -> memref<256xf32, #tpu.memory_space<hbm>>
      tpu.enqueue_dma source(%arg9 : memref<256xf32, #tpu.memory_space<vmem>>) target(%dma_start3A_672 : memref<256xf32, #tpu.memory_space<hbm>>) target_semaphore(%run_scoped3A : memref<!tpu.dma_semaphore, #tpu.memory_space<semaphore_mem>>)
      %dma_wait3A = tpu.memref_slice %arg5[%mul3A_261] : memref<65536xf32, #tpu.memory_space<hbm>> -> memref<256xf32, #tpu.memory_space<hbm>>
      %dma_wait3A_673 = tpu.memref_slice %arg5[%mul3A_261] : memref<65536xf32, #tpu.memory_space<hbm>> -> memref<256xf32, #tpu.memory_space<hbm>>
      tpu.wait_dma2 semaphore(%run_scoped3A : memref<!tpu.dma_semaphore, #tpu.memory_space<semaphore_mem>>) src(%arg9 : memref<256xf32, #tpu.memory_space<vmem>>) dst(%dma_wait3A_673 : memref<256xf32, #tpu.memory_space<hbm>>)
      tpu.yield
    }) : () -> ()
    %add3A_262 = arith.constant 192 : i32
    %add3A_263 = arith.addi %mul3A_2, %add3A_262 : i32
    %mul3A_264 = arith.constant 200 : i32
    %mul3A_265 = arith.muli %add3A_263, %mul3A_264 : i32
    "tpu.region"() ({
      %run_scoped3A = tpu.sem_alloc : memref<!tpu.dma_semaphore, #tpu.memory_space<semaphore_mem>>
      %dma_start3A = tpu.memref_slice %arg2[%mul3A_265] : memref<3276800xi32, #tpu.memory_space<hbm>> -> memref<12800xi32, #tpu.memory_space<hbm>>
      %dma_start3A_672 = tpu.memref_slice %arg2[%mul3A_265] : memref<3276800xi32, #tpu.memory_space<hbm>> -> memref<12800xi32, #tpu.memory_space<hbm>>
      tpu.enqueue_dma source(%dma_start3A_672 : memref<12800xi32, #tpu.memory_space<hbm>>) target(%arg8 : memref<12800xi32, #tpu.memory_space<vmem>>) target_semaphore(%run_scoped3A : memref<!tpu.dma_semaphore, #tpu.memory_space<semaphore_mem>>)
      %dma_wait3A = tpu.memref_slice %arg2[%mul3A_265] : memref<3276800xi32, #tpu.memory_space<hbm>> -> memref<12800xi32, #tpu.memory_space<hbm>>
      %dma_wait3A_673 = tpu.memref_slice %arg2[%mul3A_265] : memref<3276800xi32, #tpu.memory_space<hbm>> -> memref<12800xi32, #tpu.memory_space<hbm>>
      tpu.wait_dma2 semaphore(%run_scoped3A : memref<!tpu.dma_semaphore, #tpu.memory_space<semaphore_mem>>) src(%dma_wait3A_673 : memref<12800xi32, #tpu.memory_space<hbm>>) dst(%arg8 : memref<12800xi32, #tpu.memory_space<vmem>>)
      tpu.yield
    }) : () -> ()
    %add3A_266 = arith.constant 0 : i32
    %add3A_267 = vector.broadcast %add3A_266 : i32 to vector<16xi32>
    %add3A_268 = arith.addi %add3A_267, %iota3A : vector<16xi32>
    %mul3A_269 = arith.constant 200 : i32
    %mul3A_270 = vector.broadcast %mul3A_269 : i32 to vector<16xi32>
    %mul3A_271 = arith.muli %add3A_268, %mul3A_270 : vector<16xi32>
    %scan3A_272 = arith.constant 0 : i32
    %scan3A_273 = arith.constant 200 : i32
    %scan3A_274 = arith.addi %scan3A_272, %scan3A_273 : i32
    %scan3A_275 = arith.constant 1 : i32
    %scan3A_276:4 = scf.for %scan3A_672 = %scan3A_272 to %scan3A_274 step %scan3A_275 iter_args(%scan3A_673 = %get3A_10, %scan3A_674 = %get3A_12, %scan3A_675 = %get3A_14, %scan3A_676 = %get3A_16) -> (vector<16xf32>, vector<16xf32>, vector<16xf32>, vector<16xf32>)  : i32 {
      %broadcast_in_dim3A_677 = vector.broadcast %scan3A_672 : i32 to vector<16xi32>
      %add3A_678 = arith.addi %mul3A_271, %broadcast_in_dim3A_677 : vector<16xi32>
      %gather3A = tpu.vector_load_idx %arg8[%add3A_678] : memref<12800xi32, #tpu.memory_space<vmem>>[vector<16xi32>], vector<16xi32>,
      %mul3A_679 = arith.constant 4 : i32
      %mul3A_680 = vector.broadcast %mul3A_679 : i32 to vector<16xi32>
      %mul3A_681 = arith.muli %gather3A, %mul3A_680 : vector<16xi32>
      %add3A_682 = arith.addi %mul3A_681, %broadcast_in_dim3A_3 : vector<16xi32>
      %gather3A_683 = tpu.vector_load_idx %arg6[%add3A_682] : memref<4032xf32, #tpu.memory_space<vmem>>[vector<16xi32>], vector<16xf32>,
      %add3A_684 = arith.addf %scan3A_673, %gather3A_683 : vector<16xf32>
      %add3A_685 = arith.addi %mul3A_681, %broadcast_in_dim3A_5 : vector<16xi32>
      %gather3A_686 = tpu.vector_load_idx %arg6[%add3A_685] : memref<4032xf32, #tpu.memory_space<vmem>>[vector<16xi32>], vector<16xf32>,
      %add3A_687 = arith.addf %scan3A_674, %gather3A_686 : vector<16xf32>
      %add3A_688 = arith.addi %mul3A_681, %broadcast_in_dim3A_7 : vector<16xi32>
      %gather3A_689 = tpu.vector_load_idx %arg6[%add3A_688] : memref<4032xf32, #tpu.memory_space<vmem>>[vector<16xi32>], vector<16xf32>,
      %add3A_690 = arith.addf %scan3A_675, %gather3A_689 : vector<16xf32>
      %add3A_691 = arith.addi %mul3A_681, %broadcast_in_dim3A_9 : vector<16xi32>
      %gather3A_692 = tpu.vector_load_idx %arg6[%add3A_691] : memref<4032xf32, #tpu.memory_space<vmem>>[vector<16xi32>], vector<16xf32>,
      %add3A_693 = arith.addf %scan3A_676, %gather3A_692 : vector<16xf32>
      scf.yield %add3A_684, %add3A_687, %add3A_690, %add3A_693 : vector<16xf32>, vector<16xf32>, vector<16xf32>, vector<16xf32>
    }
    %scan3A_277 = arith.constant 200 : i32
    %mul3A_278 = arith.constant 4 : i32
    %mul3A_279 = vector.broadcast %mul3A_278 : i32 to vector<16xi32>
    %mul3A_280 = arith.muli %add3A_268, %mul3A_279 : vector<16xi32>
    %add3A_281 = arith.addi %mul3A_280, %broadcast_in_dim3A_3 : vector<16xi32>
    tpu.vector_store_idx %arg9[%add3A_281], %scan3A_276#0 : memref<256xf32, #tpu.memory_space<vmem>>[vector<16xi32>], vector<16xf32>,
    %add3A_282 = arith.addi %mul3A_280, %broadcast_in_dim3A_5 : vector<16xi32>
    tpu.vector_store_idx %arg9[%add3A_282], %scan3A_276#1 : memref<256xf32, #tpu.memory_space<vmem>>[vector<16xi32>], vector<16xf32>,
    %add3A_283 = arith.addi %mul3A_280, %broadcast_in_dim3A_7 : vector<16xi32>
    tpu.vector_store_idx %arg9[%add3A_283], %scan3A_276#2 : memref<256xf32, #tpu.memory_space<vmem>>[vector<16xi32>], vector<16xf32>,
    %add3A_284 = arith.addi %mul3A_280, %broadcast_in_dim3A_9 : vector<16xi32>
    tpu.vector_store_idx %arg9[%add3A_284], %scan3A_276#3 : memref<256xf32, #tpu.memory_space<vmem>>[vector<16xi32>], vector<16xf32>,
    %add3A_285 = arith.constant 16 : i32
    %add3A_286 = vector.broadcast %add3A_285 : i32 to vector<16xi32>
    %add3A_287 = arith.addi %add3A_286, %iota3A : vector<16xi32>
    %mul3A_288 = arith.constant 200 : i32
    %mul3A_289 = vector.broadcast %mul3A_288 : i32 to vector<16xi32>
    %mul3A_290 = arith.muli %add3A_287, %mul3A_289 : vector<16xi32>
    %scan3A_291 = arith.constant 0 : i32
    %scan3A_292 = arith.constant 200 : i32
    %scan3A_293 = arith.addi %scan3A_291, %scan3A_292 : i32
    %scan3A_294 = arith.constant 1 : i32
    %scan3A_295:4 = scf.for %scan3A_672 = %scan3A_291 to %scan3A_293 step %scan3A_294 iter_args(%scan3A_673 = %get3A_10, %scan3A_674 = %get3A_12, %scan3A_675 = %get3A_14, %scan3A_676 = %get3A_16) -> (vector<16xf32>, vector<16xf32>, vector<16xf32>, vector<16xf32>)  : i32 {
      %broadcast_in_dim3A_677 = vector.broadcast %scan3A_672 : i32 to vector<16xi32>
      %add3A_678 = arith.addi %mul3A_290, %broadcast_in_dim3A_677 : vector<16xi32>
      %gather3A = tpu.vector_load_idx %arg8[%add3A_678] : memref<12800xi32, #tpu.memory_space<vmem>>[vector<16xi32>], vector<16xi32>,
      %mul3A_679 = arith.constant 4 : i32
      %mul3A_680 = vector.broadcast %mul3A_679 : i32 to vector<16xi32>
      %mul3A_681 = arith.muli %gather3A, %mul3A_680 : vector<16xi32>
      %add3A_682 = arith.addi %mul3A_681, %broadcast_in_dim3A_3 : vector<16xi32>
      %gather3A_683 = tpu.vector_load_idx %arg6[%add3A_682] : memref<4032xf32, #tpu.memory_space<vmem>>[vector<16xi32>], vector<16xf32>,
      %add3A_684 = arith.addf %scan3A_673, %gather3A_683 : vector<16xf32>
      %add3A_685 = arith.addi %mul3A_681, %broadcast_in_dim3A_5 : vector<16xi32>
      %gather3A_686 = tpu.vector_load_idx %arg6[%add3A_685] : memref<4032xf32, #tpu.memory_space<vmem>>[vector<16xi32>], vector<16xf32>,
      %add3A_687 = arith.addf %scan3A_674, %gather3A_686 : vector<16xf32>
      %add3A_688 = arith.addi %mul3A_681, %broadcast_in_dim3A_7 : vector<16xi32>
      %gather3A_689 = tpu.vector_load_idx %arg6[%add3A_688] : memref<4032xf32, #tpu.memory_space<vmem>>[vector<16xi32>], vector<16xf32>,
      %add3A_690 = arith.addf %scan3A_675, %gather3A_689 : vector<16xf32>
      %add3A_691 = arith.addi %mul3A_681, %broadcast_in_dim3A_9 : vector<16xi32>
      %gather3A_692 = tpu.vector_load_idx %arg6[%add3A_691] : memref<4032xf32, #tpu.memory_space<vmem>>[vector<16xi32>], vector<16xf32>,
      %add3A_693 = arith.addf %scan3A_676, %gather3A_692 : vector<16xf32>
      scf.yield %add3A_684, %add3A_687, %add3A_690, %add3A_693 : vector<16xf32>, vector<16xf32>, vector<16xf32>, vector<16xf32>
    }
    %scan3A_296 = arith.constant 200 : i32
    %mul3A_297 = arith.constant 4 : i32
    %mul3A_298 = vector.broadcast %mul3A_297 : i32 to vector<16xi32>
    %mul3A_299 = arith.muli %add3A_287, %mul3A_298 : vector<16xi32>
    %add3A_300 = arith.addi %mul3A_299, %broadcast_in_dim3A_3 : vector<16xi32>
    tpu.vector_store_idx %arg9[%add3A_300], %scan3A_295#0 : memref<256xf32, #tpu.memory_space<vmem>>[vector<16xi32>], vector<16xf32>,
    %add3A_301 = arith.addi %mul3A_299, %broadcast_in_dim3A_5 : vector<16xi32>
    tpu.vector_store_idx %arg9[%add3A_301], %scan3A_295#1 : memref<256xf32, #tpu.memory_space<vmem>>[vector<16xi32>], vector<16xf32>,
    %add3A_302 = arith.addi %mul3A_299, %broadcast_in_dim3A_7 : vector<16xi32>
    tpu.vector_store_idx %arg9[%add3A_302], %scan3A_295#2 : memref<256xf32, #tpu.memory_space<vmem>>[vector<16xi32>], vector<16xf32>,
    %add3A_303 = arith.addi %mul3A_299, %broadcast_in_dim3A_9 : vector<16xi32>
    tpu.vector_store_idx %arg9[%add3A_303], %scan3A_295#3 : memref<256xf32, #tpu.memory_space<vmem>>[vector<16xi32>], vector<16xf32>,
    %add3A_304 = arith.constant 32 : i32
    %add3A_305 = vector.broadcast %add3A_304 : i32 to vector<16xi32>
    %add3A_306 = arith.addi %add3A_305, %iota3A : vector<16xi32>
    %mul3A_307 = arith.constant 200 : i32
    %mul3A_308 = vector.broadcast %mul3A_307 : i32 to vector<16xi32>
    %mul3A_309 = arith.muli %add3A_306, %mul3A_308 : vector<16xi32>
    %scan3A_310 = arith.constant 0 : i32
    %scan3A_311 = arith.constant 200 : i32
    %scan3A_312 = arith.addi %scan3A_310, %scan3A_311 : i32
    %scan3A_313 = arith.constant 1 : i32
    %scan3A_314:4 = scf.for %scan3A_672 = %scan3A_310 to %scan3A_312 step %scan3A_313 iter_args(%scan3A_673 = %get3A_10, %scan3A_674 = %get3A_12, %scan3A_675 = %get3A_14, %scan3A_676 = %get3A_16) -> (vector<16xf32>, vector<16xf32>, vector<16xf32>, vector<16xf32>)  : i32 {
      %broadcast_in_dim3A_677 = vector.broadcast %scan3A_672 : i32 to vector<16xi32>
      %add3A_678 = arith.addi %mul3A_309, %broadcast_in_dim3A_677 : vector<16xi32>
      %gather3A = tpu.vector_load_idx %arg8[%add3A_678] : memref<12800xi32, #tpu.memory_space<vmem>>[vector<16xi32>], vector<16xi32>,
      %mul3A_679 = arith.constant 4 : i32
      %mul3A_680 = vector.broadcast %mul3A_679 : i32 to vector<16xi32>
      %mul3A_681 = arith.muli %gather3A, %mul3A_680 : vector<16xi32>
      %add3A_682 = arith.addi %mul3A_681, %broadcast_in_dim3A_3 : vector<16xi32>
      %gather3A_683 = tpu.vector_load_idx %arg6[%add3A_682] : memref<4032xf32, #tpu.memory_space<vmem>>[vector<16xi32>], vector<16xf32>,
      %add3A_684 = arith.addf %scan3A_673, %gather3A_683 : vector<16xf32>
      %add3A_685 = arith.addi %mul3A_681, %broadcast_in_dim3A_5 : vector<16xi32>
      %gather3A_686 = tpu.vector_load_idx %arg6[%add3A_685] : memref<4032xf32, #tpu.memory_space<vmem>>[vector<16xi32>], vector<16xf32>,
      %add3A_687 = arith.addf %scan3A_674, %gather3A_686 : vector<16xf32>
      %add3A_688 = arith.addi %mul3A_681, %broadcast_in_dim3A_7 : vector<16xi32>
      %gather3A_689 = tpu.vector_load_idx %arg6[%add3A_688] : memref<4032xf32, #tpu.memory_space<vmem>>[vector<16xi32>], vector<16xf32>,
      %add3A_690 = arith.addf %scan3A_675, %gather3A_689 : vector<16xf32>
      %add3A_691 = arith.addi %mul3A_681, %broadcast_in_dim3A_9 : vector<16xi32>
      %gather3A_692 = tpu.vector_load_idx %arg6[%add3A_691] : memref<4032xf32, #tpu.memory_space<vmem>>[vector<16xi32>], vector<16xf32>,
      %add3A_693 = arith.addf %scan3A_676, %gather3A_692 : vector<16xf32>
      scf.yield %add3A_684, %add3A_687, %add3A_690, %add3A_693 : vector<16xf32>, vector<16xf32>, vector<16xf32>, vector<16xf32>
    }
    %scan3A_315 = arith.constant 200 : i32
    %mul3A_316 = arith.constant 4 : i32
    %mul3A_317 = vector.broadcast %mul3A_316 : i32 to vector<16xi32>
    %mul3A_318 = arith.muli %add3A_306, %mul3A_317 : vector<16xi32>
    %add3A_319 = arith.addi %mul3A_318, %broadcast_in_dim3A_3 : vector<16xi32>
    tpu.vector_store_idx %arg9[%add3A_319], %scan3A_314#0 : memref<256xf32, #tpu.memory_space<vmem>>[vector<16xi32>], vector<16xf32>,
    %add3A_320 = arith.addi %mul3A_318, %broadcast_in_dim3A_5 : vector<16xi32>
    tpu.vector_store_idx %arg9[%add3A_320], %scan3A_314#1 : memref<256xf32, #tpu.memory_space<vmem>>[vector<16xi32>], vector<16xf32>,
    %add3A_321 = arith.addi %mul3A_318, %broadcast_in_dim3A_7 : vector<16xi32>
    tpu.vector_store_idx %arg9[%add3A_321], %scan3A_314#2 : memref<256xf32, #tpu.memory_space<vmem>>[vector<16xi32>], vector<16xf32>,
    %add3A_322 = arith.addi %mul3A_318, %broadcast_in_dim3A_9 : vector<16xi32>
    tpu.vector_store_idx %arg9[%add3A_322], %scan3A_314#3 : memref<256xf32, #tpu.memory_space<vmem>>[vector<16xi32>], vector<16xf32>,
    %add3A_323 = arith.constant 48 : i32
    %add3A_324 = vector.broadcast %add3A_323 : i32 to vector<16xi32>
    %add3A_325 = arith.addi %add3A_324, %iota3A : vector<16xi32>
    %mul3A_326 = arith.constant 200 : i32
    %mul3A_327 = vector.broadcast %mul3A_326 : i32 to vector<16xi32>
    %mul3A_328 = arith.muli %add3A_325, %mul3A_327 : vector<16xi32>
    %scan3A_329 = arith.constant 0 : i32
    %scan3A_330 = arith.constant 200 : i32
    %scan3A_331 = arith.addi %scan3A_329, %scan3A_330 : i32
    %scan3A_332 = arith.constant 1 : i32
    %scan3A_333:4 = scf.for %scan3A_672 = %scan3A_329 to %scan3A_331 step %scan3A_332 iter_args(%scan3A_673 = %get3A_10, %scan3A_674 = %get3A_12, %scan3A_675 = %get3A_14, %scan3A_676 = %get3A_16) -> (vector<16xf32>, vector<16xf32>, vector<16xf32>, vector<16xf32>)  : i32 {
      %broadcast_in_dim3A_677 = vector.broadcast %scan3A_672 : i32 to vector<16xi32>
      %add3A_678 = arith.addi %mul3A_328, %broadcast_in_dim3A_677 : vector<16xi32>
      %gather3A = tpu.vector_load_idx %arg8[%add3A_678] : memref<12800xi32, #tpu.memory_space<vmem>>[vector<16xi32>], vector<16xi32>,
      %mul3A_679 = arith.constant 4 : i32
      %mul3A_680 = vector.broadcast %mul3A_679 : i32 to vector<16xi32>
      %mul3A_681 = arith.muli %gather3A, %mul3A_680 : vector<16xi32>
      %add3A_682 = arith.addi %mul3A_681, %broadcast_in_dim3A_3 : vector<16xi32>
      %gather3A_683 = tpu.vector_load_idx %arg6[%add3A_682] : memref<4032xf32, #tpu.memory_space<vmem>>[vector<16xi32>], vector<16xf32>,
      %add3A_684 = arith.addf %scan3A_673, %gather3A_683 : vector<16xf32>
      %add3A_685 = arith.addi %mul3A_681, %broadcast_in_dim3A_5 : vector<16xi32>
      %gather3A_686 = tpu.vector_load_idx %arg6[%add3A_685] : memref<4032xf32, #tpu.memory_space<vmem>>[vector<16xi32>], vector<16xf32>,
      %add3A_687 = arith.addf %scan3A_674, %gather3A_686 : vector<16xf32>
      %add3A_688 = arith.addi %mul3A_681, %broadcast_in_dim3A_7 : vector<16xi32>
      %gather3A_689 = tpu.vector_load_idx %arg6[%add3A_688] : memref<4032xf32, #tpu.memory_space<vmem>>[vector<16xi32>], vector<16xf32>,
      %add3A_690 = arith.addf %scan3A_675, %gather3A_689 : vector<16xf32>
      %add3A_691 = arith.addi %mul3A_681, %broadcast_in_dim3A_9 : vector<16xi32>
      %gather3A_692 = tpu.vector_load_idx %arg6[%add3A_691] : memref<4032xf32, #tpu.memory_space<vmem>>[vector<16xi32>], vector<16xf32>,
      %add3A_693 = arith.addf %scan3A_676, %gather3A_692 : vector<16xf32>
      scf.yield %add3A_684, %add3A_687, %add3A_690, %add3A_693 : vector<16xf32>, vector<16xf32>, vector<16xf32>, vector<16xf32>
    }
    %scan3A_334 = arith.constant 200 : i32
    %mul3A_335 = arith.constant 4 : i32
    %mul3A_336 = vector.broadcast %mul3A_335 : i32 to vector<16xi32>
    %mul3A_337 = arith.muli %add3A_325, %mul3A_336 : vector<16xi32>
    %add3A_338 = arith.addi %mul3A_337, %broadcast_in_dim3A_3 : vector<16xi32>
    tpu.vector_store_idx %arg9[%add3A_338], %scan3A_333#0 : memref<256xf32, #tpu.memory_space<vmem>>[vector<16xi32>], vector<16xf32>,
    %add3A_339 = arith.addi %mul3A_337, %broadcast_in_dim3A_5 : vector<16xi32>
    tpu.vector_store_idx %arg9[%add3A_339], %scan3A_333#1 : memref<256xf32, #tpu.memory_space<vmem>>[vector<16xi32>], vector<16xf32>,
    %add3A_340 = arith.addi %mul3A_337, %broadcast_in_dim3A_7 : vector<16xi32>
    tpu.vector_store_idx %arg9[%add3A_340], %scan3A_333#2 : memref<256xf32, #tpu.memory_space<vmem>>[vector<16xi32>], vector<16xf32>,
    %add3A_341 = arith.addi %mul3A_337, %broadcast_in_dim3A_9 : vector<16xi32>
    tpu.vector_store_idx %arg9[%add3A_341], %scan3A_333#3 : memref<256xf32, #tpu.memory_space<vmem>>[vector<16xi32>], vector<16xf32>,
    %mul3A_342 = arith.constant 4 : i32
    %mul3A_343 = arith.muli %add3A_263, %mul3A_342 : i32
    "tpu.region"() ({
      %run_scoped3A = tpu.sem_alloc : memref<!tpu.dma_semaphore, #tpu.memory_space<semaphore_mem>>
      %dma_start3A = tpu.memref_slice %arg5[%mul3A_343] : memref<65536xf32, #tpu.memory_space<hbm>> -> memref<256xf32, #tpu.memory_space<hbm>>
      %dma_start3A_672 = tpu.memref_slice %arg5[%mul3A_343] : memref<65536xf32, #tpu.memory_space<hbm>> -> memref<256xf32, #tpu.memory_space<hbm>>
      tpu.enqueue_dma source(%arg9 : memref<256xf32, #tpu.memory_space<vmem>>) target(%dma_start3A_672 : memref<256xf32, #tpu.memory_space<hbm>>) target_semaphore(%run_scoped3A : memref<!tpu.dma_semaphore, #tpu.memory_space<semaphore_mem>>)
      %dma_wait3A = tpu.memref_slice %arg5[%mul3A_343] : memref<65536xf32, #tpu.memory_space<hbm>> -> memref<256xf32, #tpu.memory_space<hbm>>
      %dma_wait3A_673 = tpu.memref_slice %arg5[%mul3A_343] : memref<65536xf32, #tpu.memory_space<hbm>> -> memref<256xf32, #tpu.memory_space<hbm>>
      tpu.wait_dma2 semaphore(%run_scoped3A : memref<!tpu.dma_semaphore, #tpu.memory_space<semaphore_mem>>) src(%arg9 : memref<256xf32, #tpu.memory_space<vmem>>) dst(%dma_wait3A_673 : memref<256xf32, #tpu.memory_space<hbm>>)
      tpu.yield
    }) : () -> ()
    %add3A_344 = arith.constant 256 : i32
    %add3A_345 = arith.addi %mul3A_2, %add3A_344 : i32
    %mul3A_346 = arith.constant 200 : i32
    %mul3A_347 = arith.muli %add3A_345, %mul3A_346 : i32
    "tpu.region"() ({
      %run_scoped3A = tpu.sem_alloc : memref<!tpu.dma_semaphore, #tpu.memory_space<semaphore_mem>>
      %dma_start3A = tpu.memref_slice %arg2[%mul3A_347] : memref<3276800xi32, #tpu.memory_space<hbm>> -> memref<12800xi32, #tpu.memory_space<hbm>>
      %dma_start3A_672 = tpu.memref_slice %arg2[%mul3A_347] : memref<3276800xi32, #tpu.memory_space<hbm>> -> memref<12800xi32, #tpu.memory_space<hbm>>
      tpu.enqueue_dma source(%dma_start3A_672 : memref<12800xi32, #tpu.memory_space<hbm>>) target(%arg8 : memref<12800xi32, #tpu.memory_space<vmem>>) target_semaphore(%run_scoped3A : memref<!tpu.dma_semaphore, #tpu.memory_space<semaphore_mem>>)
      %dma_wait3A = tpu.memref_slice %arg2[%mul3A_347] : memref<3276800xi32, #tpu.memory_space<hbm>> -> memref<12800xi32, #tpu.memory_space<hbm>>
      %dma_wait3A_673 = tpu.memref_slice %arg2[%mul3A_347] : memref<3276800xi32, #tpu.memory_space<hbm>> -> memref<12800xi32, #tpu.memory_space<hbm>>
      tpu.wait_dma2 semaphore(%run_scoped3A : memref<!tpu.dma_semaphore, #tpu.memory_space<semaphore_mem>>) src(%dma_wait3A_673 : memref<12800xi32, #tpu.memory_space<hbm>>) dst(%arg8 : memref<12800xi32, #tpu.memory_space<vmem>>)
      tpu.yield
    }) : () -> ()
    %add3A_348 = arith.constant 0 : i32
    %add3A_349 = vector.broadcast %add3A_348 : i32 to vector<16xi32>
    %add3A_350 = arith.addi %add3A_349, %iota3A : vector<16xi32>
    %mul3A_351 = arith.constant 200 : i32
    %mul3A_352 = vector.broadcast %mul3A_351 : i32 to vector<16xi32>
    %mul3A_353 = arith.muli %add3A_350, %mul3A_352 : vector<16xi32>
    %scan3A_354 = arith.constant 0 : i32
    %scan3A_355 = arith.constant 200 : i32
    %scan3A_356 = arith.addi %scan3A_354, %scan3A_355 : i32
    %scan3A_357 = arith.constant 1 : i32
    %scan3A_358:4 = scf.for %scan3A_672 = %scan3A_354 to %scan3A_356 step %scan3A_357 iter_args(%scan3A_673 = %get3A_10, %scan3A_674 = %get3A_12, %scan3A_675 = %get3A_14, %scan3A_676 = %get3A_16) -> (vector<16xf32>, vector<16xf32>, vector<16xf32>, vector<16xf32>)  : i32 {
      %broadcast_in_dim3A_677 = vector.broadcast %scan3A_672 : i32 to vector<16xi32>
      %add3A_678 = arith.addi %mul3A_353, %broadcast_in_dim3A_677 : vector<16xi32>
      %gather3A = tpu.vector_load_idx %arg8[%add3A_678] : memref<12800xi32, #tpu.memory_space<vmem>>[vector<16xi32>], vector<16xi32>,
      %mul3A_679 = arith.constant 4 : i32
      %mul3A_680 = vector.broadcast %mul3A_679 : i32 to vector<16xi32>
      %mul3A_681 = arith.muli %gather3A, %mul3A_680 : vector<16xi32>
      %add3A_682 = arith.addi %mul3A_681, %broadcast_in_dim3A_3 : vector<16xi32>
      %gather3A_683 = tpu.vector_load_idx %arg6[%add3A_682] : memref<4032xf32, #tpu.memory_space<vmem>>[vector<16xi32>], vector<16xf32>,
      %add3A_684 = arith.addf %scan3A_673, %gather3A_683 : vector<16xf32>
      %add3A_685 = arith.addi %mul3A_681, %broadcast_in_dim3A_5 : vector<16xi32>
      %gather3A_686 = tpu.vector_load_idx %arg6[%add3A_685] : memref<4032xf32, #tpu.memory_space<vmem>>[vector<16xi32>], vector<16xf32>,
      %add3A_687 = arith.addf %scan3A_674, %gather3A_686 : vector<16xf32>
      %add3A_688 = arith.addi %mul3A_681, %broadcast_in_dim3A_7 : vector<16xi32>
      %gather3A_689 = tpu.vector_load_idx %arg6[%add3A_688] : memref<4032xf32, #tpu.memory_space<vmem>>[vector<16xi32>], vector<16xf32>,
      %add3A_690 = arith.addf %scan3A_675, %gather3A_689 : vector<16xf32>
      %add3A_691 = arith.addi %mul3A_681, %broadcast_in_dim3A_9 : vector<16xi32>
      %gather3A_692 = tpu.vector_load_idx %arg6[%add3A_691] : memref<4032xf32, #tpu.memory_space<vmem>>[vector<16xi32>], vector<16xf32>,
      %add3A_693 = arith.addf %scan3A_676, %gather3A_692 : vector<16xf32>
      scf.yield %add3A_684, %add3A_687, %add3A_690, %add3A_693 : vector<16xf32>, vector<16xf32>, vector<16xf32>, vector<16xf32>
    }
    %scan3A_359 = arith.constant 200 : i32
    %mul3A_360 = arith.constant 4 : i32
    %mul3A_361 = vector.broadcast %mul3A_360 : i32 to vector<16xi32>
    %mul3A_362 = arith.muli %add3A_350, %mul3A_361 : vector<16xi32>
    %add3A_363 = arith.addi %mul3A_362, %broadcast_in_dim3A_3 : vector<16xi32>
    tpu.vector_store_idx %arg9[%add3A_363], %scan3A_358#0 : memref<256xf32, #tpu.memory_space<vmem>>[vector<16xi32>], vector<16xf32>,
    %add3A_364 = arith.addi %mul3A_362, %broadcast_in_dim3A_5 : vector<16xi32>
    tpu.vector_store_idx %arg9[%add3A_364], %scan3A_358#1 : memref<256xf32, #tpu.memory_space<vmem>>[vector<16xi32>], vector<16xf32>,
    %add3A_365 = arith.addi %mul3A_362, %broadcast_in_dim3A_7 : vector<16xi32>
    tpu.vector_store_idx %arg9[%add3A_365], %scan3A_358#2 : memref<256xf32, #tpu.memory_space<vmem>>[vector<16xi32>], vector<16xf32>,
    %add3A_366 = arith.addi %mul3A_362, %broadcast_in_dim3A_9 : vector<16xi32>
    tpu.vector_store_idx %arg9[%add3A_366], %scan3A_358#3 : memref<256xf32, #tpu.memory_space<vmem>>[vector<16xi32>], vector<16xf32>,
    %add3A_367 = arith.constant 16 : i32
    %add3A_368 = vector.broadcast %add3A_367 : i32 to vector<16xi32>
    %add3A_369 = arith.addi %add3A_368, %iota3A : vector<16xi32>
    %mul3A_370 = arith.constant 200 : i32
    %mul3A_371 = vector.broadcast %mul3A_370 : i32 to vector<16xi32>
    %mul3A_372 = arith.muli %add3A_369, %mul3A_371 : vector<16xi32>
    %scan3A_373 = arith.constant 0 : i32
    %scan3A_374 = arith.constant 200 : i32
    %scan3A_375 = arith.addi %scan3A_373, %scan3A_374 : i32
    %scan3A_376 = arith.constant 1 : i32
    %scan3A_377:4 = scf.for %scan3A_672 = %scan3A_373 to %scan3A_375 step %scan3A_376 iter_args(%scan3A_673 = %get3A_10, %scan3A_674 = %get3A_12, %scan3A_675 = %get3A_14, %scan3A_676 = %get3A_16) -> (vector<16xf32>, vector<16xf32>, vector<16xf32>, vector<16xf32>)  : i32 {
      %broadcast_in_dim3A_677 = vector.broadcast %scan3A_672 : i32 to vector<16xi32>
      %add3A_678 = arith.addi %mul3A_372, %broadcast_in_dim3A_677 : vector<16xi32>
      %gather3A = tpu.vector_load_idx %arg8[%add3A_678] : memref<12800xi32, #tpu.memory_space<vmem>>[vector<16xi32>], vector<16xi32>,
      %mul3A_679 = arith.constant 4 : i32
      %mul3A_680 = vector.broadcast %mul3A_679 : i32 to vector<16xi32>
      %mul3A_681 = arith.muli %gather3A, %mul3A_680 : vector<16xi32>
      %add3A_682 = arith.addi %mul3A_681, %broadcast_in_dim3A_3 : vector<16xi32>
      %gather3A_683 = tpu.vector_load_idx %arg6[%add3A_682] : memref<4032xf32, #tpu.memory_space<vmem>>[vector<16xi32>], vector<16xf32>,
      %add3A_684 = arith.addf %scan3A_673, %gather3A_683 : vector<16xf32>
      %add3A_685 = arith.addi %mul3A_681, %broadcast_in_dim3A_5 : vector<16xi32>
      %gather3A_686 = tpu.vector_load_idx %arg6[%add3A_685] : memref<4032xf32, #tpu.memory_space<vmem>>[vector<16xi32>], vector<16xf32>,
      %add3A_687 = arith.addf %scan3A_674, %gather3A_686 : vector<16xf32>
      %add3A_688 = arith.addi %mul3A_681, %broadcast_in_dim3A_7 : vector<16xi32>
      %gather3A_689 = tpu.vector_load_idx %arg6[%add3A_688] : memref<4032xf32, #tpu.memory_space<vmem>>[vector<16xi32>], vector<16xf32>,
      %add3A_690 = arith.addf %scan3A_675, %gather3A_689 : vector<16xf32>
      %add3A_691 = arith.addi %mul3A_681, %broadcast_in_dim3A_9 : vector<16xi32>
      %gather3A_692 = tpu.vector_load_idx %arg6[%add3A_691] : memref<4032xf32, #tpu.memory_space<vmem>>[vector<16xi32>], vector<16xf32>,
      %add3A_693 = arith.addf %scan3A_676, %gather3A_692 : vector<16xf32>
      scf.yield %add3A_684, %add3A_687, %add3A_690, %add3A_693 : vector<16xf32>, vector<16xf32>, vector<16xf32>, vector<16xf32>
    }
    %scan3A_378 = arith.constant 200 : i32
    %mul3A_379 = arith.constant 4 : i32
    %mul3A_380 = vector.broadcast %mul3A_379 : i32 to vector<16xi32>
    %mul3A_381 = arith.muli %add3A_369, %mul3A_380 : vector<16xi32>
    %add3A_382 = arith.addi %mul3A_381, %broadcast_in_dim3A_3 : vector<16xi32>
    tpu.vector_store_idx %arg9[%add3A_382], %scan3A_377#0 : memref<256xf32, #tpu.memory_space<vmem>>[vector<16xi32>], vector<16xf32>,
    %add3A_383 = arith.addi %mul3A_381, %broadcast_in_dim3A_5 : vector<16xi32>
    tpu.vector_store_idx %arg9[%add3A_383], %scan3A_377#1 : memref<256xf32, #tpu.memory_space<vmem>>[vector<16xi32>], vector<16xf32>,
    %add3A_384 = arith.addi %mul3A_381, %broadcast_in_dim3A_7 : vector<16xi32>
    tpu.vector_store_idx %arg9[%add3A_384], %scan3A_377#2 : memref<256xf32, #tpu.memory_space<vmem>>[vector<16xi32>], vector<16xf32>,
    %add3A_385 = arith.addi %mul3A_381, %broadcast_in_dim3A_9 : vector<16xi32>
    tpu.vector_store_idx %arg9[%add3A_385], %scan3A_377#3 : memref<256xf32, #tpu.memory_space<vmem>>[vector<16xi32>], vector<16xf32>,
    %add3A_386 = arith.constant 32 : i32
    %add3A_387 = vector.broadcast %add3A_386 : i32 to vector<16xi32>
    %add3A_388 = arith.addi %add3A_387, %iota3A : vector<16xi32>
    %mul3A_389 = arith.constant 200 : i32
    %mul3A_390 = vector.broadcast %mul3A_389 : i32 to vector<16xi32>
    %mul3A_391 = arith.muli %add3A_388, %mul3A_390 : vector<16xi32>
    %scan3A_392 = arith.constant 0 : i32
    %scan3A_393 = arith.constant 200 : i32
    %scan3A_394 = arith.addi %scan3A_392, %scan3A_393 : i32
    %scan3A_395 = arith.constant 1 : i32
    %scan3A_396:4 = scf.for %scan3A_672 = %scan3A_392 to %scan3A_394 step %scan3A_395 iter_args(%scan3A_673 = %get3A_10, %scan3A_674 = %get3A_12, %scan3A_675 = %get3A_14, %scan3A_676 = %get3A_16) -> (vector<16xf32>, vector<16xf32>, vector<16xf32>, vector<16xf32>)  : i32 {
      %broadcast_in_dim3A_677 = vector.broadcast %scan3A_672 : i32 to vector<16xi32>
      %add3A_678 = arith.addi %mul3A_391, %broadcast_in_dim3A_677 : vector<16xi32>
      %gather3A = tpu.vector_load_idx %arg8[%add3A_678] : memref<12800xi32, #tpu.memory_space<vmem>>[vector<16xi32>], vector<16xi32>,
      %mul3A_679 = arith.constant 4 : i32
      %mul3A_680 = vector.broadcast %mul3A_679 : i32 to vector<16xi32>
      %mul3A_681 = arith.muli %gather3A, %mul3A_680 : vector<16xi32>
      %add3A_682 = arith.addi %mul3A_681, %broadcast_in_dim3A_3 : vector<16xi32>
      %gather3A_683 = tpu.vector_load_idx %arg6[%add3A_682] : memref<4032xf32, #tpu.memory_space<vmem>>[vector<16xi32>], vector<16xf32>,
      %add3A_684 = arith.addf %scan3A_673, %gather3A_683 : vector<16xf32>
      %add3A_685 = arith.addi %mul3A_681, %broadcast_in_dim3A_5 : vector<16xi32>
      %gather3A_686 = tpu.vector_load_idx %arg6[%add3A_685] : memref<4032xf32, #tpu.memory_space<vmem>>[vector<16xi32>], vector<16xf32>,
      %add3A_687 = arith.addf %scan3A_674, %gather3A_686 : vector<16xf32>
      %add3A_688 = arith.addi %mul3A_681, %broadcast_in_dim3A_7 : vector<16xi32>
      %gather3A_689 = tpu.vector_load_idx %arg6[%add3A_688] : memref<4032xf32, #tpu.memory_space<vmem>>[vector<16xi32>], vector<16xf32>,
      %add3A_690 = arith.addf %scan3A_675, %gather3A_689 : vector<16xf32>
      %add3A_691 = arith.addi %mul3A_681, %broadcast_in_dim3A_9 : vector<16xi32>
      %gather3A_692 = tpu.vector_load_idx %arg6[%add3A_691] : memref<4032xf32, #tpu.memory_space<vmem>>[vector<16xi32>], vector<16xf32>,
      %add3A_693 = arith.addf %scan3A_676, %gather3A_692 : vector<16xf32>
      scf.yield %add3A_684, %add3A_687, %add3A_690, %add3A_693 : vector<16xf32>, vector<16xf32>, vector<16xf32>, vector<16xf32>
    }
    %scan3A_397 = arith.constant 200 : i32
    %mul3A_398 = arith.constant 4 : i32
    %mul3A_399 = vector.broadcast %mul3A_398 : i32 to vector<16xi32>
    %mul3A_400 = arith.muli %add3A_388, %mul3A_399 : vector<16xi32>
    %add3A_401 = arith.addi %mul3A_400, %broadcast_in_dim3A_3 : vector<16xi32>
    tpu.vector_store_idx %arg9[%add3A_401], %scan3A_396#0 : memref<256xf32, #tpu.memory_space<vmem>>[vector<16xi32>], vector<16xf32>,
    %add3A_402 = arith.addi %mul3A_400, %broadcast_in_dim3A_5 : vector<16xi32>
    tpu.vector_store_idx %arg9[%add3A_402], %scan3A_396#1 : memref<256xf32, #tpu.memory_space<vmem>>[vector<16xi32>], vector<16xf32>,
    %add3A_403 = arith.addi %mul3A_400, %broadcast_in_dim3A_7 : vector<16xi32>
    tpu.vector_store_idx %arg9[%add3A_403], %scan3A_396#2 : memref<256xf32, #tpu.memory_space<vmem>>[vector<16xi32>], vector<16xf32>,
    %add3A_404 = arith.addi %mul3A_400, %broadcast_in_dim3A_9 : vector<16xi32>
    tpu.vector_store_idx %arg9[%add3A_404], %scan3A_396#3 : memref<256xf32, #tpu.memory_space<vmem>>[vector<16xi32>], vector<16xf32>,
    %add3A_405 = arith.constant 48 : i32
    %add3A_406 = vector.broadcast %add3A_405 : i32 to vector<16xi32>
    %add3A_407 = arith.addi %add3A_406, %iota3A : vector<16xi32>
    %mul3A_408 = arith.constant 200 : i32
    %mul3A_409 = vector.broadcast %mul3A_408 : i32 to vector<16xi32>
    %mul3A_410 = arith.muli %add3A_407, %mul3A_409 : vector<16xi32>
    %scan3A_411 = arith.constant 0 : i32
    %scan3A_412 = arith.constant 200 : i32
    %scan3A_413 = arith.addi %scan3A_411, %scan3A_412 : i32
    %scan3A_414 = arith.constant 1 : i32
    %scan3A_415:4 = scf.for %scan3A_672 = %scan3A_411 to %scan3A_413 step %scan3A_414 iter_args(%scan3A_673 = %get3A_10, %scan3A_674 = %get3A_12, %scan3A_675 = %get3A_14, %scan3A_676 = %get3A_16) -> (vector<16xf32>, vector<16xf32>, vector<16xf32>, vector<16xf32>)  : i32 {
      %broadcast_in_dim3A_677 = vector.broadcast %scan3A_672 : i32 to vector<16xi32>
      %add3A_678 = arith.addi %mul3A_410, %broadcast_in_dim3A_677 : vector<16xi32>
      %gather3A = tpu.vector_load_idx %arg8[%add3A_678] : memref<12800xi32, #tpu.memory_space<vmem>>[vector<16xi32>], vector<16xi32>,
      %mul3A_679 = arith.constant 4 : i32
      %mul3A_680 = vector.broadcast %mul3A_679 : i32 to vector<16xi32>
      %mul3A_681 = arith.muli %gather3A, %mul3A_680 : vector<16xi32>
      %add3A_682 = arith.addi %mul3A_681, %broadcast_in_dim3A_3 : vector<16xi32>
      %gather3A_683 = tpu.vector_load_idx %arg6[%add3A_682] : memref<4032xf32, #tpu.memory_space<vmem>>[vector<16xi32>], vector<16xf32>,
      %add3A_684 = arith.addf %scan3A_673, %gather3A_683 : vector<16xf32>
      %add3A_685 = arith.addi %mul3A_681, %broadcast_in_dim3A_5 : vector<16xi32>
      %gather3A_686 = tpu.vector_load_idx %arg6[%add3A_685] : memref<4032xf32, #tpu.memory_space<vmem>>[vector<16xi32>], vector<16xf32>,
      %add3A_687 = arith.addf %scan3A_674, %gather3A_686 : vector<16xf32>
      %add3A_688 = arith.addi %mul3A_681, %broadcast_in_dim3A_7 : vector<16xi32>
      %gather3A_689 = tpu.vector_load_idx %arg6[%add3A_688] : memref<4032xf32, #tpu.memory_space<vmem>>[vector<16xi32>], vector<16xf32>,
      %add3A_690 = arith.addf %scan3A_675, %gather3A_689 : vector<16xf32>
      %add3A_691 = arith.addi %mul3A_681, %broadcast_in_dim3A_9 : vector<16xi32>
      %gather3A_692 = tpu.vector_load_idx %arg6[%add3A_691] : memref<4032xf32, #tpu.memory_space<vmem>>[vector<16xi32>], vector<16xf32>,
      %add3A_693 = arith.addf %scan3A_676, %gather3A_692 : vector<16xf32>
      scf.yield %add3A_684, %add3A_687, %add3A_690, %add3A_693 : vector<16xf32>, vector<16xf32>, vector<16xf32>, vector<16xf32>
    }
    %scan3A_416 = arith.constant 200 : i32
    %mul3A_417 = arith.constant 4 : i32
    %mul3A_418 = vector.broadcast %mul3A_417 : i32 to vector<16xi32>
    %mul3A_419 = arith.muli %add3A_407, %mul3A_418 : vector<16xi32>
    %add3A_420 = arith.addi %mul3A_419, %broadcast_in_dim3A_3 : vector<16xi32>
    tpu.vector_store_idx %arg9[%add3A_420], %scan3A_415#0 : memref<256xf32, #tpu.memory_space<vmem>>[vector<16xi32>], vector<16xf32>,
    %add3A_421 = arith.addi %mul3A_419, %broadcast_in_dim3A_5 : vector<16xi32>
    tpu.vector_store_idx %arg9[%add3A_421], %scan3A_415#1 : memref<256xf32, #tpu.memory_space<vmem>>[vector<16xi32>], vector<16xf32>,
    %add3A_422 = arith.addi %mul3A_419, %broadcast_in_dim3A_7 : vector<16xi32>
    tpu.vector_store_idx %arg9[%add3A_422], %scan3A_415#2 : memref<256xf32, #tpu.memory_space<vmem>>[vector<16xi32>], vector<16xf32>,
    %add3A_423 = arith.addi %mul3A_419, %broadcast_in_dim3A_9 : vector<16xi32>
    tpu.vector_store_idx %arg9[%add3A_423], %scan3A_415#3 : memref<256xf32, #tpu.memory_space<vmem>>[vector<16xi32>], vector<16xf32>,
    %mul3A_424 = arith.constant 4 : i32
    %mul3A_425 = arith.muli %add3A_345, %mul3A_424 : i32
    "tpu.region"() ({
      %run_scoped3A = tpu.sem_alloc : memref<!tpu.dma_semaphore, #tpu.memory_space<semaphore_mem>>
      %dma_start3A = tpu.memref_slice %arg5[%mul3A_425] : memref<65536xf32, #tpu.memory_space<hbm>> -> memref<256xf32, #tpu.memory_space<hbm>>
      %dma_start3A_672 = tpu.memref_slice %arg5[%mul3A_425] : memref<65536xf32, #tpu.memory_space<hbm>> -> memref<256xf32, #tpu.memory_space<hbm>>
      tpu.enqueue_dma source(%arg9 : memref<256xf32, #tpu.memory_space<vmem>>) target(%dma_start3A_672 : memref<256xf32, #tpu.memory_space<hbm>>) target_semaphore(%run_scoped3A : memref<!tpu.dma_semaphore, #tpu.memory_space<semaphore_mem>>)
      %dma_wait3A = tpu.memref_slice %arg5[%mul3A_425] : memref<65536xf32, #tpu.memory_space<hbm>> -> memref<256xf32, #tpu.memory_space<hbm>>
      %dma_wait3A_673 = tpu.memref_slice %arg5[%mul3A_425] : memref<65536xf32, #tpu.memory_space<hbm>> -> memref<256xf32, #tpu.memory_space<hbm>>
      tpu.wait_dma2 semaphore(%run_scoped3A : memref<!tpu.dma_semaphore, #tpu.memory_space<semaphore_mem>>) src(%arg9 : memref<256xf32, #tpu.memory_space<vmem>>) dst(%dma_wait3A_673 : memref<256xf32, #tpu.memory_space<hbm>>)
      tpu.yield
    }) : () -> ()
    %add3A_426 = arith.constant 320 : i32
    %add3A_427 = arith.addi %mul3A_2, %add3A_426 : i32
    %mul3A_428 = arith.constant 200 : i32
    %mul3A_429 = arith.muli %add3A_427, %mul3A_428 : i32
    "tpu.region"() ({
      %run_scoped3A = tpu.sem_alloc : memref<!tpu.dma_semaphore, #tpu.memory_space<semaphore_mem>>
      %dma_start3A = tpu.memref_slice %arg2[%mul3A_429] : memref<3276800xi32, #tpu.memory_space<hbm>> -> memref<12800xi32, #tpu.memory_space<hbm>>
      %dma_start3A_672 = tpu.memref_slice %arg2[%mul3A_429] : memref<3276800xi32, #tpu.memory_space<hbm>> -> memref<12800xi32, #tpu.memory_space<hbm>>
      tpu.enqueue_dma source(%dma_start3A_672 : memref<12800xi32, #tpu.memory_space<hbm>>) target(%arg8 : memref<12800xi32, #tpu.memory_space<vmem>>) target_semaphore(%run_scoped3A : memref<!tpu.dma_semaphore, #tpu.memory_space<semaphore_mem>>)
      %dma_wait3A = tpu.memref_slice %arg2[%mul3A_429] : memref<3276800xi32, #tpu.memory_space<hbm>> -> memref<12800xi32, #tpu.memory_space<hbm>>
      %dma_wait3A_673 = tpu.memref_slice %arg2[%mul3A_429] : memref<3276800xi32, #tpu.memory_space<hbm>> -> memref<12800xi32, #tpu.memory_space<hbm>>
      tpu.wait_dma2 semaphore(%run_scoped3A : memref<!tpu.dma_semaphore, #tpu.memory_space<semaphore_mem>>) src(%dma_wait3A_673 : memref<12800xi32, #tpu.memory_space<hbm>>) dst(%arg8 : memref<12800xi32, #tpu.memory_space<vmem>>)
      tpu.yield
    }) : () -> ()
    %add3A_430 = arith.constant 0 : i32
    %add3A_431 = vector.broadcast %add3A_430 : i32 to vector<16xi32>
    %add3A_432 = arith.addi %add3A_431, %iota3A : vector<16xi32>
    %mul3A_433 = arith.constant 200 : i32
    %mul3A_434 = vector.broadcast %mul3A_433 : i32 to vector<16xi32>
    %mul3A_435 = arith.muli %add3A_432, %mul3A_434 : vector<16xi32>
    %scan3A_436 = arith.constant 0 : i32
    %scan3A_437 = arith.constant 200 : i32
    %scan3A_438 = arith.addi %scan3A_436, %scan3A_437 : i32
    %scan3A_439 = arith.constant 1 : i32
    %scan3A_440:4 = scf.for %scan3A_672 = %scan3A_436 to %scan3A_438 step %scan3A_439 iter_args(%scan3A_673 = %get3A_10, %scan3A_674 = %get3A_12, %scan3A_675 = %get3A_14, %scan3A_676 = %get3A_16) -> (vector<16xf32>, vector<16xf32>, vector<16xf32>, vector<16xf32>)  : i32 {
      %broadcast_in_dim3A_677 = vector.broadcast %scan3A_672 : i32 to vector<16xi32>
      %add3A_678 = arith.addi %mul3A_435, %broadcast_in_dim3A_677 : vector<16xi32>
      %gather3A = tpu.vector_load_idx %arg8[%add3A_678] : memref<12800xi32, #tpu.memory_space<vmem>>[vector<16xi32>], vector<16xi32>,
      %mul3A_679 = arith.constant 4 : i32
      %mul3A_680 = vector.broadcast %mul3A_679 : i32 to vector<16xi32>
      %mul3A_681 = arith.muli %gather3A, %mul3A_680 : vector<16xi32>
      %add3A_682 = arith.addi %mul3A_681, %broadcast_in_dim3A_3 : vector<16xi32>
      %gather3A_683 = tpu.vector_load_idx %arg6[%add3A_682] : memref<4032xf32, #tpu.memory_space<vmem>>[vector<16xi32>], vector<16xf32>,
      %add3A_684 = arith.addf %scan3A_673, %gather3A_683 : vector<16xf32>
      %add3A_685 = arith.addi %mul3A_681, %broadcast_in_dim3A_5 : vector<16xi32>
      %gather3A_686 = tpu.vector_load_idx %arg6[%add3A_685] : memref<4032xf32, #tpu.memory_space<vmem>>[vector<16xi32>], vector<16xf32>,
      %add3A_687 = arith.addf %scan3A_674, %gather3A_686 : vector<16xf32>
      %add3A_688 = arith.addi %mul3A_681, %broadcast_in_dim3A_7 : vector<16xi32>
      %gather3A_689 = tpu.vector_load_idx %arg6[%add3A_688] : memref<4032xf32, #tpu.memory_space<vmem>>[vector<16xi32>], vector<16xf32>,
      %add3A_690 = arith.addf %scan3A_675, %gather3A_689 : vector<16xf32>
      %add3A_691 = arith.addi %mul3A_681, %broadcast_in_dim3A_9 : vector<16xi32>
      %gather3A_692 = tpu.vector_load_idx %arg6[%add3A_691] : memref<4032xf32, #tpu.memory_space<vmem>>[vector<16xi32>], vector<16xf32>,
      %add3A_693 = arith.addf %scan3A_676, %gather3A_692 : vector<16xf32>
      scf.yield %add3A_684, %add3A_687, %add3A_690, %add3A_693 : vector<16xf32>, vector<16xf32>, vector<16xf32>, vector<16xf32>
    }
    %scan3A_441 = arith.constant 200 : i32
    %mul3A_442 = arith.constant 4 : i32
    %mul3A_443 = vector.broadcast %mul3A_442 : i32 to vector<16xi32>
    %mul3A_444 = arith.muli %add3A_432, %mul3A_443 : vector<16xi32>
    %add3A_445 = arith.addi %mul3A_444, %broadcast_in_dim3A_3 : vector<16xi32>
    tpu.vector_store_idx %arg9[%add3A_445], %scan3A_440#0 : memref<256xf32, #tpu.memory_space<vmem>>[vector<16xi32>], vector<16xf32>,
    %add3A_446 = arith.addi %mul3A_444, %broadcast_in_dim3A_5 : vector<16xi32>
    tpu.vector_store_idx %arg9[%add3A_446], %scan3A_440#1 : memref<256xf32, #tpu.memory_space<vmem>>[vector<16xi32>], vector<16xf32>,
    %add3A_447 = arith.addi %mul3A_444, %broadcast_in_dim3A_7 : vector<16xi32>
    tpu.vector_store_idx %arg9[%add3A_447], %scan3A_440#2 : memref<256xf32, #tpu.memory_space<vmem>>[vector<16xi32>], vector<16xf32>,
    %add3A_448 = arith.addi %mul3A_444, %broadcast_in_dim3A_9 : vector<16xi32>
    tpu.vector_store_idx %arg9[%add3A_448], %scan3A_440#3 : memref<256xf32, #tpu.memory_space<vmem>>[vector<16xi32>], vector<16xf32>,
    %add3A_449 = arith.constant 16 : i32
    %add3A_450 = vector.broadcast %add3A_449 : i32 to vector<16xi32>
    %add3A_451 = arith.addi %add3A_450, %iota3A : vector<16xi32>
    %mul3A_452 = arith.constant 200 : i32
    %mul3A_453 = vector.broadcast %mul3A_452 : i32 to vector<16xi32>
    %mul3A_454 = arith.muli %add3A_451, %mul3A_453 : vector<16xi32>
    %scan3A_455 = arith.constant 0 : i32
    %scan3A_456 = arith.constant 200 : i32
    %scan3A_457 = arith.addi %scan3A_455, %scan3A_456 : i32
    %scan3A_458 = arith.constant 1 : i32
    %scan3A_459:4 = scf.for %scan3A_672 = %scan3A_455 to %scan3A_457 step %scan3A_458 iter_args(%scan3A_673 = %get3A_10, %scan3A_674 = %get3A_12, %scan3A_675 = %get3A_14, %scan3A_676 = %get3A_16) -> (vector<16xf32>, vector<16xf32>, vector<16xf32>, vector<16xf32>)  : i32 {
      %broadcast_in_dim3A_677 = vector.broadcast %scan3A_672 : i32 to vector<16xi32>
      %add3A_678 = arith.addi %mul3A_454, %broadcast_in_dim3A_677 : vector<16xi32>
      %gather3A = tpu.vector_load_idx %arg8[%add3A_678] : memref<12800xi32, #tpu.memory_space<vmem>>[vector<16xi32>], vector<16xi32>,
      %mul3A_679 = arith.constant 4 : i32
      %mul3A_680 = vector.broadcast %mul3A_679 : i32 to vector<16xi32>
      %mul3A_681 = arith.muli %gather3A, %mul3A_680 : vector<16xi32>
      %add3A_682 = arith.addi %mul3A_681, %broadcast_in_dim3A_3 : vector<16xi32>
      %gather3A_683 = tpu.vector_load_idx %arg6[%add3A_682] : memref<4032xf32, #tpu.memory_space<vmem>>[vector<16xi32>], vector<16xf32>,
      %add3A_684 = arith.addf %scan3A_673, %gather3A_683 : vector<16xf32>
      %add3A_685 = arith.addi %mul3A_681, %broadcast_in_dim3A_5 : vector<16xi32>
      %gather3A_686 = tpu.vector_load_idx %arg6[%add3A_685] : memref<4032xf32, #tpu.memory_space<vmem>>[vector<16xi32>], vector<16xf32>,
      %add3A_687 = arith.addf %scan3A_674, %gather3A_686 : vector<16xf32>
      %add3A_688 = arith.addi %mul3A_681, %broadcast_in_dim3A_7 : vector<16xi32>
      %gather3A_689 = tpu.vector_load_idx %arg6[%add3A_688] : memref<4032xf32, #tpu.memory_space<vmem>>[vector<16xi32>], vector<16xf32>,
      %add3A_690 = arith.addf %scan3A_675, %gather3A_689 : vector<16xf32>
      %add3A_691 = arith.addi %mul3A_681, %broadcast_in_dim3A_9 : vector<16xi32>
      %gather3A_692 = tpu.vector_load_idx %arg6[%add3A_691] : memref<4032xf32, #tpu.memory_space<vmem>>[vector<16xi32>], vector<16xf32>,
      %add3A_693 = arith.addf %scan3A_676, %gather3A_692 : vector<16xf32>
      scf.yield %add3A_684, %add3A_687, %add3A_690, %add3A_693 : vector<16xf32>, vector<16xf32>, vector<16xf32>, vector<16xf32>
    }
    %scan3A_460 = arith.constant 200 : i32
    %mul3A_461 = arith.constant 4 : i32
    %mul3A_462 = vector.broadcast %mul3A_461 : i32 to vector<16xi32>
    %mul3A_463 = arith.muli %add3A_451, %mul3A_462 : vector<16xi32>
    %add3A_464 = arith.addi %mul3A_463, %broadcast_in_dim3A_3 : vector<16xi32>
    tpu.vector_store_idx %arg9[%add3A_464], %scan3A_459#0 : memref<256xf32, #tpu.memory_space<vmem>>[vector<16xi32>], vector<16xf32>,
    %add3A_465 = arith.addi %mul3A_463, %broadcast_in_dim3A_5 : vector<16xi32>
    tpu.vector_store_idx %arg9[%add3A_465], %scan3A_459#1 : memref<256xf32, #tpu.memory_space<vmem>>[vector<16xi32>], vector<16xf32>,
    %add3A_466 = arith.addi %mul3A_463, %broadcast_in_dim3A_7 : vector<16xi32>
    tpu.vector_store_idx %arg9[%add3A_466], %scan3A_459#2 : memref<256xf32, #tpu.memory_space<vmem>>[vector<16xi32>], vector<16xf32>,
    %add3A_467 = arith.addi %mul3A_463, %broadcast_in_dim3A_9 : vector<16xi32>
    tpu.vector_store_idx %arg9[%add3A_467], %scan3A_459#3 : memref<256xf32, #tpu.memory_space<vmem>>[vector<16xi32>], vector<16xf32>,
    %add3A_468 = arith.constant 32 : i32
    %add3A_469 = vector.broadcast %add3A_468 : i32 to vector<16xi32>
    %add3A_470 = arith.addi %add3A_469, %iota3A : vector<16xi32>
    %mul3A_471 = arith.constant 200 : i32
    %mul3A_472 = vector.broadcast %mul3A_471 : i32 to vector<16xi32>
    %mul3A_473 = arith.muli %add3A_470, %mul3A_472 : vector<16xi32>
    %scan3A_474 = arith.constant 0 : i32
    %scan3A_475 = arith.constant 200 : i32
    %scan3A_476 = arith.addi %scan3A_474, %scan3A_475 : i32
    %scan3A_477 = arith.constant 1 : i32
    %scan3A_478:4 = scf.for %scan3A_672 = %scan3A_474 to %scan3A_476 step %scan3A_477 iter_args(%scan3A_673 = %get3A_10, %scan3A_674 = %get3A_12, %scan3A_675 = %get3A_14, %scan3A_676 = %get3A_16) -> (vector<16xf32>, vector<16xf32>, vector<16xf32>, vector<16xf32>)  : i32 {
      %broadcast_in_dim3A_677 = vector.broadcast %scan3A_672 : i32 to vector<16xi32>
      %add3A_678 = arith.addi %mul3A_473, %broadcast_in_dim3A_677 : vector<16xi32>
      %gather3A = tpu.vector_load_idx %arg8[%add3A_678] : memref<12800xi32, #tpu.memory_space<vmem>>[vector<16xi32>], vector<16xi32>,
      %mul3A_679 = arith.constant 4 : i32
      %mul3A_680 = vector.broadcast %mul3A_679 : i32 to vector<16xi32>
      %mul3A_681 = arith.muli %gather3A, %mul3A_680 : vector<16xi32>
      %add3A_682 = arith.addi %mul3A_681, %broadcast_in_dim3A_3 : vector<16xi32>
      %gather3A_683 = tpu.vector_load_idx %arg6[%add3A_682] : memref<4032xf32, #tpu.memory_space<vmem>>[vector<16xi32>], vector<16xf32>,
      %add3A_684 = arith.addf %scan3A_673, %gather3A_683 : vector<16xf32>
      %add3A_685 = arith.addi %mul3A_681, %broadcast_in_dim3A_5 : vector<16xi32>
      %gather3A_686 = tpu.vector_load_idx %arg6[%add3A_685] : memref<4032xf32, #tpu.memory_space<vmem>>[vector<16xi32>], vector<16xf32>,
      %add3A_687 = arith.addf %scan3A_674, %gather3A_686 : vector<16xf32>
      %add3A_688 = arith.addi %mul3A_681, %broadcast_in_dim3A_7 : vector<16xi32>
      %gather3A_689 = tpu.vector_load_idx %arg6[%add3A_688] : memref<4032xf32, #tpu.memory_space<vmem>>[vector<16xi32>], vector<16xf32>,
      %add3A_690 = arith.addf %scan3A_675, %gather3A_689 : vector<16xf32>
      %add3A_691 = arith.addi %mul3A_681, %broadcast_in_dim3A_9 : vector<16xi32>
      %gather3A_692 = tpu.vector_load_idx %arg6[%add3A_691] : memref<4032xf32, #tpu.memory_space<vmem>>[vector<16xi32>], vector<16xf32>,
      %add3A_693 = arith.addf %scan3A_676, %gather3A_692 : vector<16xf32>
      scf.yield %add3A_684, %add3A_687, %add3A_690, %add3A_693 : vector<16xf32>, vector<16xf32>, vector<16xf32>, vector<16xf32>
    }
    %scan3A_479 = arith.constant 200 : i32
    %mul3A_480 = arith.constant 4 : i32
    %mul3A_481 = vector.broadcast %mul3A_480 : i32 to vector<16xi32>
    %mul3A_482 = arith.muli %add3A_470, %mul3A_481 : vector<16xi32>
    %add3A_483 = arith.addi %mul3A_482, %broadcast_in_dim3A_3 : vector<16xi32>
    tpu.vector_store_idx %arg9[%add3A_483], %scan3A_478#0 : memref<256xf32, #tpu.memory_space<vmem>>[vector<16xi32>], vector<16xf32>,
    %add3A_484 = arith.addi %mul3A_482, %broadcast_in_dim3A_5 : vector<16xi32>
    tpu.vector_store_idx %arg9[%add3A_484], %scan3A_478#1 : memref<256xf32, #tpu.memory_space<vmem>>[vector<16xi32>], vector<16xf32>,
    %add3A_485 = arith.addi %mul3A_482, %broadcast_in_dim3A_7 : vector<16xi32>
    tpu.vector_store_idx %arg9[%add3A_485], %scan3A_478#2 : memref<256xf32, #tpu.memory_space<vmem>>[vector<16xi32>], vector<16xf32>,
    %add3A_486 = arith.addi %mul3A_482, %broadcast_in_dim3A_9 : vector<16xi32>
    tpu.vector_store_idx %arg9[%add3A_486], %scan3A_478#3 : memref<256xf32, #tpu.memory_space<vmem>>[vector<16xi32>], vector<16xf32>,
    %add3A_487 = arith.constant 48 : i32
    %add3A_488 = vector.broadcast %add3A_487 : i32 to vector<16xi32>
    %add3A_489 = arith.addi %add3A_488, %iota3A : vector<16xi32>
    %mul3A_490 = arith.constant 200 : i32
    %mul3A_491 = vector.broadcast %mul3A_490 : i32 to vector<16xi32>
    %mul3A_492 = arith.muli %add3A_489, %mul3A_491 : vector<16xi32>
    %scan3A_493 = arith.constant 0 : i32
    %scan3A_494 = arith.constant 200 : i32
    %scan3A_495 = arith.addi %scan3A_493, %scan3A_494 : i32
    %scan3A_496 = arith.constant 1 : i32
    %scan3A_497:4 = scf.for %scan3A_672 = %scan3A_493 to %scan3A_495 step %scan3A_496 iter_args(%scan3A_673 = %get3A_10, %scan3A_674 = %get3A_12, %scan3A_675 = %get3A_14, %scan3A_676 = %get3A_16) -> (vector<16xf32>, vector<16xf32>, vector<16xf32>, vector<16xf32>)  : i32 {
      %broadcast_in_dim3A_677 = vector.broadcast %scan3A_672 : i32 to vector<16xi32>
      %add3A_678 = arith.addi %mul3A_492, %broadcast_in_dim3A_677 : vector<16xi32>
      %gather3A = tpu.vector_load_idx %arg8[%add3A_678] : memref<12800xi32, #tpu.memory_space<vmem>>[vector<16xi32>], vector<16xi32>,
      %mul3A_679 = arith.constant 4 : i32
      %mul3A_680 = vector.broadcast %mul3A_679 : i32 to vector<16xi32>
      %mul3A_681 = arith.muli %gather3A, %mul3A_680 : vector<16xi32>
      %add3A_682 = arith.addi %mul3A_681, %broadcast_in_dim3A_3 : vector<16xi32>
      %gather3A_683 = tpu.vector_load_idx %arg6[%add3A_682] : memref<4032xf32, #tpu.memory_space<vmem>>[vector<16xi32>], vector<16xf32>,
      %add3A_684 = arith.addf %scan3A_673, %gather3A_683 : vector<16xf32>
      %add3A_685 = arith.addi %mul3A_681, %broadcast_in_dim3A_5 : vector<16xi32>
      %gather3A_686 = tpu.vector_load_idx %arg6[%add3A_685] : memref<4032xf32, #tpu.memory_space<vmem>>[vector<16xi32>], vector<16xf32>,
      %add3A_687 = arith.addf %scan3A_674, %gather3A_686 : vector<16xf32>
      %add3A_688 = arith.addi %mul3A_681, %broadcast_in_dim3A_7 : vector<16xi32>
      %gather3A_689 = tpu.vector_load_idx %arg6[%add3A_688] : memref<4032xf32, #tpu.memory_space<vmem>>[vector<16xi32>], vector<16xf32>,
      %add3A_690 = arith.addf %scan3A_675, %gather3A_689 : vector<16xf32>
      %add3A_691 = arith.addi %mul3A_681, %broadcast_in_dim3A_9 : vector<16xi32>
      %gather3A_692 = tpu.vector_load_idx %arg6[%add3A_691] : memref<4032xf32, #tpu.memory_space<vmem>>[vector<16xi32>], vector<16xf32>,
      %add3A_693 = arith.addf %scan3A_676, %gather3A_692 : vector<16xf32>
      scf.yield %add3A_684, %add3A_687, %add3A_690, %add3A_693 : vector<16xf32>, vector<16xf32>, vector<16xf32>, vector<16xf32>
    }
    %scan3A_498 = arith.constant 200 : i32
    %mul3A_499 = arith.constant 4 : i32
    %mul3A_500 = vector.broadcast %mul3A_499 : i32 to vector<16xi32>
    %mul3A_501 = arith.muli %add3A_489, %mul3A_500 : vector<16xi32>
    %add3A_502 = arith.addi %mul3A_501, %broadcast_in_dim3A_3 : vector<16xi32>
    tpu.vector_store_idx %arg9[%add3A_502], %scan3A_497#0 : memref<256xf32, #tpu.memory_space<vmem>>[vector<16xi32>], vector<16xf32>,
    %add3A_503 = arith.addi %mul3A_501, %broadcast_in_dim3A_5 : vector<16xi32>
    tpu.vector_store_idx %arg9[%add3A_503], %scan3A_497#1 : memref<256xf32, #tpu.memory_space<vmem>>[vector<16xi32>], vector<16xf32>,
    %add3A_504 = arith.addi %mul3A_501, %broadcast_in_dim3A_7 : vector<16xi32>
    tpu.vector_store_idx %arg9[%add3A_504], %scan3A_497#2 : memref<256xf32, #tpu.memory_space<vmem>>[vector<16xi32>], vector<16xf32>,
    %add3A_505 = arith.addi %mul3A_501, %broadcast_in_dim3A_9 : vector<16xi32>
    tpu.vector_store_idx %arg9[%add3A_505], %scan3A_497#3 : memref<256xf32, #tpu.memory_space<vmem>>[vector<16xi32>], vector<16xf32>,
    %mul3A_506 = arith.constant 4 : i32
    %mul3A_507 = arith.muli %add3A_427, %mul3A_506 : i32
    "tpu.region"() ({
      %run_scoped3A = tpu.sem_alloc : memref<!tpu.dma_semaphore, #tpu.memory_space<semaphore_mem>>
      %dma_start3A = tpu.memref_slice %arg5[%mul3A_507] : memref<65536xf32, #tpu.memory_space<hbm>> -> memref<256xf32, #tpu.memory_space<hbm>>
      %dma_start3A_672 = tpu.memref_slice %arg5[%mul3A_507] : memref<65536xf32, #tpu.memory_space<hbm>> -> memref<256xf32, #tpu.memory_space<hbm>>
      tpu.enqueue_dma source(%arg9 : memref<256xf32, #tpu.memory_space<vmem>>) target(%dma_start3A_672 : memref<256xf32, #tpu.memory_space<hbm>>) target_semaphore(%run_scoped3A : memref<!tpu.dma_semaphore, #tpu.memory_space<semaphore_mem>>)
      %dma_wait3A = tpu.memref_slice %arg5[%mul3A_507] : memref<65536xf32, #tpu.memory_space<hbm>> -> memref<256xf32, #tpu.memory_space<hbm>>
      %dma_wait3A_673 = tpu.memref_slice %arg5[%mul3A_507] : memref<65536xf32, #tpu.memory_space<hbm>> -> memref<256xf32, #tpu.memory_space<hbm>>
      tpu.wait_dma2 semaphore(%run_scoped3A : memref<!tpu.dma_semaphore, #tpu.memory_space<semaphore_mem>>) src(%arg9 : memref<256xf32, #tpu.memory_space<vmem>>) dst(%dma_wait3A_673 : memref<256xf32, #tpu.memory_space<hbm>>)
      tpu.yield
    }) : () -> ()
    %add3A_508 = arith.constant 384 : i32
    %add3A_509 = arith.addi %mul3A_2, %add3A_508 : i32
    %mul3A_510 = arith.constant 200 : i32
    %mul3A_511 = arith.muli %add3A_509, %mul3A_510 : i32
    "tpu.region"() ({
      %run_scoped3A = tpu.sem_alloc : memref<!tpu.dma_semaphore, #tpu.memory_space<semaphore_mem>>
      %dma_start3A = tpu.memref_slice %arg2[%mul3A_511] : memref<3276800xi32, #tpu.memory_space<hbm>> -> memref<12800xi32, #tpu.memory_space<hbm>>
      %dma_start3A_672 = tpu.memref_slice %arg2[%mul3A_511] : memref<3276800xi32, #tpu.memory_space<hbm>> -> memref<12800xi32, #tpu.memory_space<hbm>>
      tpu.enqueue_dma source(%dma_start3A_672 : memref<12800xi32, #tpu.memory_space<hbm>>) target(%arg8 : memref<12800xi32, #tpu.memory_space<vmem>>) target_semaphore(%run_scoped3A : memref<!tpu.dma_semaphore, #tpu.memory_space<semaphore_mem>>)
      %dma_wait3A = tpu.memref_slice %arg2[%mul3A_511] : memref<3276800xi32, #tpu.memory_space<hbm>> -> memref<12800xi32, #tpu.memory_space<hbm>>
      %dma_wait3A_673 = tpu.memref_slice %arg2[%mul3A_511] : memref<3276800xi32, #tpu.memory_space<hbm>> -> memref<12800xi32, #tpu.memory_space<hbm>>
      tpu.wait_dma2 semaphore(%run_scoped3A : memref<!tpu.dma_semaphore, #tpu.memory_space<semaphore_mem>>) src(%dma_wait3A_673 : memref<12800xi32, #tpu.memory_space<hbm>>) dst(%arg8 : memref<12800xi32, #tpu.memory_space<vmem>>)
      tpu.yield
    }) : () -> ()
    %add3A_512 = arith.constant 0 : i32
    %add3A_513 = vector.broadcast %add3A_512 : i32 to vector<16xi32>
    %add3A_514 = arith.addi %add3A_513, %iota3A : vector<16xi32>
    %mul3A_515 = arith.constant 200 : i32
    %mul3A_516 = vector.broadcast %mul3A_515 : i32 to vector<16xi32>
    %mul3A_517 = arith.muli %add3A_514, %mul3A_516 : vector<16xi32>
    %scan3A_518 = arith.constant 0 : i32
    %scan3A_519 = arith.constant 200 : i32
    %scan3A_520 = arith.addi %scan3A_518, %scan3A_519 : i32
    %scan3A_521 = arith.constant 1 : i32
    %scan3A_522:4 = scf.for %scan3A_672 = %scan3A_518 to %scan3A_520 step %scan3A_521 iter_args(%scan3A_673 = %get3A_10, %scan3A_674 = %get3A_12, %scan3A_675 = %get3A_14, %scan3A_676 = %get3A_16) -> (vector<16xf32>, vector<16xf32>, vector<16xf32>, vector<16xf32>)  : i32 {
      %broadcast_in_dim3A_677 = vector.broadcast %scan3A_672 : i32 to vector<16xi32>
      %add3A_678 = arith.addi %mul3A_517, %broadcast_in_dim3A_677 : vector<16xi32>
      %gather3A = tpu.vector_load_idx %arg8[%add3A_678] : memref<12800xi32, #tpu.memory_space<vmem>>[vector<16xi32>], vector<16xi32>,
      %mul3A_679 = arith.constant 4 : i32
      %mul3A_680 = vector.broadcast %mul3A_679 : i32 to vector<16xi32>
      %mul3A_681 = arith.muli %gather3A, %mul3A_680 : vector<16xi32>
      %add3A_682 = arith.addi %mul3A_681, %broadcast_in_dim3A_3 : vector<16xi32>
      %gather3A_683 = tpu.vector_load_idx %arg6[%add3A_682] : memref<4032xf32, #tpu.memory_space<vmem>>[vector<16xi32>], vector<16xf32>,
      %add3A_684 = arith.addf %scan3A_673, %gather3A_683 : vector<16xf32>
      %add3A_685 = arith.addi %mul3A_681, %broadcast_in_dim3A_5 : vector<16xi32>
      %gather3A_686 = tpu.vector_load_idx %arg6[%add3A_685] : memref<4032xf32, #tpu.memory_space<vmem>>[vector<16xi32>], vector<16xf32>,
      %add3A_687 = arith.addf %scan3A_674, %gather3A_686 : vector<16xf32>
      %add3A_688 = arith.addi %mul3A_681, %broadcast_in_dim3A_7 : vector<16xi32>
      %gather3A_689 = tpu.vector_load_idx %arg6[%add3A_688] : memref<4032xf32, #tpu.memory_space<vmem>>[vector<16xi32>], vector<16xf32>,
      %add3A_690 = arith.addf %scan3A_675, %gather3A_689 : vector<16xf32>
      %add3A_691 = arith.addi %mul3A_681, %broadcast_in_dim3A_9 : vector<16xi32>
      %gather3A_692 = tpu.vector_load_idx %arg6[%add3A_691] : memref<4032xf32, #tpu.memory_space<vmem>>[vector<16xi32>], vector<16xf32>,
      %add3A_693 = arith.addf %scan3A_676, %gather3A_692 : vector<16xf32>
      scf.yield %add3A_684, %add3A_687, %add3A_690, %add3A_693 : vector<16xf32>, vector<16xf32>, vector<16xf32>, vector<16xf32>
    }
    %scan3A_523 = arith.constant 200 : i32
    %mul3A_524 = arith.constant 4 : i32
    %mul3A_525 = vector.broadcast %mul3A_524 : i32 to vector<16xi32>
    %mul3A_526 = arith.muli %add3A_514, %mul3A_525 : vector<16xi32>
    %add3A_527 = arith.addi %mul3A_526, %broadcast_in_dim3A_3 : vector<16xi32>
    tpu.vector_store_idx %arg9[%add3A_527], %scan3A_522#0 : memref<256xf32, #tpu.memory_space<vmem>>[vector<16xi32>], vector<16xf32>,
    %add3A_528 = arith.addi %mul3A_526, %broadcast_in_dim3A_5 : vector<16xi32>
    tpu.vector_store_idx %arg9[%add3A_528], %scan3A_522#1 : memref<256xf32, #tpu.memory_space<vmem>>[vector<16xi32>], vector<16xf32>,
    %add3A_529 = arith.addi %mul3A_526, %broadcast_in_dim3A_7 : vector<16xi32>
    tpu.vector_store_idx %arg9[%add3A_529], %scan3A_522#2 : memref<256xf32, #tpu.memory_space<vmem>>[vector<16xi32>], vector<16xf32>,
    %add3A_530 = arith.addi %mul3A_526, %broadcast_in_dim3A_9 : vector<16xi32>
    tpu.vector_store_idx %arg9[%add3A_530], %scan3A_522#3 : memref<256xf32, #tpu.memory_space<vmem>>[vector<16xi32>], vector<16xf32>,
    %add3A_531 = arith.constant 16 : i32
    %add3A_532 = vector.broadcast %add3A_531 : i32 to vector<16xi32>
    %add3A_533 = arith.addi %add3A_532, %iota3A : vector<16xi32>
    %mul3A_534 = arith.constant 200 : i32
    %mul3A_535 = vector.broadcast %mul3A_534 : i32 to vector<16xi32>
    %mul3A_536 = arith.muli %add3A_533, %mul3A_535 : vector<16xi32>
    %scan3A_537 = arith.constant 0 : i32
    %scan3A_538 = arith.constant 200 : i32
    %scan3A_539 = arith.addi %scan3A_537, %scan3A_538 : i32
    %scan3A_540 = arith.constant 1 : i32
    %scan3A_541:4 = scf.for %scan3A_672 = %scan3A_537 to %scan3A_539 step %scan3A_540 iter_args(%scan3A_673 = %get3A_10, %scan3A_674 = %get3A_12, %scan3A_675 = %get3A_14, %scan3A_676 = %get3A_16) -> (vector<16xf32>, vector<16xf32>, vector<16xf32>, vector<16xf32>)  : i32 {
      %broadcast_in_dim3A_677 = vector.broadcast %scan3A_672 : i32 to vector<16xi32>
      %add3A_678 = arith.addi %mul3A_536, %broadcast_in_dim3A_677 : vector<16xi32>
      %gather3A = tpu.vector_load_idx %arg8[%add3A_678] : memref<12800xi32, #tpu.memory_space<vmem>>[vector<16xi32>], vector<16xi32>,
      %mul3A_679 = arith.constant 4 : i32
      %mul3A_680 = vector.broadcast %mul3A_679 : i32 to vector<16xi32>
      %mul3A_681 = arith.muli %gather3A, %mul3A_680 : vector<16xi32>
      %add3A_682 = arith.addi %mul3A_681, %broadcast_in_dim3A_3 : vector<16xi32>
      %gather3A_683 = tpu.vector_load_idx %arg6[%add3A_682] : memref<4032xf32, #tpu.memory_space<vmem>>[vector<16xi32>], vector<16xf32>,
      %add3A_684 = arith.addf %scan3A_673, %gather3A_683 : vector<16xf32>
      %add3A_685 = arith.addi %mul3A_681, %broadcast_in_dim3A_5 : vector<16xi32>
      %gather3A_686 = tpu.vector_load_idx %arg6[%add3A_685] : memref<4032xf32, #tpu.memory_space<vmem>>[vector<16xi32>], vector<16xf32>,
      %add3A_687 = arith.addf %scan3A_674, %gather3A_686 : vector<16xf32>
      %add3A_688 = arith.addi %mul3A_681, %broadcast_in_dim3A_7 : vector<16xi32>
      %gather3A_689 = tpu.vector_load_idx %arg6[%add3A_688] : memref<4032xf32, #tpu.memory_space<vmem>>[vector<16xi32>], vector<16xf32>,
      %add3A_690 = arith.addf %scan3A_675, %gather3A_689 : vector<16xf32>
      %add3A_691 = arith.addi %mul3A_681, %broadcast_in_dim3A_9 : vector<16xi32>
      %gather3A_692 = tpu.vector_load_idx %arg6[%add3A_691] : memref<4032xf32, #tpu.memory_space<vmem>>[vector<16xi32>], vector<16xf32>,
      %add3A_693 = arith.addf %scan3A_676, %gather3A_692 : vector<16xf32>
      scf.yield %add3A_684, %add3A_687, %add3A_690, %add3A_693 : vector<16xf32>, vector<16xf32>, vector<16xf32>, vector<16xf32>
    }
    %scan3A_542 = arith.constant 200 : i32
    %mul3A_543 = arith.constant 4 : i32
    %mul3A_544 = vector.broadcast %mul3A_543 : i32 to vector<16xi32>
    %mul3A_545 = arith.muli %add3A_533, %mul3A_544 : vector<16xi32>
    %add3A_546 = arith.addi %mul3A_545, %broadcast_in_dim3A_3 : vector<16xi32>
    tpu.vector_store_idx %arg9[%add3A_546], %scan3A_541#0 : memref<256xf32, #tpu.memory_space<vmem>>[vector<16xi32>], vector<16xf32>,
    %add3A_547 = arith.addi %mul3A_545, %broadcast_in_dim3A_5 : vector<16xi32>
    tpu.vector_store_idx %arg9[%add3A_547], %scan3A_541#1 : memref<256xf32, #tpu.memory_space<vmem>>[vector<16xi32>], vector<16xf32>,
    %add3A_548 = arith.addi %mul3A_545, %broadcast_in_dim3A_7 : vector<16xi32>
    tpu.vector_store_idx %arg9[%add3A_548], %scan3A_541#2 : memref<256xf32, #tpu.memory_space<vmem>>[vector<16xi32>], vector<16xf32>,
    %add3A_549 = arith.addi %mul3A_545, %broadcast_in_dim3A_9 : vector<16xi32>
    tpu.vector_store_idx %arg9[%add3A_549], %scan3A_541#3 : memref<256xf32, #tpu.memory_space<vmem>>[vector<16xi32>], vector<16xf32>,
    %add3A_550 = arith.constant 32 : i32
    %add3A_551 = vector.broadcast %add3A_550 : i32 to vector<16xi32>
    %add3A_552 = arith.addi %add3A_551, %iota3A : vector<16xi32>
    %mul3A_553 = arith.constant 200 : i32
    %mul3A_554 = vector.broadcast %mul3A_553 : i32 to vector<16xi32>
    %mul3A_555 = arith.muli %add3A_552, %mul3A_554 : vector<16xi32>
    %scan3A_556 = arith.constant 0 : i32
    %scan3A_557 = arith.constant 200 : i32
    %scan3A_558 = arith.addi %scan3A_556, %scan3A_557 : i32
    %scan3A_559 = arith.constant 1 : i32
    %scan3A_560:4 = scf.for %scan3A_672 = %scan3A_556 to %scan3A_558 step %scan3A_559 iter_args(%scan3A_673 = %get3A_10, %scan3A_674 = %get3A_12, %scan3A_675 = %get3A_14, %scan3A_676 = %get3A_16) -> (vector<16xf32>, vector<16xf32>, vector<16xf32>, vector<16xf32>)  : i32 {
      %broadcast_in_dim3A_677 = vector.broadcast %scan3A_672 : i32 to vector<16xi32>
      %add3A_678 = arith.addi %mul3A_555, %broadcast_in_dim3A_677 : vector<16xi32>
      %gather3A = tpu.vector_load_idx %arg8[%add3A_678] : memref<12800xi32, #tpu.memory_space<vmem>>[vector<16xi32>], vector<16xi32>,
      %mul3A_679 = arith.constant 4 : i32
      %mul3A_680 = vector.broadcast %mul3A_679 : i32 to vector<16xi32>
      %mul3A_681 = arith.muli %gather3A, %mul3A_680 : vector<16xi32>
      %add3A_682 = arith.addi %mul3A_681, %broadcast_in_dim3A_3 : vector<16xi32>
      %gather3A_683 = tpu.vector_load_idx %arg6[%add3A_682] : memref<4032xf32, #tpu.memory_space<vmem>>[vector<16xi32>], vector<16xf32>,
      %add3A_684 = arith.addf %scan3A_673, %gather3A_683 : vector<16xf32>
      %add3A_685 = arith.addi %mul3A_681, %broadcast_in_dim3A_5 : vector<16xi32>
      %gather3A_686 = tpu.vector_load_idx %arg6[%add3A_685] : memref<4032xf32, #tpu.memory_space<vmem>>[vector<16xi32>], vector<16xf32>,
      %add3A_687 = arith.addf %scan3A_674, %gather3A_686 : vector<16xf32>
      %add3A_688 = arith.addi %mul3A_681, %broadcast_in_dim3A_7 : vector<16xi32>
      %gather3A_689 = tpu.vector_load_idx %arg6[%add3A_688] : memref<4032xf32, #tpu.memory_space<vmem>>[vector<16xi32>], vector<16xf32>,
      %add3A_690 = arith.addf %scan3A_675, %gather3A_689 : vector<16xf32>
      %add3A_691 = arith.addi %mul3A_681, %broadcast_in_dim3A_9 : vector<16xi32>
      %gather3A_692 = tpu.vector_load_idx %arg6[%add3A_691] : memref<4032xf32, #tpu.memory_space<vmem>>[vector<16xi32>], vector<16xf32>,
      %add3A_693 = arith.addf %scan3A_676, %gather3A_692 : vector<16xf32>
      scf.yield %add3A_684, %add3A_687, %add3A_690, %add3A_693 : vector<16xf32>, vector<16xf32>, vector<16xf32>, vector<16xf32>
    }
    %scan3A_561 = arith.constant 200 : i32
    %mul3A_562 = arith.constant 4 : i32
    %mul3A_563 = vector.broadcast %mul3A_562 : i32 to vector<16xi32>
    %mul3A_564 = arith.muli %add3A_552, %mul3A_563 : vector<16xi32>
    %add3A_565 = arith.addi %mul3A_564, %broadcast_in_dim3A_3 : vector<16xi32>
    tpu.vector_store_idx %arg9[%add3A_565], %scan3A_560#0 : memref<256xf32, #tpu.memory_space<vmem>>[vector<16xi32>], vector<16xf32>,
    %add3A_566 = arith.addi %mul3A_564, %broadcast_in_dim3A_5 : vector<16xi32>
    tpu.vector_store_idx %arg9[%add3A_566], %scan3A_560#1 : memref<256xf32, #tpu.memory_space<vmem>>[vector<16xi32>], vector<16xf32>,
    %add3A_567 = arith.addi %mul3A_564, %broadcast_in_dim3A_7 : vector<16xi32>
    tpu.vector_store_idx %arg9[%add3A_567], %scan3A_560#2 : memref<256xf32, #tpu.memory_space<vmem>>[vector<16xi32>], vector<16xf32>,
    %add3A_568 = arith.addi %mul3A_564, %broadcast_in_dim3A_9 : vector<16xi32>
    tpu.vector_store_idx %arg9[%add3A_568], %scan3A_560#3 : memref<256xf32, #tpu.memory_space<vmem>>[vector<16xi32>], vector<16xf32>,
    %add3A_569 = arith.constant 48 : i32
    %add3A_570 = vector.broadcast %add3A_569 : i32 to vector<16xi32>
    %add3A_571 = arith.addi %add3A_570, %iota3A : vector<16xi32>
    %mul3A_572 = arith.constant 200 : i32
    %mul3A_573 = vector.broadcast %mul3A_572 : i32 to vector<16xi32>
    %mul3A_574 = arith.muli %add3A_571, %mul3A_573 : vector<16xi32>
    %scan3A_575 = arith.constant 0 : i32
    %scan3A_576 = arith.constant 200 : i32
    %scan3A_577 = arith.addi %scan3A_575, %scan3A_576 : i32
    %scan3A_578 = arith.constant 1 : i32
    %scan3A_579:4 = scf.for %scan3A_672 = %scan3A_575 to %scan3A_577 step %scan3A_578 iter_args(%scan3A_673 = %get3A_10, %scan3A_674 = %get3A_12, %scan3A_675 = %get3A_14, %scan3A_676 = %get3A_16) -> (vector<16xf32>, vector<16xf32>, vector<16xf32>, vector<16xf32>)  : i32 {
      %broadcast_in_dim3A_677 = vector.broadcast %scan3A_672 : i32 to vector<16xi32>
      %add3A_678 = arith.addi %mul3A_574, %broadcast_in_dim3A_677 : vector<16xi32>
      %gather3A = tpu.vector_load_idx %arg8[%add3A_678] : memref<12800xi32, #tpu.memory_space<vmem>>[vector<16xi32>], vector<16xi32>,
      %mul3A_679 = arith.constant 4 : i32
      %mul3A_680 = vector.broadcast %mul3A_679 : i32 to vector<16xi32>
      %mul3A_681 = arith.muli %gather3A, %mul3A_680 : vector<16xi32>
      %add3A_682 = arith.addi %mul3A_681, %broadcast_in_dim3A_3 : vector<16xi32>
      %gather3A_683 = tpu.vector_load_idx %arg6[%add3A_682] : memref<4032xf32, #tpu.memory_space<vmem>>[vector<16xi32>], vector<16xf32>,
      %add3A_684 = arith.addf %scan3A_673, %gather3A_683 : vector<16xf32>
      %add3A_685 = arith.addi %mul3A_681, %broadcast_in_dim3A_5 : vector<16xi32>
      %gather3A_686 = tpu.vector_load_idx %arg6[%add3A_685] : memref<4032xf32, #tpu.memory_space<vmem>>[vector<16xi32>], vector<16xf32>,
      %add3A_687 = arith.addf %scan3A_674, %gather3A_686 : vector<16xf32>
      %add3A_688 = arith.addi %mul3A_681, %broadcast_in_dim3A_7 : vector<16xi32>
      %gather3A_689 = tpu.vector_load_idx %arg6[%add3A_688] : memref<4032xf32, #tpu.memory_space<vmem>>[vector<16xi32>], vector<16xf32>,
      %add3A_690 = arith.addf %scan3A_675, %gather3A_689 : vector<16xf32>
      %add3A_691 = arith.addi %mul3A_681, %broadcast_in_dim3A_9 : vector<16xi32>
      %gather3A_692 = tpu.vector_load_idx %arg6[%add3A_691] : memref<4032xf32, #tpu.memory_space<vmem>>[vector<16xi32>], vector<16xf32>,
      %add3A_693 = arith.addf %scan3A_676, %gather3A_692 : vector<16xf32>
      scf.yield %add3A_684, %add3A_687, %add3A_690, %add3A_693 : vector<16xf32>, vector<16xf32>, vector<16xf32>, vector<16xf32>
    }
    %scan3A_580 = arith.constant 200 : i32
    %mul3A_581 = arith.constant 4 : i32
    %mul3A_582 = vector.broadcast %mul3A_581 : i32 to vector<16xi32>
    %mul3A_583 = arith.muli %add3A_571, %mul3A_582 : vector<16xi32>
    %add3A_584 = arith.addi %mul3A_583, %broadcast_in_dim3A_3 : vector<16xi32>
    tpu.vector_store_idx %arg9[%add3A_584], %scan3A_579#0 : memref<256xf32, #tpu.memory_space<vmem>>[vector<16xi32>], vector<16xf32>,
    %add3A_585 = arith.addi %mul3A_583, %broadcast_in_dim3A_5 : vector<16xi32>
    tpu.vector_store_idx %arg9[%add3A_585], %scan3A_579#1 : memref<256xf32, #tpu.memory_space<vmem>>[vector<16xi32>], vector<16xf32>,
    %add3A_586 = arith.addi %mul3A_583, %broadcast_in_dim3A_7 : vector<16xi32>
    tpu.vector_store_idx %arg9[%add3A_586], %scan3A_579#2 : memref<256xf32, #tpu.memory_space<vmem>>[vector<16xi32>], vector<16xf32>,
    %add3A_587 = arith.addi %mul3A_583, %broadcast_in_dim3A_9 : vector<16xi32>
    tpu.vector_store_idx %arg9[%add3A_587], %scan3A_579#3 : memref<256xf32, #tpu.memory_space<vmem>>[vector<16xi32>], vector<16xf32>,
    %mul3A_588 = arith.constant 4 : i32
    %mul3A_589 = arith.muli %add3A_509, %mul3A_588 : i32
    "tpu.region"() ({
      %run_scoped3A = tpu.sem_alloc : memref<!tpu.dma_semaphore, #tpu.memory_space<semaphore_mem>>
      %dma_start3A = tpu.memref_slice %arg5[%mul3A_589] : memref<65536xf32, #tpu.memory_space<hbm>> -> memref<256xf32, #tpu.memory_space<hbm>>
      %dma_start3A_672 = tpu.memref_slice %arg5[%mul3A_589] : memref<65536xf32, #tpu.memory_space<hbm>> -> memref<256xf32, #tpu.memory_space<hbm>>
      tpu.enqueue_dma source(%arg9 : memref<256xf32, #tpu.memory_space<vmem>>) target(%dma_start3A_672 : memref<256xf32, #tpu.memory_space<hbm>>) target_semaphore(%run_scoped3A : memref<!tpu.dma_semaphore, #tpu.memory_space<semaphore_mem>>)
      %dma_wait3A = tpu.memref_slice %arg5[%mul3A_589] : memref<65536xf32, #tpu.memory_space<hbm>> -> memref<256xf32, #tpu.memory_space<hbm>>
      %dma_wait3A_673 = tpu.memref_slice %arg5[%mul3A_589] : memref<65536xf32, #tpu.memory_space<hbm>> -> memref<256xf32, #tpu.memory_space<hbm>>
      tpu.wait_dma2 semaphore(%run_scoped3A : memref<!tpu.dma_semaphore, #tpu.memory_space<semaphore_mem>>) src(%arg9 : memref<256xf32, #tpu.memory_space<vmem>>) dst(%dma_wait3A_673 : memref<256xf32, #tpu.memory_space<hbm>>)
      tpu.yield
    }) : () -> ()
    %add3A_590 = arith.constant 448 : i32
    %add3A_591 = arith.addi %mul3A_2, %add3A_590 : i32
    %mul3A_592 = arith.constant 200 : i32
    %mul3A_593 = arith.muli %add3A_591, %mul3A_592 : i32
    "tpu.region"() ({
      %run_scoped3A = tpu.sem_alloc : memref<!tpu.dma_semaphore, #tpu.memory_space<semaphore_mem>>
      %dma_start3A = tpu.memref_slice %arg2[%mul3A_593] : memref<3276800xi32, #tpu.memory_space<hbm>> -> memref<12800xi32, #tpu.memory_space<hbm>>
      %dma_start3A_672 = tpu.memref_slice %arg2[%mul3A_593] : memref<3276800xi32, #tpu.memory_space<hbm>> -> memref<12800xi32, #tpu.memory_space<hbm>>
      tpu.enqueue_dma source(%dma_start3A_672 : memref<12800xi32, #tpu.memory_space<hbm>>) target(%arg8 : memref<12800xi32, #tpu.memory_space<vmem>>) target_semaphore(%run_scoped3A : memref<!tpu.dma_semaphore, #tpu.memory_space<semaphore_mem>>)
      %dma_wait3A = tpu.memref_slice %arg2[%mul3A_593] : memref<3276800xi32, #tpu.memory_space<hbm>> -> memref<12800xi32, #tpu.memory_space<hbm>>
      %dma_wait3A_673 = tpu.memref_slice %arg2[%mul3A_593] : memref<3276800xi32, #tpu.memory_space<hbm>> -> memref<12800xi32, #tpu.memory_space<hbm>>
      tpu.wait_dma2 semaphore(%run_scoped3A : memref<!tpu.dma_semaphore, #tpu.memory_space<semaphore_mem>>) src(%dma_wait3A_673 : memref<12800xi32, #tpu.memory_space<hbm>>) dst(%arg8 : memref<12800xi32, #tpu.memory_space<vmem>>)
      tpu.yield
    }) : () -> ()
    %add3A_594 = arith.constant 0 : i32
    %add3A_595 = vector.broadcast %add3A_594 : i32 to vector<16xi32>
    %add3A_596 = arith.addi %add3A_595, %iota3A : vector<16xi32>
    %mul3A_597 = arith.constant 200 : i32
    %mul3A_598 = vector.broadcast %mul3A_597 : i32 to vector<16xi32>
    %mul3A_599 = arith.muli %add3A_596, %mul3A_598 : vector<16xi32>
    %scan3A_600 = arith.constant 0 : i32
    %scan3A_601 = arith.constant 200 : i32
    %scan3A_602 = arith.addi %scan3A_600, %scan3A_601 : i32
    %scan3A_603 = arith.constant 1 : i32
    %scan3A_604:4 = scf.for %scan3A_672 = %scan3A_600 to %scan3A_602 step %scan3A_603 iter_args(%scan3A_673 = %get3A_10, %scan3A_674 = %get3A_12, %scan3A_675 = %get3A_14, %scan3A_676 = %get3A_16) -> (vector<16xf32>, vector<16xf32>, vector<16xf32>, vector<16xf32>)  : i32 {
      %broadcast_in_dim3A_677 = vector.broadcast %scan3A_672 : i32 to vector<16xi32>
      %add3A_678 = arith.addi %mul3A_599, %broadcast_in_dim3A_677 : vector<16xi32>
      %gather3A = tpu.vector_load_idx %arg8[%add3A_678] : memref<12800xi32, #tpu.memory_space<vmem>>[vector<16xi32>], vector<16xi32>,
      %mul3A_679 = arith.constant 4 : i32
      %mul3A_680 = vector.broadcast %mul3A_679 : i32 to vector<16xi32>
      %mul3A_681 = arith.muli %gather3A, %mul3A_680 : vector<16xi32>
      %add3A_682 = arith.addi %mul3A_681, %broadcast_in_dim3A_3 : vector<16xi32>
      %gather3A_683 = tpu.vector_load_idx %arg6[%add3A_682] : memref<4032xf32, #tpu.memory_space<vmem>>[vector<16xi32>], vector<16xf32>,
      %add3A_684 = arith.addf %scan3A_673, %gather3A_683 : vector<16xf32>
      %add3A_685 = arith.addi %mul3A_681, %broadcast_in_dim3A_5 : vector<16xi32>
      %gather3A_686 = tpu.vector_load_idx %arg6[%add3A_685] : memref<4032xf32, #tpu.memory_space<vmem>>[vector<16xi32>], vector<16xf32>,
      %add3A_687 = arith.addf %scan3A_674, %gather3A_686 : vector<16xf32>
      %add3A_688 = arith.addi %mul3A_681, %broadcast_in_dim3A_7 : vector<16xi32>
      %gather3A_689 = tpu.vector_load_idx %arg6[%add3A_688] : memref<4032xf32, #tpu.memory_space<vmem>>[vector<16xi32>], vector<16xf32>,
      %add3A_690 = arith.addf %scan3A_675, %gather3A_689 : vector<16xf32>
      %add3A_691 = arith.addi %mul3A_681, %broadcast_in_dim3A_9 : vector<16xi32>
      %gather3A_692 = tpu.vector_load_idx %arg6[%add3A_691] : memref<4032xf32, #tpu.memory_space<vmem>>[vector<16xi32>], vector<16xf32>,
      %add3A_693 = arith.addf %scan3A_676, %gather3A_692 : vector<16xf32>
      scf.yield %add3A_684, %add3A_687, %add3A_690, %add3A_693 : vector<16xf32>, vector<16xf32>, vector<16xf32>, vector<16xf32>
    }
    %scan3A_605 = arith.constant 200 : i32
    %mul3A_606 = arith.constant 4 : i32
    %mul3A_607 = vector.broadcast %mul3A_606 : i32 to vector<16xi32>
    %mul3A_608 = arith.muli %add3A_596, %mul3A_607 : vector<16xi32>
    %add3A_609 = arith.addi %mul3A_608, %broadcast_in_dim3A_3 : vector<16xi32>
    tpu.vector_store_idx %arg9[%add3A_609], %scan3A_604#0 : memref<256xf32, #tpu.memory_space<vmem>>[vector<16xi32>], vector<16xf32>,
    %add3A_610 = arith.addi %mul3A_608, %broadcast_in_dim3A_5 : vector<16xi32>
    tpu.vector_store_idx %arg9[%add3A_610], %scan3A_604#1 : memref<256xf32, #tpu.memory_space<vmem>>[vector<16xi32>], vector<16xf32>,
    %add3A_611 = arith.addi %mul3A_608, %broadcast_in_dim3A_7 : vector<16xi32>
    tpu.vector_store_idx %arg9[%add3A_611], %scan3A_604#2 : memref<256xf32, #tpu.memory_space<vmem>>[vector<16xi32>], vector<16xf32>,
    %add3A_612 = arith.addi %mul3A_608, %broadcast_in_dim3A_9 : vector<16xi32>
    tpu.vector_store_idx %arg9[%add3A_612], %scan3A_604#3 : memref<256xf32, #tpu.memory_space<vmem>>[vector<16xi32>], vector<16xf32>,
    %add3A_613 = arith.constant 16 : i32
    %add3A_614 = vector.broadcast %add3A_613 : i32 to vector<16xi32>
    %add3A_615 = arith.addi %add3A_614, %iota3A : vector<16xi32>
    %mul3A_616 = arith.constant 200 : i32
    %mul3A_617 = vector.broadcast %mul3A_616 : i32 to vector<16xi32>
    %mul3A_618 = arith.muli %add3A_615, %mul3A_617 : vector<16xi32>
    %scan3A_619 = arith.constant 0 : i32
    %scan3A_620 = arith.constant 200 : i32
    %scan3A_621 = arith.addi %scan3A_619, %scan3A_620 : i32
    %scan3A_622 = arith.constant 1 : i32
    %scan3A_623:4 = scf.for %scan3A_672 = %scan3A_619 to %scan3A_621 step %scan3A_622 iter_args(%scan3A_673 = %get3A_10, %scan3A_674 = %get3A_12, %scan3A_675 = %get3A_14, %scan3A_676 = %get3A_16) -> (vector<16xf32>, vector<16xf32>, vector<16xf32>, vector<16xf32>)  : i32 {
      %broadcast_in_dim3A_677 = vector.broadcast %scan3A_672 : i32 to vector<16xi32>
      %add3A_678 = arith.addi %mul3A_618, %broadcast_in_dim3A_677 : vector<16xi32>
      %gather3A = tpu.vector_load_idx %arg8[%add3A_678] : memref<12800xi32, #tpu.memory_space<vmem>>[vector<16xi32>], vector<16xi32>,
      %mul3A_679 = arith.constant 4 : i32
      %mul3A_680 = vector.broadcast %mul3A_679 : i32 to vector<16xi32>
      %mul3A_681 = arith.muli %gather3A, %mul3A_680 : vector<16xi32>
      %add3A_682 = arith.addi %mul3A_681, %broadcast_in_dim3A_3 : vector<16xi32>
      %gather3A_683 = tpu.vector_load_idx %arg6[%add3A_682] : memref<4032xf32, #tpu.memory_space<vmem>>[vector<16xi32>], vector<16xf32>,
      %add3A_684 = arith.addf %scan3A_673, %gather3A_683 : vector<16xf32>
      %add3A_685 = arith.addi %mul3A_681, %broadcast_in_dim3A_5 : vector<16xi32>
      %gather3A_686 = tpu.vector_load_idx %arg6[%add3A_685] : memref<4032xf32, #tpu.memory_space<vmem>>[vector<16xi32>], vector<16xf32>,
      %add3A_687 = arith.addf %scan3A_674, %gather3A_686 : vector<16xf32>
      %add3A_688 = arith.addi %mul3A_681, %broadcast_in_dim3A_7 : vector<16xi32>
      %gather3A_689 = tpu.vector_load_idx %arg6[%add3A_688] : memref<4032xf32, #tpu.memory_space<vmem>>[vector<16xi32>], vector<16xf32>,
      %add3A_690 = arith.addf %scan3A_675, %gather3A_689 : vector<16xf32>
      %add3A_691 = arith.addi %mul3A_681, %broadcast_in_dim3A_9 : vector<16xi32>
      %gather3A_692 = tpu.vector_load_idx %arg6[%add3A_691] : memref<4032xf32, #tpu.memory_space<vmem>>[vector<16xi32>], vector<16xf32>,
      %add3A_693 = arith.addf %scan3A_676, %gather3A_692 : vector<16xf32>
      scf.yield %add3A_684, %add3A_687, %add3A_690, %add3A_693 : vector<16xf32>, vector<16xf32>, vector<16xf32>, vector<16xf32>
    }
    %scan3A_624 = arith.constant 200 : i32
    %mul3A_625 = arith.constant 4 : i32
    %mul3A_626 = vector.broadcast %mul3A_625 : i32 to vector<16xi32>
    %mul3A_627 = arith.muli %add3A_615, %mul3A_626 : vector<16xi32>
    %add3A_628 = arith.addi %mul3A_627, %broadcast_in_dim3A_3 : vector<16xi32>
    tpu.vector_store_idx %arg9[%add3A_628], %scan3A_623#0 : memref<256xf32, #tpu.memory_space<vmem>>[vector<16xi32>], vector<16xf32>,
    %add3A_629 = arith.addi %mul3A_627, %broadcast_in_dim3A_5 : vector<16xi32>
    tpu.vector_store_idx %arg9[%add3A_629], %scan3A_623#1 : memref<256xf32, #tpu.memory_space<vmem>>[vector<16xi32>], vector<16xf32>,
    %add3A_630 = arith.addi %mul3A_627, %broadcast_in_dim3A_7 : vector<16xi32>
    tpu.vector_store_idx %arg9[%add3A_630], %scan3A_623#2 : memref<256xf32, #tpu.memory_space<vmem>>[vector<16xi32>], vector<16xf32>,
    %add3A_631 = arith.addi %mul3A_627, %broadcast_in_dim3A_9 : vector<16xi32>
    tpu.vector_store_idx %arg9[%add3A_631], %scan3A_623#3 : memref<256xf32, #tpu.memory_space<vmem>>[vector<16xi32>], vector<16xf32>,
    %add3A_632 = arith.constant 32 : i32
    %add3A_633 = vector.broadcast %add3A_632 : i32 to vector<16xi32>
    %add3A_634 = arith.addi %add3A_633, %iota3A : vector<16xi32>
    %mul3A_635 = arith.constant 200 : i32
    %mul3A_636 = vector.broadcast %mul3A_635 : i32 to vector<16xi32>
    %mul3A_637 = arith.muli %add3A_634, %mul3A_636 : vector<16xi32>
    %scan3A_638 = arith.constant 0 : i32
    %scan3A_639 = arith.constant 200 : i32
    %scan3A_640 = arith.addi %scan3A_638, %scan3A_639 : i32
    %scan3A_641 = arith.constant 1 : i32
    %scan3A_642:4 = scf.for %scan3A_672 = %scan3A_638 to %scan3A_640 step %scan3A_641 iter_args(%scan3A_673 = %get3A_10, %scan3A_674 = %get3A_12, %scan3A_675 = %get3A_14, %scan3A_676 = %get3A_16) -> (vector<16xf32>, vector<16xf32>, vector<16xf32>, vector<16xf32>)  : i32 {
      %broadcast_in_dim3A_677 = vector.broadcast %scan3A_672 : i32 to vector<16xi32>
      %add3A_678 = arith.addi %mul3A_637, %broadcast_in_dim3A_677 : vector<16xi32>
      %gather3A = tpu.vector_load_idx %arg8[%add3A_678] : memref<12800xi32, #tpu.memory_space<vmem>>[vector<16xi32>], vector<16xi32>,
      %mul3A_679 = arith.constant 4 : i32
      %mul3A_680 = vector.broadcast %mul3A_679 : i32 to vector<16xi32>
      %mul3A_681 = arith.muli %gather3A, %mul3A_680 : vector<16xi32>
      %add3A_682 = arith.addi %mul3A_681, %broadcast_in_dim3A_3 : vector<16xi32>
      %gather3A_683 = tpu.vector_load_idx %arg6[%add3A_682] : memref<4032xf32, #tpu.memory_space<vmem>>[vector<16xi32>], vector<16xf32>,
      %add3A_684 = arith.addf %scan3A_673, %gather3A_683 : vector<16xf32>
      %add3A_685 = arith.addi %mul3A_681, %broadcast_in_dim3A_5 : vector<16xi32>
      %gather3A_686 = tpu.vector_load_idx %arg6[%add3A_685] : memref<4032xf32, #tpu.memory_space<vmem>>[vector<16xi32>], vector<16xf32>,
      %add3A_687 = arith.addf %scan3A_674, %gather3A_686 : vector<16xf32>
      %add3A_688 = arith.addi %mul3A_681, %broadcast_in_dim3A_7 : vector<16xi32>
      %gather3A_689 = tpu.vector_load_idx %arg6[%add3A_688] : memref<4032xf32, #tpu.memory_space<vmem>>[vector<16xi32>], vector<16xf32>,
      %add3A_690 = arith.addf %scan3A_675, %gather3A_689 : vector<16xf32>
      %add3A_691 = arith.addi %mul3A_681, %broadcast_in_dim3A_9 : vector<16xi32>
      %gather3A_692 = tpu.vector_load_idx %arg6[%add3A_691] : memref<4032xf32, #tpu.memory_space<vmem>>[vector<16xi32>], vector<16xf32>,
      %add3A_693 = arith.addf %scan3A_676, %gather3A_692 : vector<16xf32>
      scf.yield %add3A_684, %add3A_687, %add3A_690, %add3A_693 : vector<16xf32>, vector<16xf32>, vector<16xf32>, vector<16xf32>
    }
    %scan3A_643 = arith.constant 200 : i32
    %mul3A_644 = arith.constant 4 : i32
    %mul3A_645 = vector.broadcast %mul3A_644 : i32 to vector<16xi32>
    %mul3A_646 = arith.muli %add3A_634, %mul3A_645 : vector<16xi32>
    %add3A_647 = arith.addi %mul3A_646, %broadcast_in_dim3A_3 : vector<16xi32>
    tpu.vector_store_idx %arg9[%add3A_647], %scan3A_642#0 : memref<256xf32, #tpu.memory_space<vmem>>[vector<16xi32>], vector<16xf32>,
    %add3A_648 = arith.addi %mul3A_646, %broadcast_in_dim3A_5 : vector<16xi32>
    tpu.vector_store_idx %arg9[%add3A_648], %scan3A_642#1 : memref<256xf32, #tpu.memory_space<vmem>>[vector<16xi32>], vector<16xf32>,
    %add3A_649 = arith.addi %mul3A_646, %broadcast_in_dim3A_7 : vector<16xi32>
    tpu.vector_store_idx %arg9[%add3A_649], %scan3A_642#2 : memref<256xf32, #tpu.memory_space<vmem>>[vector<16xi32>], vector<16xf32>,
    %add3A_650 = arith.addi %mul3A_646, %broadcast_in_dim3A_9 : vector<16xi32>
    tpu.vector_store_idx %arg9[%add3A_650], %scan3A_642#3 : memref<256xf32, #tpu.memory_space<vmem>>[vector<16xi32>], vector<16xf32>,
    %add3A_651 = arith.constant 48 : i32
    %add3A_652 = vector.broadcast %add3A_651 : i32 to vector<16xi32>
    %add3A_653 = arith.addi %add3A_652, %iota3A : vector<16xi32>
    %mul3A_654 = arith.constant 200 : i32
    %mul3A_655 = vector.broadcast %mul3A_654 : i32 to vector<16xi32>
    %mul3A_656 = arith.muli %add3A_653, %mul3A_655 : vector<16xi32>
    %scan3A_657 = arith.constant 0 : i32
    %scan3A_658 = arith.constant 200 : i32
    %scan3A_659 = arith.addi %scan3A_657, %scan3A_658 : i32
    %scan3A_660 = arith.constant 1 : i32
    %scan3A_661:4 = scf.for %scan3A_672 = %scan3A_657 to %scan3A_659 step %scan3A_660 iter_args(%scan3A_673 = %get3A_10, %scan3A_674 = %get3A_12, %scan3A_675 = %get3A_14, %scan3A_676 = %get3A_16) -> (vector<16xf32>, vector<16xf32>, vector<16xf32>, vector<16xf32>)  : i32 {
      %broadcast_in_dim3A_677 = vector.broadcast %scan3A_672 : i32 to vector<16xi32>
      %add3A_678 = arith.addi %mul3A_656, %broadcast_in_dim3A_677 : vector<16xi32>
      %gather3A = tpu.vector_load_idx %arg8[%add3A_678] : memref<12800xi32, #tpu.memory_space<vmem>>[vector<16xi32>], vector<16xi32>,
      %mul3A_679 = arith.constant 4 : i32
      %mul3A_680 = vector.broadcast %mul3A_679 : i32 to vector<16xi32>
      %mul3A_681 = arith.muli %gather3A, %mul3A_680 : vector<16xi32>
      %add3A_682 = arith.addi %mul3A_681, %broadcast_in_dim3A_3 : vector<16xi32>
      %gather3A_683 = tpu.vector_load_idx %arg6[%add3A_682] : memref<4032xf32, #tpu.memory_space<vmem>>[vector<16xi32>], vector<16xf32>,
      %add3A_684 = arith.addf %scan3A_673, %gather3A_683 : vector<16xf32>
      %add3A_685 = arith.addi %mul3A_681, %broadcast_in_dim3A_5 : vector<16xi32>
      %gather3A_686 = tpu.vector_load_idx %arg6[%add3A_685] : memref<4032xf32, #tpu.memory_space<vmem>>[vector<16xi32>], vector<16xf32>,
      %add3A_687 = arith.addf %scan3A_674, %gather3A_686 : vector<16xf32>
      %add3A_688 = arith.addi %mul3A_681, %broadcast_in_dim3A_7 : vector<16xi32>
      %gather3A_689 = tpu.vector_load_idx %arg6[%add3A_688] : memref<4032xf32, #tpu.memory_space<vmem>>[vector<16xi32>], vector<16xf32>,
      %add3A_690 = arith.addf %scan3A_675, %gather3A_689 : vector<16xf32>
      %add3A_691 = arith.addi %mul3A_681, %broadcast_in_dim3A_9 : vector<16xi32>
      %gather3A_692 = tpu.vector_load_idx %arg6[%add3A_691] : memref<4032xf32, #tpu.memory_space<vmem>>[vector<16xi32>], vector<16xf32>,
      %add3A_693 = arith.addf %scan3A_676, %gather3A_692 : vector<16xf32>
      scf.yield %add3A_684, %add3A_687, %add3A_690, %add3A_693 : vector<16xf32>, vector<16xf32>, vector<16xf32>, vector<16xf32>
    }
    %scan3A_662 = arith.constant 200 : i32
    %mul3A_663 = arith.constant 4 : i32
    %mul3A_664 = vector.broadcast %mul3A_663 : i32 to vector<16xi32>
    %mul3A_665 = arith.muli %add3A_653, %mul3A_664 : vector<16xi32>
    %add3A_666 = arith.addi %mul3A_665, %broadcast_in_dim3A_3 : vector<16xi32>
    tpu.vector_store_idx %arg9[%add3A_666], %scan3A_661#0 : memref<256xf32, #tpu.memory_space<vmem>>[vector<16xi32>], vector<16xf32>,
    %add3A_667 = arith.addi %mul3A_665, %broadcast_in_dim3A_5 : vector<16xi32>
    tpu.vector_store_idx %arg9[%add3A_667], %scan3A_661#1 : memref<256xf32, #tpu.memory_space<vmem>>[vector<16xi32>], vector<16xf32>,
    %add3A_668 = arith.addi %mul3A_665, %broadcast_in_dim3A_7 : vector<16xi32>
    tpu.vector_store_idx %arg9[%add3A_668], %scan3A_661#2 : memref<256xf32, #tpu.memory_space<vmem>>[vector<16xi32>], vector<16xf32>,
    %add3A_669 = arith.addi %mul3A_665, %broadcast_in_dim3A_9 : vector<16xi32>
    tpu.vector_store_idx %arg9[%add3A_669], %scan3A_661#3 : memref<256xf32, #tpu.memory_space<vmem>>[vector<16xi32>], vector<16xf32>,
    %mul3A_670 = arith.constant 4 : i32
    %mul3A_671 = arith.muli %add3A_591, %mul3A_670 : i32
    "tpu.region"() ({
      %run_scoped3A = tpu.sem_alloc : memref<!tpu.dma_semaphore, #tpu.memory_space<semaphore_mem>>
      %dma_start3A = tpu.memref_slice %arg5[%mul3A_671] : memref<65536xf32, #tpu.memory_space<hbm>> -> memref<256xf32, #tpu.memory_space<hbm>>
      %dma_start3A_672 = tpu.memref_slice %arg5[%mul3A_671] : memref<65536xf32, #tpu.memory_space<hbm>> -> memref<256xf32, #tpu.memory_space<hbm>>
      tpu.enqueue_dma source(%arg9 : memref<256xf32, #tpu.memory_space<vmem>>) target(%dma_start3A_672 : memref<256xf32, #tpu.memory_space<hbm>>) target_semaphore(%run_scoped3A : memref<!tpu.dma_semaphore, #tpu.memory_space<semaphore_mem>>)
      %dma_wait3A = tpu.memref_slice %arg5[%mul3A_671] : memref<65536xf32, #tpu.memory_space<hbm>> -> memref<256xf32, #tpu.memory_space<hbm>>
      %dma_wait3A_673 = tpu.memref_slice %arg5[%mul3A_671] : memref<65536xf32, #tpu.memory_space<hbm>> -> memref<256xf32, #tpu.memory_space<hbm>>
      tpu.wait_dma2 semaphore(%run_scoped3A : memref<!tpu.dma_semaphore, #tpu.memory_space<semaphore_mem>>) src(%arg9 : memref<256xf32, #tpu.memory_space<vmem>>) dst(%dma_wait3A_673 : memref<256xf32, #tpu.memory_space<hbm>>)
      tpu.yield
    }) : () -> ()
    return
  }
}

module attributes {stable_mosaic.version = 14 : i64} {
  func.func @body(%arg0: memref<1008x8xf32, #tpu.memory_space<vmem>>, %arg1: memref<4x8xf32, #tpu.memory_space<vmem>>, %arg2: memref<1008x4xf32, #tpu.memory_space<vmem>>) attributes {dimension_semantics = [], scalar_prefetch = 0 : i64, scratch_operands = 0 : i64, tpu.core_type = #tpu.core_type<tc>} {
    %get3A = arith.constant 0 : index
    %get3A_0 = arith.constant 0 : index
    %get3A_1 = vector.load %arg0[%get3A, %get3A_0] : memref<1008x8xf32, #tpu.memory_space<vmem>>, vector<1008x8xf32>
    %iota3A = tpu.iota {dimensions = array<i32: 0>} : vector<1008x8xi32>
    %eq3A = arith.constant 0 : i32
    %eq3A_2 = vector.broadcast %eq3A : i32 to vector<1008x8xi32>
    %eq3A_3 = arith.cmpi eq, %iota3A, %eq3A_2 : vector<1008x8xi32>
    %jit3A = arith.constant 0.000000e+00 : f32
    %broadcast_in_dim3A = vector.broadcast %jit3A : f32 to vector<1008x8xf32>
    %select_n3A = arith.select %eq3A_3, %broadcast_in_dim3A, %get3A_1 : vector<1008x8xi1>, vector<1008x8xf32>
    %get3A_4 = arith.constant 0 : index
    %get3A_5 = arith.constant 0 : index
    %get3A_6 = vector.load %arg1[%get3A_4, %get3A_5] : memref<4x8xf32, #tpu.memory_space<vmem>>, vector<4x8xf32>
    %dot_general3A = arith.constant dense<0.000000e+00> : vector<1008x4xf32>
    %dot_general3A_7 = tpu.matmul %select_n3A, %get3A_6, %dot_general3A {dimension_numbers = #tpu.dot_dimension_numbers<[1], [1], [0], [0], [0, 0, 1, 0], [], []>, transpose_lhs_hint = false} : vector<1008x8xf32>, vector<4x8xf32>, vector<1008x4xf32> -> vector<1008x4xf32>
    %mul3A = arith.constant 5.000000e-03 : f32
    %mul3A_8 = vector.broadcast %mul3A : f32 to vector<1008x4xf32>
    %mul3A_9 = arith.mulf %dot_general3A_7, %mul3A_8 : vector<1008x4xf32>
    %swap3A = arith.constant 0 : index
    %swap3A_10 = arith.constant 0 : index
    %swap3A_11 = vector.load %arg2[%swap3A, %swap3A_10] : memref<1008x4xf32, #tpu.memory_space<vmem>>, vector<1008x4xf32>
    tpu.vector_store %arg2[%swap3A, %swap3A_10], %mul3A_9 {strides = array<i32>} : memref<1008x4xf32, #tpu.memory_space<vmem>>, vector<1008x4xf32>,
    return
  }
}

</mosaic_0001>

<sc_bundles>
// kernel: kernel.4.cloned.1.call-start
scs
__scs_entry_jumppad:
0x0: {  	(pc) =	sbr.rel $0x88, $3  }
0x1: {  	(tag) =	ssettag $0x0;
	lr =	simm.s32 $0x1  }
0x2: {  	[smem:$0x3F9D] =	sst lr;
	_ =	strace $0xD0000000  }
0x3: {  	_ = 	snop  }
0x4: {  	_ = 	snop  }
0x5: {  	_ = 	snop  }
0x6: {  	_ = 	snop  }
0x7: {  	_ = 	snop  }
__scs_overlays_trampoline_lowered:
0x8: {  	[smem:$0x3FAC] =	sst s0  }
0x9: {  	[smem:$0x3FAD] =	sst s1  }
0xa: {  	[smem:$0x3FAE] =	sst s2  }
0xb: {  	[smem:$0x3FAF] =	sst s3  }
0xc: {  	[smem:$0x3FB0] =	sst s4  }
0xd: {  	[smem:$0x3FB1] =	sst s5  }
0xe: {  	[smem:$0x3FB2] =	sst s6  }
0xf: {  	[smem:$0x3FB3] =	sst s7  }
0x10: {  	[smem:$0x3FB4] =	sst s8  }
0x11: {  	[smem:$0x3FB5] =	sst s9;
	s0 =	simm.s32 @!p0 $0x0  }
0x12: {  	s1 =	sld [smem:$0x3F9B];
	s0 =	simm.s32 @p0 $0x1  }
0x13: {  	[smem:$0x3FB6] =	sst s0;
	s0 =	simm.s32 @!p1 $0x0  }
0x14: {  	s2 =	sld [smem:$0x3F9A];
	s0 =	simm.s32 @p1 $0x1  }
0x15: {  	[smem:$0x3FB7] =	sst s0;
	s0 =	simm.s32 @!p2 $0x0  }
0x16: {  	s3 =	sld [smem:$0x3FDB];
	s0 =	simm.s32 @p2 $0x1  }
0x17: {  	s4 =	simm.s32 $0x1BF5;
	[smem:$0x3FB9] =	sst s0  }
0x18: {  	s0 =	sld [smem:$0x3F9C];
	_ =	swait.ge [sflag:s4], $0x0  }
0x19: {  	s7 =	sld [smem:$0x3F9D]  }
0x1a: {  	s8 =	sadd.s32 $0xFFFFE003, lr  }
0x1b: {  	s9 =	sadd.s32 $0xFFFFFEF7, lr;
	s5 =	simm.s32 $0xFFFFFFFF;
	p2 =	slt.u32 s8, $0xFFFFF086  }
0x1c: {  	p1 =	slt.u32 s9, $0xF7A;
	s5 =	simm.s32 @!p2 $0x0  }
0x1d: {  	s5 =	simm.s32 @p1 $0x1;
	p0 =	seq.s32 s7, s2  }
0x1e: {  	s7 =	smul.u32 @!p0 $0xF7A, s2;
	p2 =	seq.s32 @!p0 s5, $0x0  }
0x1f: {  	s9 =	smul.u32 $0xF7A, s1;
	s8 =	simm.s32 @!p0 $0x1BF5;
	p2 =	por !p2, p0  }
0x20: {  	[sflag:s8] =	ssyncset.s32 @!p0 $0xFFFFF086;
	s6 =	sadd.s32 @!p0 s3, s7;
	s7 =	simm.s32 @!p0 $0x108  }
0x21: {  	s3 =	sadd.s32 s3, s9;
	s6 =	sadd.s32 @!p0 $0x88, s6;
	s7 =	simm.s32 @p2 $0x1082  }
0x22: {  	[simem:s7], [sflag:s8] =	dma.local @!p0 [hbm:s6], $0xF7A  }
0x23: {  	s9 =	sor.u32 $0xD0000000, s2;
	s6 =	simm.s32 $0x108;
	_ =	swait.ge @!p0 [sflag:s8], $0x0  }
0x24: {  	s3 =	sadd.s32 $0x88, s3;
	s6 =	simm.s32 @!p1 $0x1082;
	[sflag:s4] =	ssyncset.s32 $0xFFFFF086  }
0x25: {  	[simem:s6], [sflag:s4] =	dma.local [hbm:s3], $0xF7A  }
0x26: {  	[smem:$0x3F9D] =	sst s1;
	(tag) =	ssettag s2;
	_ =	strace s9  }
0x27: {  	s1 =	sld [smem:$0x3FAD]  }
0x28: {  	s2 =	sld [smem:$0x3FAE]  }
0x29: {  	s4 =	sld [smem:$0x3FB0]  }
0x2a: {  	p0 =	seq.s32 s5, $0x0;
	s5 =	sld [smem:$0x3FB1]  }
0x2b: {  	s6 =	sld [smem:$0x3FB2]  }
0x2c: {  	s7 =	sld [smem:$0x3FB3]  }
0x2d: {  	s3 =	simm.s32 $0x108;
	s8 =	sld [smem:$0x3FB4]  }
0x2e: {  	s3 =	simm.s32 @!p0 $0x1082;
	s9 =	sld [smem:$0x3FB5]  }
0x2f: {  	lr =	sadd.s32 s0, s3;
	s0 =	sld [smem:$0x3FAC]  }
0x30: {  	s3 =	sld [smem:$0x3FAF]  }
0x31: {  	[smem:$0x3FB8] =	sst s10  }
0x32: {  	s10 =	sld [smem:$0x3FB6];
	_ =	sdelay $0x3  }
0x33: {  	p0 =	seq.s32 s10, $0x1;
	s10 =	sld [smem:$0x3FB8];
	_ =	sdelay $0x3  }
0x34: {  	[smem:$0x3FB8] =	sst s10  }
0x35: {  	s10 =	sld [smem:$0x3FB7];
	_ =	sdelay $0x3  }
0x36: {  	p1 =	seq.s32 s10, $0x1;
	s10 =	sld [smem:$0x3FB8];
	_ =	sdelay $0x3  }
0x37: {  	[smem:$0x3FB8] =	sst s10  }
0x38: {  	s10 =	sld [smem:$0x3FB9]  }
0x39: {  	_ = 	snop;
	(pc) =	sbr.ind lr, $3  }
0x3a: {  	_ = 	snop  }
0x3b: {  	_ = 	snop  }
0x3c: {  	p2 =	seq.s32 s10, $0x1;
	s10 =	sld [smem:$0x3FB8]  }
0x3d: {  	_ =	shalt  }
0x3e: {  	_ =	shalt  }
0x3f: {  	_ =	shalt  }
0x40: {  	_ =	shalt  }
0x41: {  	_ =	shalt  }
0x42: {  	_ =	shalt  }
0x43: {  	_ =	shalt  }
0x44: {  	_ =	shalt  }
0x45: {  	_ =	shalt  }
0x46: {  	_ =	shalt  }
0x47: {  	_ =	shalt  }
0x48: {  	_ =	shalt  }
0x49: {  	_ =	shalt  }
0x4a: {  	_ =	shalt  }
0x4b: {  	_ =	shalt  }
0x4c: {  	_ =	shalt  }
0x4d: {  	_ =	shalt  }
0x4e: {  	_ =	shalt  }
0x4f: {  	_ =	shalt  }
0x50: {  	_ =	shalt  }
0x51: {  	_ =	shalt  }
0x52: {  	_ =	shalt  }
0x53: {  	_ =	shalt  }
0x54: {  	_ =	shalt  }
0x55: {  	_ =	shalt  }
0x56: {  	_ =	shalt  }
0x57: {  	_ =	shalt  }
0x58: {  	_ =	shalt  }
0x59: {  	_ =	shalt  }
0x5a: {  	_ =	shalt  }
0x5b: {  	_ =	shalt  }
0x5c: {  	_ =	shalt  }
0x5d: {  	_ =	shalt  }
0x5e: {  	_ =	shalt  }
0x5f: {  	_ =	shalt  }
0x60: {  	_ =	shalt  }
0x61: {  	_ =	shalt  }
0x62: {  	_ =	shalt  }
0x63: {  	_ =	shalt  }
0x64: {  	_ =	shalt  }
0x65: {  	_ =	shalt  }
0x66: {  	_ =	shalt  }
0x67: {  	_ =	shalt  }
0x68: {  	_ =	shalt  }
0x69: {  	_ =	shalt  }
0x6a: {  	_ =	shalt  }
0x6b: {  	_ =	shalt  }
0x6c: {  	_ =	shalt  }
0x6d: {  	_ =	shalt  }
0x6e: {  	_ =	shalt  }
0x6f: {  	_ =	shalt  }
0x70: {  	_ =	shalt  }
0x71: {  	_ =	shalt  }
0x72: {  	_ =	shalt  }
0x73: {  	_ =	shalt  }
0x74: {  	_ =	shalt  }
0x75: {  	_ =	shalt  }
0x76: {  	_ =	shalt  }
0x77: {  	_ =	shalt  }
0x78: {  	_ =	shalt  }
0x79: {  	_ =	shalt  }
0x7a: {  	_ =	shalt  }
0x7b: {  	_ =	shalt  }
0x7c: {  	_ =	shalt  }
0x7d: {  	_ =	shalt  }
0x7e: {  	_ =	shalt  }
0x7f: {  	_ =	shalt  }
0x80: {  	_ =	shalt  }
0x81: {  	_ =	shalt  }
0x82: {  	_ =	shalt  }
0x83: {  	_ =	shalt  }
0x84: {  	_ =	shalt  }
0x85: {  	_ =	shalt  }
0x86: {  	_ =	shalt  }
0x87: {  	_ =	shalt  }
.Lfunc_end0:
.L_simem_size_0:
called_computation_lowered:
.L_overlay_start_0:
0x88: {  	s2 =	sld [smem:$0x3FD9]  }
0x89: {  	s3 =	sld [smem:$0x3FFE];
	_ =	sdelay $0x1  }
0x8a: {  	s1 =	srdreg.scid  }
0x8b: {  	s0 =	sand.u32 $0x1, s1  }
0x8c: {  	s17 =	sshll.u32 s0, $0xA;
	s2 =	sadd.s32 s3, s2  }
0x8d: {  	s2 =	sadd.s32 s2, s17  }
0x8e: {  	[smem:$0x3FC4] =	sst s2  }
0x8f: {  	_ = 	snop  }
0x90: {  	s2 =	sld [smem:$0x3FD0];
	(tm) =	ssettm $0x1  }
0x91: {  	s18 =	sld [smem:$0x3FFB];
	_ =	sdelay $0x3  }
0x92: {  	_ =	strace s18  }
0x93: {  	s3 =	sld [smem:$0x3FFC];
	_ =	sdelay $0x3  }
0x94: {  	_ =	strace s3  }
0x95: {  	s3 =	sld [smem:$0x3FFD];
	_ =	sdelay $0x3  }
0x96: {  	_ =	strace s3  }
0x97: {  	_ =	strace $0x8FFFFFFF  }
0x98: {  	s19 =	sld [smem:$0x3FDB];
	_ =	sdelay $0x1  }
0x99: {  	s4 =	simm.s32 $_scs_section_size  }
0x9a: {  	s5 =	simm.s32 $_size__tile_overlayer_lowered;
	s6 =	simm.s32 $_tile_overlayer_lowered  }
0x9b: {  	s22 =	simm.s32 $0x1BFF;
	s21 =	sshll.u32 s6, $0x1;
	s3 =	sadd.s32 s4, s19  }
0x9c: {  	s7 =	simm.s32 $0x0;
	s20 =	sshll.u32 s5, $0x1;
	s5 =	sadd.s32 s21, s3  }
0x9d: {  	[timem:s7], [sflag:s22] =	dma.local [hbm:s5], s20  }
0x9e: {  	_ =	swait.ge [sflag:s22], s20  }
0x9f: {  	s4 =	ssub.s32 $0x0, s20;
	[sflag:s22] =	ssyncset.done $0x0  }
0xa0: {  	[sflag:s22] =	ssyncadd.s32 s4;
	_ =	sdelay $0x1  }
0xa1: {  	s23 =	simm.s32 $0x1B8B  }
0xa2: {  	_ =	swait.ge [sflag:s23], $0x1  }
0xa3: {  	[sflag:s23] =	ssyncset.done $0x0  }
0xa4: {  	s25 =	simm.s32 $0x1B8E;
	s24 =	sld [smem:$0x3FFE];
	[sflag:s23] =	ssyncadd.s32 $0xFFFFFFFF  }
0xa5: {  	s26 =	simm.s32 $execute0_lowered;
	[smem:$0x3FD2] =	sst s25  }
0xa6: {  	s5 =	sshll.u32 s26, $0x1;
	_ =	strace $0x80000046;
	[dreg:$0x1] =	wrdreg $0xFFFFFFFF  }
0xa7: {  	s28 =	simm.s32 $_size_execute0_lowered;
	s3 =	sadd.s32 s3, s5;
	[dreg:$0x0] =	wrdreg $0x0  }
0xa8: {  	s5 =	sshll.u32 s28, $0x1;
	[dreg:$0x2] =	wrdreg s3  }
0xa9: {  	[dreg:$0x3] =	wrdreg s5  }
0xaa: {  	[dreg:$0x4] =	wrdreg $0xC0  }
0xab: {  	_ =	task [dreg:s7], $0x5FFFF  }
0xac: {  	[dreg:$0x1] =	wrdreg $0xFFFFFFFF  }
0xad: {  	[dreg:$0x0] =	wrdreg $0x60  }
0xae: {  	[dreg:$0x2] =	wrdreg s24  }
0xaf: {  	[dreg:$0x3] =	wrdreg s2  }
0xb0: {  	[dreg:$0x4] =	wrdreg $0x9  }
0xb1: {  	_ =	task.clear_ibuf [dreg:s7], $0x5FFFF;
	_ =	strace $0x90000046  }
0xb2: {  	s29 =	simm.s32 $0x9;
	_ =	strace $0x80000048  }
0xb3: {  	_ =	swait.ge [sflag:s29], $0x1  }
0xb4: {  	[sflag:s29] =	ssyncadd.s32 $0xFFFFFFFF  }
0xb5: {  	_ =	strace $0x90000048  }
0xb6: {  	_ =	sfence  }
0xb7: {  	s30 =	sld [smem:$0x0];
	_ =	sdelay $0x2  }
0xb8: {  	s31 =	sshll.u32 s1, $0xD;
	s1 =	sshrl.u32 s1, $0x2  }
0xb9: {  	s3 =	sand.u32 $0x4000, s31;
	s1 =	sadd.s32 s1, s30  }
0xba: {  	s0 =	sor.u32 s3, s0;
	s1 =	sshll.u32 s1, $0x11  }
0xbb: {  	s0 =	sor.u32 s1, s0  }
0xbc: {  	s0 =	sadd.s32 $0x8F2B, s0  }
0xbd: {  	[sflag:s0] =	ssyncadd.remote.s32 $0x1  }
0xbe: {  	_ =	sfence.sel $0xFFFF  }
0xbf: {  	[dreg:$0x0] =	wrdreg $0xFFFFFFFF;
	(pc) =	sbr.abs _section_cstart, $3  }
0xc0: {  	[dreg:$0x1] =	wrdreg $0xFFFFFFFF  }
0xc1: {  	_ =	task.clear_ibuf [dreg:s7], $0x2FFFF;
	_ =	strace $0x9FFFFFFF  }
0xc2: {  	(tm) =	ssettm $0x7FFFFFFF  }
0xc3: {  	_ =	shalt  }
tec
execute0_lowered:
.L_overlay_start_1:
0x0: {  	(tag) =	ssettag $0x1  }
0x1: {  	s4 =	rddreg [dreg:$0x0]  }
0x2: {  	s20 =	rddreg [dreg:$0x1]  }
0x3: {  	s0 =	rddreg [dreg:$0x2]  }
0x4: {  	s2 =	simm.s32 $0x0;
	s3 =	srdreg.scid;
	s1 =	stileid.u32  }
0x5: {  	s25 =	simm.s32 $0x4280;
	[smem:$0x7FF] =	sst s2;
	s5 =	sand.u32 $0x1, s3  }
0x6: {  	s26 =	sshll.u32 s1, $0x1;
	s19 =	sadd.s32 $0xA00, s4;
	s3 =	sadd.s32 $0x64A00, s4  }
0x7: {  	s4 =	sadd.s32 $0x64C00, s4;
	_ =	strace $0x80000047;
	s6 =	sor.u32 s5, s26  }
0x8: {  	s5 =	ssub.s32 $0x2, s5;
	s26 =	simm.s32 $0x0;
	s7 =	smul.u32 $0x3200, s6  }
0x9: {  	s8 =	sshrl.u32 s5, $0x1;
	s15 =	sshll.u32 s6, $0x9;
	s6 =	sshll.u32 s6, $0x8  }
0xa: {  	s21 =	ssub.s32 s5, s8;
	s28 =	sor.u32 $0x40, s15;
	s10 =	sor.u32 $0x80, s15  }
0xb: {  	s6 =	sadd.s32 s20, s6;
	s12 =	sor.u32 $0xC0, s15;
	s29 =	smul.u32 $0x19, s28  }
0xc: {  	s14 =	sor.u32 $0x100, s15;
	s16 =	sor.u32 $0x140, s15;
	s11 =	smul.u32 $0x19, s10  }
0xd: {  	s18 =	sor.u32 $0x180, s15;
	s23 =	sor.u32 $0x1C0, s15;
	s30 =	smul.u32 $0x19, s12  }
0xe: {  	s5 =	sadd.s32 s19, s7;
	s9 =	sshrl.u32 s28, $0x1;
	s13 =	smul.u32 $0x19, s14  }
0xf: {  	v1 =	vlaneseq.u32;
	s10 =	sshrl.u32 s10, $0x1;
	s12 =	sshrl.u32 s12, $0x1;
	s17 =	smul.u32 $0x19, s16  }
0x10: {  	v0 =	vmul.u32 $0x4, v1;
	s14 =	sshrl.u32 s14, $0x1;
	s16 =	sshrl.u32 s16, $0x1;
	s22 =	smul.u32 $0x19, s18  }
0x11: {  	v1 =	vmul.u32 $0xC8, v1;
	s24 =	smul.u32 $0x19, s23;
	s18 =	sshrl.u32 s18, $0x1;
	s31 =	sshrl.u32 s23, $0x1  }
0x12: {  	v2 =	vor.u32 $0x1, v0;
	v3 =	vor.u32 $0x2, v0;
	v4 =	vor.u32 $0x3, v0;
	s21 =	smax.u32 s21, $0x1;
	s23 =	simm.s32 $0x1000;
	s8 =	sadd.s32 s20, s9  }
0x13: {  	v5 =	vadd.s32 $0xC80, v1;
	v6 =	vor.u32 $0x40, v0;
	v7 =	vor.u32 $0x41, v0;
	s10 =	sadd.s32 s20, s10;
	s12 =	sadd.s32 s20, s12;
	s14 =	sadd.s32 s20, s14  }
0x14: {  	v8 =	vor.u32 $0x42, v0;
	v9 =	vor.u32 $0x43, v0;
	v10 =	vadd.s32 $0x1900, v1;
	s16 =	sadd.s32 s20, s16;
	s18 =	sadd.s32 s20, s18;
	s20 =	sadd.s32 s20, s31  }
0x15: {  	v11 =	vor.u32 $0x80, v0;
	v12 =	vor.u32 $0x81, v0;
	v13 =	vor.u32 $0x82, v0;
	s7 =	sadd.s32 s19, s29;
	s9 =	sadd.s32 s19, s11;
	s11 =	sadd.s32 s19, s30  }
0x16: {  	v14 =	vor.u32 $0x83, v0;
	v15 =	vadd.s32 $0x2580, v1;
	v16 =	vor.u32 $0xC0, v0;
	s13 =	sadd.s32 s19, s13;
	s15 =	sadd.s32 s19, s17;
	s17 =	sadd.s32 s19, s22  }
0x17: {  	v17 =	vor.u32 $0xC1, v0;
	v18 =	vor.u32 $0xC2, v0;
	v19 =	vor.u32 $0xC3, v0;
	s19 =	sadd.s32 s19, s24;
	s22 =	simm.s32 $0x1;
	s24 =	simm.s32 $0x1080  }
.LBB2_1:
0x18: {  	[tilespmem:s2], [sflag:$0x1] =	stream.linear.gather [hbm4b:s3+s2], $0x1000, $0x38;
	[tilespmem:$0x4380] =	vst v63  }
0x19: {  	_ =	swait.ge [sflag:s22], $0x1000  }
0x1a: {  	[sflag:s22] =	ssyncset.done $0x0  }
0x1b: {  	[sflag:s22] =	ssyncadd.s32 $0xFFFFF000  }
0x1c: {  	[tilespmem:s23], [sflag:$0x1] =	stream.linear.gather [hbm4b:s4+s2], $0x80, $0x38;
	[tilespmem:$0x4380] =	vst v63  }
0x1d: {  	_ =	swait.ge [sflag:s22], $0x80  }
0x1e: {  	[sflag:s22] =	ssyncset.done $0x0  }
0x1f: {  	[sflag:s22] =	ssyncadd.s32 $0xFFFFFF80  }
0x20: {  	v23 =	vld [tilespmem:$0x1000]  }
0x21: {  	v22 =	vld [tilespmem:$0x1010]  }
0x22: {  	v24 =	vadd.s32 s2, v1;
	v21 =	vld [tilespmem:$0x1020]  }
0x23: {  	v20 =	vld [tilespmem:$0x1030];
	[tilespmem:s24], [sflag:$0x1] =	stream.linear.gather [hbm4b:s5+s2], $0x3200, $0x38  }
0x24: {  	_ =	swait.ge [sflag:s22], $0x3200  }
0x25: {  	[sflag:s22] =	ssyncset.done $0x0  }
0x26: {  	s28 =	simm.s32 $0x1;
	[sflag:s22] =	ssyncadd.s32 $0xFFFFCE00  }
0x27: {  	v25 =	vadd.s32 s28, v1;
	v24 =	vld.idx.msk [tilespmem:v24+s24+$0x0], $0xffff;
	_ =	sdelay $0x3  }
0x28: {  	s28 =	simm.s32 $0x2  }
0x29: {  	v26 =	vadd.s32 s28, v1;
	v30 =	vld.idx.msk [tilespmem:v25+s24+$0x0], $0xffff;
	v27 =	vshll.u32 v24, $0x2  }
0x2a: {  	v24 =	vor.u32 $0x3, v27  }
0x2b: {  	v28 =	vor.u32 $0x1, v27  }
0x2c: {  	v29 =	vor.u32 $0x2, v27  }
0x2d: {  	s28 =	simm.s32 $0x3  }
0x2e: {  	v32 =	vadd.s32 s28, v1;
	v37 =	vld.idx.msk [tilespmem:v26+s24+$0x0], $0xffff;
	v31 =	vshll.u32 v30, $0x2  }
0x2f: {  	v36 =	vor.u32 $0x3, v31;
	v24 =	vld.idx.msk [tilespmem:v24+s2+$0x0], $0xffff  }
0x30: {  	v35 =	vor.u32 $0x1, v31;
	v26 =	vld.idx.msk [tilespmem:v28+s2+$0x0], $0xffff  }
0x31: {  	v33 =	vor.u32 $0x2, v31;
	v25 =	vld.idx.msk [tilespmem:v29+s2+$0x0], $0xffff  }
0x32: {  	v28 =	vld.idx.msk [tilespmem:v27+s2+$0x0], $0xffff  }
0x33: {  	s28 =	simm.s32 $0x4;
	v34 =	vld.idx.msk [tilespmem:v32+s24+$0x0], $0xffff;
	v32 =	vmovc v23;
	v30 =	vmov v22;
	v27 =	vmov v20;
	v29 =	vmov v21  }
.LBB2_2:
0x34: {  	v38 =	vadd.s32 s28, v1;
	v37 =	vshll.u32 v37, $0x2;
	v27 =	vadd.f32 v24, v27;
	v24 =	vld.idx.msk [tilespmem:v36+s2+$0x0], $0xffff;
	p0 =	sne.s32 s28, $0xC7  }
.Ltmp0:
0x35: {  	s28 =	sadd.s32 $0x1, s28;
	v40 =	vmovc v26;
	v39 =	vor.u32 $0x2, v37;
	v36 =	vor.u32 $0x3, v37;
	v26 =	vld.idx.msk [tilespmem:v35+s2+$0x0], $0xffff;
	v35 =	vor.u32 $0x1, v37;
	(pc) =	sbr.rel @p0 .LBB2_2-.Ltmp0, $3  }
0x36: {  	v30 =	vadd.f32 v40, v30;
	v29 =	vadd.f32 v25, v29;
	v25 =	vld.idx.msk [tilespmem:v33+s2+$0x0], $0xffff;
	v33 =	vmov v39  }
0x37: {  	v32 =	vadd.f32 v28, v32;
	v28 =	vld.idx.msk [tilespmem:v31+s2+$0x0], $0xffff;
	v31 =	vmov v37;
	_ =	sdelay $0x1  }
0x38: {  	v37 =	vmov v34;
	v34 =	vld.idx.msk [tilespmem:v38+s24+$0x0], $0xffff  }
0x39: {  	_ =	sdelay $0x2  }
0x3a: {  	v37 =	vshll.u32 v37, $0x2  }
0x3b: {  	v36 =	vld.idx.msk [tilespmem:v36+s2+$0x0], $0xffff;
	v38 =	vor.u32 $0x3, v37  }
0x3c: {  	v35 =	vld.idx.msk [tilespmem:v35+s2+$0x0], $0xffff;
	v39 =	vor.u32 $0x1, v37  }
0x3d: {  	v33 =	vld.idx.msk [tilespmem:v33+s2+$0x0], $0xffff;
	v40 =	vor.u32 $0x2, v37  }
0x3e: {  	v31 =	vld.idx.msk [tilespmem:v31+s2+$0x0], $0xffff;
	v34 =	vshll.u32 v34, $0x2  }
0x3f: {  	v41 =	vor.u32 $0x1, v34;
	v37 =	vld.idx.msk [tilespmem:v37+s2+$0x0], $0xffff  }
0x40: {  	v42 =	vor.u32 $0x2, v34;
	v38 =	vld.idx.msk [tilespmem:v38+s2+$0x0], $0xffff  }
0x41: {  	v43 =	vor.u32 $0x3, v34;
	v39 =	vld.idx.msk [tilespmem:v39+s2+$0x0], $0xffff  }
0x42: {  	v28 =	vadd.f32 v28, v32;
	v62 =	vld.idx.msk [tilespmem:v40+s2+$0x0], $0xffff  }
0x43: {  	v26 =	vadd.f32 v26, v30;
	v30 =	vld.idx.msk [tilespmem:v34+s2+$0x0], $0xffff  }
0x44: {  	v25 =	vadd.f32 v25, v29;
	v28 =	vadd.f32 v31, v28;
	v29 =	vld.idx.msk [tilespmem:v41+s2+$0x0], $0xffff  }
0x45: {  	v24 =	vadd.f32 v24, v27;
	v26 =	vadd.f32 v35, v26;
	v27 =	vld.idx.msk [tilespmem:v42+s2+$0x0], $0xffff  }
0x46: {  	v25 =	vadd.f32 v33, v25;
	v31 =	vld.idx.msk [tilespmem:v43+s2+$0x0], $0xffff;
	v28 =	vadd.f32 v37, v28  }
0x47: {  	v24 =	vadd.f32 v36, v24;
	v26 =	vadd.f32 v39, v26  }
0x48: {  	s28 =	simm.s32 $0x0;
	v25 =	vadd.f32 v62, v25;
	v28 =	vadd.f32 v30, v28  }
0x49: {  	v24 =	vadd.f32 v38, v24;
	v26 =	vadd.f32 v29, v26;
	v29 =	vadd.s32 s28, v5  }
0x4a: {  	v25 =	vadd.f32 v27, v25;
	[tilespmem:v0+s25+$0x0] =	vst.idx.msk $0xffff, v28  }
0x4b: {  	v24 =	vadd.f32 v31, v24;
	[tilespmem:v2+s25+$0x0] =	vst.idx.msk $0xffff, v26  }
0x4c: {  	[tilespmem:v3+s25+$0x0] =	vst.idx.msk $0xffff, v25  }
0x4d: {  	s28 =	simm.s32 $0x1;
	[tilespmem:v4+s25+$0x0] =	vst.idx.msk $0xffff, v24  }
0x4e: {  	v25 =	vadd.s32 s28, v5;
	v24 =	vld.idx.msk [tilespmem:v29+s24+$0x0], $0xffff;
	_ =	sdelay $0x3  }
0x4f: {  	s28 =	simm.s32 $0x2  }
0x50: {  	v26 =	vadd.s32 s28, v5;
	v30 =	vld.idx.msk [tilespmem:v25+s24+$0x0], $0xffff;
	v27 =	vshll.u32 v24, $0x2  }
0x51: {  	v24 =	vor.u32 $0x3, v27  }
0x52: {  	v28 =	vor.u32 $0x1, v27  }
0x53: {  	v29 =	vor.u32 $0x2, v27  }
0x54: {  	s28 =	simm.s32 $0x3  }
0x55: {  	v63 =	vadd.s32 s28, v5;
	v37 =	vld.idx.msk [tilespmem:v26+s24+$0x0], $0xffff;
	v31 =	vshll.u32 v30, $0x2  }
0x56: {  	v36 =	vor.u32 $0x3, v31;
	v24 =	vld.idx.msk [tilespmem:v24+s2+$0x0], $0xffff  }
0x57: {  	v35 =	vor.u32 $0x1, v31;
	v26 =	vld.idx.msk [tilespmem:v28+s2+$0x0], $0xffff  }
0x58: {  	v33 =	vor.u32 $0x2, v31;
	v25 =	vld.idx.msk [tilespmem:v29+s2+$0x0], $0xffff  }
0x59: {  	v28 =	vld.idx.msk [tilespmem:v27+s2+$0x0], $0xffff  }
0x5a: {  	v32 =	vmovc v23;
	s28 =	simm.s32 $0x4;
	v34 =	vld.idx.msk [tilespmem:v63+s24+$0x0], $0xffff;
	v30 =	vmov v22;
	v27 =	vmov v20;
	v29 =	vmov v21  }
.LBB2_4:
0x5b: {  	v38 =	vadd.s32 s28, v5;
	v37 =	vshll.u32 v37, $0x2;
	v27 =	vadd.f32 v24, v27;
	v24 =	vld.idx.msk [tilespmem:v36+s2+$0x0], $0xffff;
	p0 =	sne.s32 s28, $0xC7  }
.Ltmp1:
0x5c: {  	s28 =	sadd.s32 $0x1, s28;
	v40 =	vmovc v26;
	v39 =	vor.u32 $0x2, v37;
	v36 =	vor.u32 $0x3, v37;
	v26 =	vld.idx.msk [tilespmem:v35+s2+$0x0], $0xffff;
	v35 =	vor.u32 $0x1, v37;
	(pc) =	sbr.rel @p0 .LBB2_4-.Ltmp1, $3  }
0x5d: {  	v30 =	vadd.f32 v40, v30;
	v29 =	vadd.f32 v25, v29;
	v25 =	vld.idx.msk [tilespmem:v33+s2+$0x0], $0xffff;
	v33 =	vmov v39  }
0x5e: {  	v32 =	vadd.f32 v28, v32;
	v28 =	vld.idx.msk [tilespmem:v31+s2+$0x0], $0xffff;
	v31 =	vmov v37;
	_ =	sdelay $0x1  }
0x5f: {  	v37 =	vmov v34;
	v34 =	vld.idx.msk [tilespmem:v38+s24+$0x0], $0xffff  }
0x60: {  	_ =	sdelay $0x2  }
0x61: {  	v37 =	vshll.u32 v37, $0x2  }
0x62: {  	v36 =	vld.idx.msk [tilespmem:v36+s2+$0x0], $0xffff;
	v38 =	vor.u32 $0x3, v37  }
0x63: {  	v35 =	vld.idx.msk [tilespmem:v35+s2+$0x0], $0xffff;
	v39 =	vor.u32 $0x1, v37  }
0x64: {  	v33 =	vld.idx.msk [tilespmem:v33+s2+$0x0], $0xffff;
	v40 =	vor.u32 $0x2, v37  }
0x65: {  	v31 =	vld.idx.msk [tilespmem:v31+s2+$0x0], $0xffff;
	v34 =	vshll.u32 v34, $0x2  }
0x66: {  	v41 =	vor.u32 $0x1, v34;
	v37 =	vld.idx.msk [tilespmem:v37+s2+$0x0], $0xffff  }
0x67: {  	v42 =	vor.u32 $0x2, v34;
	v38 =	vld.idx.msk [tilespmem:v38+s2+$0x0], $0xffff  }
0x68: {  	v43 =	vor.u32 $0x3, v34;
	v39 =	vld.idx.msk [tilespmem:v39+s2+$0x0], $0xffff  }
0x69: {  	v28 =	vadd.f32 v28, v32;
	v62 =	vld.idx.msk [tilespmem:v40+s2+$0x0], $0xffff  }
0x6a: {  	v26 =	vadd.f32 v26, v30;
	v30 =	vld.idx.msk [tilespmem:v34+s2+$0x0], $0xffff  }
0x6b: {  	v25 =	vadd.f32 v25, v29;
	v28 =	vadd.f32 v31, v28;
	v29 =	vld.idx.msk [tilespmem:v41+s2+$0x0], $0xffff  }
0x6c: {  	v24 =	vadd.f32 v24, v27;
	v26 =	vadd.f32 v35, v26;
	v27 =	vld.idx.msk [tilespmem:v42+s2+$0x0], $0xffff  }
0x6d: {  	v25 =	vadd.f32 v33, v25;
	v31 =	vld.idx.msk [tilespmem:v43+s2+$0x0], $0xffff;
	v28 =	vadd.f32 v37, v28  }
0x6e: {  	v24 =	vadd.f32 v36, v24;
	v26 =	vadd.f32 v39, v26  }
0x6f: {  	s28 =	simm.s32 $0x0;
	v25 =	vadd.f32 v62, v25;
	v28 =	vadd.f32 v30, v28  }
0x70: {  	v24 =	vadd.f32 v38, v24;
	v26 =	vadd.f32 v29, v26;
	v29 =	vadd.s32 s28, v10  }
0x71: {  	v25 =	vadd.f32 v27, v25;
	[tilespmem:v6+s25+$0x0] =	vst.idx.msk $0xffff, v28  }
0x72: {  	v24 =	vadd.f32 v31, v24;
	[tilespmem:v7+s25+$0x0] =	vst.idx.msk $0xffff, v26  }
0x73: {  	[tilespmem:v8+s25+$0x0] =	vst.idx.msk $0xffff, v25  }
0x74: {  	s28 =	simm.s32 $0x1;
	[tilespmem:v9+s25+$0x0] =	vst.idx.msk $0xffff, v24  }
0x75: {  	v25 =	vadd.s32 s28, v10;
	v24 =	vld.idx.msk [tilespmem:v29+s24+$0x0], $0xffff;
	_ =	sdelay $0x3  }
0x76: {  	s28 =	simm.s32 $0x2  }
0x77: {  	v26 =	vadd.s32 s28, v10;
	v30 =	vld.idx.msk [tilespmem:v25+s24+$0x0], $0xffff;
	v27 =	vshll.u32 v24, $0x2  }
0x78: {  	v24 =	vor.u32 $0x3, v27  }
0x79: {  	v28 =	vor.u32 $0x1, v27  }
0x7a: {  	v29 =	vor.u32 $0x2, v27  }
0x7b: {  	s28 =	simm.s32 $0x3  }
0x7c: {  	v63 =	vadd.s32 s28, v10;
	v37 =	vld.idx.msk [tilespmem:v26+s24+$0x0], $0xffff;
	v31 =	vshll.u32 v30, $0x2  }
0x7d: {  	v36 =	vor.u32 $0x3, v31;
	v24 =	vld.idx.msk [tilespmem:v24+s2+$0x0], $0xffff  }
0x7e: {  	v35 =	vor.u32 $0x1, v31;
	v26 =	vld.idx.msk [tilespmem:v28+s2+$0x0], $0xffff  }
0x7f: {  	v33 =	vor.u32 $0x2, v31;
	v25 =	vld.idx.msk [tilespmem:v29+s2+$0x0], $0xffff  }
0x80: {  	v28 =	vld.idx.msk [tilespmem:v27+s2+$0x0], $0xffff  }
0x81: {  	v32 =	vmovc v23;
	s28 =	simm.s32 $0x4;
	v34 =	vld.idx.msk [tilespmem:v63+s24+$0x0], $0xffff;
	v30 =	vmov v22;
	v27 =	vmov v20;
	v29 =	vmov v21  }
.LBB2_6:
0x82: {  	v38 =	vadd.s32 s28, v10;
	v37 =	vshll.u32 v37, $0x2;
	v27 =	vadd.f32 v24, v27;
	v24 =	vld.idx.msk [tilespmem:v36+s2+$0x0], $0xffff;
	p0 =	sne.s32 s28, $0xC7  }
.Ltmp2:
0x83: {  	s28 =	sadd.s32 $0x1, s28;
	v40 =	vmovc v26;
	v39 =	vor.u32 $0x2, v37;
	v36 =	vor.u32 $0x3, v37;
	v26 =	vld.idx.msk [tilespmem:v35+s2+$0x0], $0xffff;
	v35 =	vor.u32 $0x1, v37;
	(pc) =	sbr.rel @p0 .LBB2_6-.Ltmp2, $3  }
0x84: {  	v30 =	vadd.f32 v40, v30;
	v29 =	vadd.f32 v25, v29;
	v25 =	vld.idx.msk [tilespmem:v33+s2+$0x0], $0xffff;
	v33 =	vmov v39  }
0x85: {  	v32 =	vadd.f32 v28, v32;
	v28 =	vld.idx.msk [tilespmem:v31+s2+$0x0], $0xffff;
	v31 =	vmov v37;
	_ =	sdelay $0x1  }
0x86: {  	v37 =	vmov v34;
	v34 =	vld.idx.msk [tilespmem:v38+s24+$0x0], $0xffff  }
0x87: {  	_ =	sdelay $0x2  }
0x88: {  	v37 =	vshll.u32 v37, $0x2  }
0x89: {  	v36 =	vld.idx.msk [tilespmem:v36+s2+$0x0], $0xffff;
	v38 =	vor.u32 $0x3, v37  }
0x8a: {  	v35 =	vld.idx.msk [tilespmem:v35+s2+$0x0], $0xffff;
	v39 =	vor.u32 $0x1, v37  }
0x8b: {  	v33 =	vld.idx.msk [tilespmem:v33+s2+$0x0], $0xffff;
	v40 =	vor.u32 $0x2, v37  }
0x8c: {  	v31 =	vld.idx.msk [tilespmem:v31+s2+$0x0], $0xffff;
	v34 =	vshll.u32 v34, $0x2  }
0x8d: {  	v41 =	vor.u32 $0x1, v34;
	v37 =	vld.idx.msk [tilespmem:v37+s2+$0x0], $0xffff  }
0x8e: {  	v42 =	vor.u32 $0x2, v34;
	v38 =	vld.idx.msk [tilespmem:v38+s2+$0x0], $0xffff  }
0x8f: {  	v43 =	vor.u32 $0x3, v34;
	v39 =	vld.idx.msk [tilespmem:v39+s2+$0x0], $0xffff  }
0x90: {  	v28 =	vadd.f32 v28, v32;
	v62 =	vld.idx.msk [tilespmem:v40+s2+$0x0], $0xffff  }
0x91: {  	v26 =	vadd.f32 v26, v30;
	v30 =	vld.idx.msk [tilespmem:v34+s2+$0x0], $0xffff  }
0x92: {  	v25 =	vadd.f32 v25, v29;
	v28 =	vadd.f32 v31, v28;
	v29 =	vld.idx.msk [tilespmem:v41+s2+$0x0], $0xffff  }
0x93: {  	v24 =	vadd.f32 v24, v27;
	v26 =	vadd.f32 v35, v26;
	v27 =	vld.idx.msk [tilespmem:v42+s2+$0x0], $0xffff  }
0x94: {  	v25 =	vadd.f32 v33, v25;
	v31 =	vld.idx.msk [tilespmem:v43+s2+$0x0], $0xffff;
	v28 =	vadd.f32 v37, v28  }
0x95: {  	v24 =	vadd.f32 v36, v24;
	v26 =	vadd.f32 v39, v26  }
0x96: {  	s28 =	simm.s32 $0x0;
	v25 =	vadd.f32 v62, v25;
	v28 =	vadd.f32 v30, v28  }
0x97: {  	v24 =	vadd.f32 v38, v24;
	v26 =	vadd.f32 v29, v26;
	v29 =	vadd.s32 s28, v15  }
0x98: {  	v25 =	vadd.f32 v27, v25;
	[tilespmem:v11+s25+$0x0] =	vst.idx.msk $0xffff, v28  }
0x99: {  	v24 =	vadd.f32 v31, v24;
	[tilespmem:v12+s25+$0x0] =	vst.idx.msk $0xffff, v26  }
0x9a: {  	[tilespmem:v13+s25+$0x0] =	vst.idx.msk $0xffff, v25  }
0x9b: {  	s28 =	simm.s32 $0x1;
	[tilespmem:v14+s25+$0x0] =	vst.idx.msk $0xffff, v24  }
0x9c: {  	v25 =	vadd.s32 s28, v15;
	v24 =	vld.idx.msk [tilespmem:v29+s24+$0x0], $0xffff;
	_ =	sdelay $0x3  }
0x9d: {  	s28 =	simm.s32 $0x2  }
0x9e: {  	v26 =	vadd.s32 s28, v15;
	v30 =	vld.idx.msk [tilespmem:v25+s24+$0x0], $0xffff;
	v27 =	vshll.u32 v24, $0x2  }
0x9f: {  	v24 =	vor.u32 $0x3, v27  }
0xa0: {  	v28 =	vor.u32 $0x1, v27  }
0xa1: {  	v29 =	vor.u32 $0x2, v27  }
0xa2: {  	s28 =	simm.s32 $0x3  }
0xa3: {  	v63 =	vadd.s32 s28, v15;
	v37 =	vld.idx.msk [tilespmem:v26+s24+$0x0], $0xffff;
	v31 =	vshll.u32 v30, $0x2  }
0xa4: {  	v36 =	vor.u32 $0x3, v31;
	v24 =	vld.idx.msk [tilespmem:v24+s2+$0x0], $0xffff  }
0xa5: {  	v35 =	vor.u32 $0x1, v31;
	v26 =	vld.idx.msk [tilespmem:v28+s2+$0x0], $0xffff  }
0xa6: {  	v33 =	vor.u32 $0x2, v31;
	v25 =	vld.idx.msk [tilespmem:v29+s2+$0x0], $0xffff  }
0xa7: {  	v28 =	vld.idx.msk [tilespmem:v27+s2+$0x0], $0xffff  }
0xa8: {  	v32 =	vmovc v23;
	s28 =	simm.s32 $0x4;
	v34 =	vld.idx.msk [tilespmem:v63+s24+$0x0], $0xffff;
	v30 =	vmov v22;
	v27 =	vmov v20;
	v29 =	vmov v21  }
.LBB2_8:
0xa9: {  	v38 =	vadd.s32 s28, v15;
	v37 =	vshll.u32 v37, $0x2;
	v27 =	vadd.f32 v24, v27;
	v24 =	vld.idx.msk [tilespmem:v36+s2+$0x0], $0xffff;
	p0 =	sne.s32 s28, $0xC7  }
.Ltmp3:
0xaa: {  	s28 =	sadd.s32 $0x1, s28;
	v40 =	vmovc v26;
	v39 =	vor.u32 $0x2, v37;
	v36 =	vor.u32 $0x3, v37;
	v26 =	vld.idx.msk [tilespmem:v35+s2+$0x0], $0xffff;
	v35 =	vor.u32 $0x1, v37;
	(pc) =	sbr.rel @p0 .LBB2_8-.Ltmp3, $3  }
0xab: {  	v30 =	vadd.f32 v40, v30;
	v29 =	vadd.f32 v25, v29;
	v25 =	vld.idx.msk [tilespmem:v33+s2+$0x0], $0xffff;
	v33 =	vmov v39  }
0xac: {  	v32 =	vadd.f32 v28, v32;
	v28 =	vld.idx.msk [tilespmem:v31+s2+$0x0], $0xffff;
	v31 =	vmov v37;
	_ =	sdelay $0x1  }
0xad: {  	v37 =	vmov v34;
	v34 =	vld.idx.msk [tilespmem:v38+s24+$0x0], $0xffff  }
0xae: {  	_ =	sdelay $0x2  }
0xaf: {  	v37 =	vshll.u32 v37, $0x2  }
0xb0: {  	v36 =	vld.idx.msk [tilespmem:v36+s2+$0x0], $0xffff;
	v38 =	vor.u32 $0x3, v37  }
0xb1: {  	v35 =	vld.idx.msk [tilespmem:v35+s2+$0x0], $0xffff;
	v39 =	vor.u32 $0x1, v37  }
0xb2: {  	v33 =	vld.idx.msk [tilespmem:v33+s2+$0x0], $0xffff;
	v40 =	vor.u32 $0x2, v37  }
0xb3: {  	v31 =	vld.idx.msk [tilespmem:v31+s2+$0x0], $0xffff;
	v34 =	vshll.u32 v34, $0x2  }
0xb4: {  	v41 =	vor.u32 $0x1, v34;
	v37 =	vld.idx.msk [tilespmem:v37+s2+$0x0], $0xffff  }
0xb5: {  	v42 =	vor.u32 $0x2, v34;
	v38 =	vld.idx.msk [tilespmem:v38+s2+$0x0], $0xffff  }
0xb6: {  	v43 =	vor.u32 $0x3, v34;
	v39 =	vld.idx.msk [tilespmem:v39+s2+$0x0], $0xffff  }
0xb7: {  	v28 =	vadd.f32 v28, v32;
	v62 =	vld.idx.msk [tilespmem:v40+s2+$0x0], $0xffff  }
0xb8: {  	v26 =	vadd.f32 v26, v30;
	v30 =	vld.idx.msk [tilespmem:v34+s2+$0x0], $0xffff  }
0xb9: {  	v25 =	vadd.f32 v25, v29;
	v28 =	vadd.f32 v31, v28;
	v29 =	vld.idx.msk [tilespmem:v41+s2+$0x0], $0xffff  }
0xba: {  	v24 =	vadd.f32 v24, v27;
	v26 =	vadd.f32 v35, v26;
	v27 =	vld.idx.msk [tilespmem:v42+s2+$0x0], $0xffff  }
0xbb: {  	v25 =	vadd.f32 v33, v25;
	v31 =	vld.idx.msk [tilespmem:v43+s2+$0x0], $0xffff;
	v28 =	vadd.f32 v37, v28  }
0xbc: {  	v24 =	vadd.f32 v36, v24;
	v26 =	vadd.f32 v39, v26  }
0xbd: {  	v25 =	vadd.f32 v62, v25;
	v28 =	vadd.f32 v30, v28  }
0xbe: {  	v24 =	vadd.f32 v38, v24;
	v26 =	vadd.f32 v29, v26  }
0xbf: {  	v25 =	vadd.f32 v27, v25;
	[tilespmem:v16+s25+$0x0] =	vst.idx.msk $0xffff, v28  }
0xc0: {  	v24 =	vadd.f32 v31, v24;
	[tilespmem:v17+s25+$0x0] =	vst.idx.msk $0xffff, v26  }
0xc1: {  	[tilespmem:v18+s25+$0x0] =	vst.idx.msk $0xffff, v25  }
0xc2: {  	s28 =	simm.s32 $0x0;
	[tilespmem:v19+s25+$0x0] =	vst.idx.msk $0xffff, v24  }
0xc3: {  	[hbm4b:s6+s28] =	stream.linear.scatter [tilespmem:s25], [sflag:$0x1], $0x100, $0x38;
	[tilespmem:$0x4380] =	vst v63  }
0xc4: {  	_ =	swait.ge [sflag:s22], $0x100  }
0xc5: {  	[sflag:s22] =	ssyncset.done $0x0  }
0xc6: {  	v24 =	vadd.s32 s28, v1;
	[sflag:s22] =	ssyncadd.s32 $0xFFFFFF00  }
0xc7: {  	[tilespmem:s24], [sflag:$0x1] =	stream.linear.gather [hbm4b:s7+s28], $0x3200, $0x38;
	[tilespmem:$0x4380] =	vst v63  }
0xc8: {  	_ =	swait.ge [sflag:s22], $0x3200  }
0xc9: {  	[sflag:s22] =	ssyncset.done $0x0  }
0xca: {  	s28 =	simm.s32 $0x1;
	[sflag:s22] =	ssyncadd.s32 $0xFFFFCE00  }
0xcb: {  	v25 =	vadd.s32 s28, v1;
	v24 =	vld.idx.msk [tilespmem:v24+s24+$0x0], $0xffff;
	_ =	sdelay $0x3  }
0xcc: {  	s28 =	simm.s32 $0x2  }
0xcd: {  	v26 =	vadd.s32 s28, v1;
	v30 =	vld.idx.msk [tilespmem:v25+s24+$0x0], $0xffff;
	v27 =	vshll.u32 v24, $0x2  }
0xce: {  	v24 =	vor.u32 $0x3, v27  }
0xcf: {  	v28 =	vor.u32 $0x1, v27  }
0xd0: {  	v29 =	vor.u32 $0x2, v27  }
0xd1: {  	s28 =	simm.s32 $0x3  }
0xd2: {  	v63 =	vadd.s32 s28, v1;
	v37 =	vld.idx.msk [tilespmem:v26+s24+$0x0], $0xffff;
	v31 =	vshll.u32 v30, $0x2  }
0xd3: {  	v36 =	vor.u32 $0x3, v31;
	v24 =	vld.idx.msk [tilespmem:v24+s2+$0x0], $0xffff  }
0xd4: {  	v35 =	vor.u32 $0x1, v31;
	v26 =	vld.idx.msk [tilespmem:v28+s2+$0x0], $0xffff  }
0xd5: {  	v33 =	vor.u32 $0x2, v31;
	v25 =	vld.idx.msk [tilespmem:v29+s2+$0x0], $0xffff  }
0xd6: {  	v28 =	vld.idx.msk [tilespmem:v27+s2+$0x0], $0xffff  }
0xd7: {  	v32 =	vmovc v23;
	s28 =	simm.s32 $0x4;
	v34 =	vld.idx.msk [tilespmem:v63+s24+$0x0], $0xffff;
	v30 =	vmov v22;
	v27 =	vmov v20;
	v29 =	vmov v21  }
.LBB2_10:
0xd8: {  	v38 =	vadd.s32 s28, v1;
	v37 =	vshll.u32 v37, $0x2;
	v27 =	vadd.f32 v24, v27;
	v24 =	vld.idx.msk [tilespmem:v36+s2+$0x0], $0xffff;
	p0 =	sne.s32 s28, $0xC7  }
.Ltmp4:
0xd9: {  	s28 =	sadd.s32 $0x1, s28;
	v40 =	vmovc v26;
	v39 =	vor.u32 $0x2, v37;
	v36 =	vor.u32 $0x3, v37;
	v26 =	vld.idx.msk [tilespmem:v35+s2+$0x0], $0xffff;
	v35 =	vor.u32 $0x1, v37;
	(pc) =	sbr.rel @p0 .LBB2_10-.Ltmp4, $3  }
0xda: {  	v30 =	vadd.f32 v40, v30;
	v29 =	vadd.f32 v25, v29;
	v25 =	vld.idx.msk [tilespmem:v33+s2+$0x0], $0xffff;
	v33 =	vmov v39  }
0xdb: {  	v32 =	vadd.f32 v28, v32;
	v28 =	vld.idx.msk [tilespmem:v31+s2+$0x0], $0xffff;
	v31 =	vmov v37;
	_ =	sdelay $0x1  }
0xdc: {  	v37 =	vmov v34;
	v34 =	vld.idx.msk [tilespmem:v38+s24+$0x0], $0xffff  }
0xdd: {  	_ =	sdelay $0x2  }
0xde: {  	v37 =	vshll.u32 v37, $0x2  }
0xdf: {  	v36 =	vld.idx.msk [tilespmem:v36+s2+$0x0], $0xffff;
	v38 =	vor.u32 $0x3, v37  }
0xe0: {  	v35 =	vld.idx.msk [tilespmem:v35+s2+$0x0], $0xffff;
	v39 =	vor.u32 $0x1, v37  }
0xe1: {  	v33 =	vld.idx.msk [tilespmem:v33+s2+$0x0], $0xffff;
	v40 =	vor.u32 $0x2, v37  }
0xe2: {  	v31 =	vld.idx.msk [tilespmem:v31+s2+$0x0], $0xffff;
	v34 =	vshll.u32 v34, $0x2  }
0xe3: {  	v41 =	vor.u32 $0x1, v34;
	v37 =	vld.idx.msk [tilespmem:v37+s2+$0x0], $0xffff  }
0xe4: {  	v42 =	vor.u32 $0x2, v34;
	v38 =	vld.idx.msk [tilespmem:v38+s2+$0x0], $0xffff  }
0xe5: {  	v43 =	vor.u32 $0x3, v34;
	v39 =	vld.idx.msk [tilespmem:v39+s2+$0x0], $0xffff  }
0xe6: {  	v28 =	vadd.f32 v28, v32;
	v62 =	vld.idx.msk [tilespmem:v40+s2+$0x0], $0xffff  }
0xe7: {  	v26 =	vadd.f32 v26, v30;
	v30 =	vld.idx.msk [tilespmem:v34+s2+$0x0], $0xffff  }
0xe8: {  	v25 =	vadd.f32 v25, v29;
	v28 =	vadd.f32 v31, v28;
	v29 =	vld.idx.msk [tilespmem:v41+s2+$0x0], $0xffff  }
0xe9: {  	v24 =	vadd.f32 v24, v27;
	v26 =	vadd.f32 v35, v26;
	v27 =	vld.idx.msk [tilespmem:v42+s2+$0x0], $0xffff  }
0xea: {  	v25 =	vadd.f32 v33, v25;
	v31 =	vld.idx.msk [tilespmem:v43+s2+$0x0], $0xffff;
	v28 =	vadd.f32 v37, v28  }
0xeb: {  	v24 =	vadd.f32 v36, v24;
	v26 =	vadd.f32 v39, v26  }
0xec: {  	s28 =	simm.s32 $0x0;
	v25 =	vadd.f32 v62, v25;
	v28 =	vadd.f32 v30, v28  }
0xed: {  	v24 =	vadd.f32 v38, v24;
	v26 =	vadd.f32 v29, v26;
	v29 =	vadd.s32 s28, v5  }
0xee: {  	v25 =	vadd.f32 v27, v25;
	[tilespmem:v0+s25+$0x0] =	vst.idx.msk $0xffff, v28  }
0xef: {  	v24 =	vadd.f32 v31, v24;
	[tilespmem:v2+s25+$0x0] =	vst.idx.msk $0xffff, v26  }
0xf0: {  	[tilespmem:v3+s25+$0x0] =	vst.idx.msk $0xffff, v25  }
0xf1: {  	s28 =	simm.s32 $0x1;
	[tilespmem:v4+s25+$0x0] =	vst.idx.msk $0xffff, v24  }
0xf2: {  	v25 =	vadd.s32 s28, v5;
	v24 =	vld.idx.msk [tilespmem:v29+s24+$0x0], $0xffff;
	_ =	sdelay $0x3  }
0xf3: {  	s28 =	simm.s32 $0x2  }
0xf4: {  	v26 =	vadd.s32 s28, v5;
	v30 =	vld.idx.msk [tilespmem:v25+s24+$0x0], $0xffff;
	v27 =	vshll.u32 v24, $0x2  }
0xf5: {  	v24 =	vor.u32 $0x3, v27  }
0xf6: {  	v28 =	vor.u32 $0x1, v27  }
0xf7: {  	v29 =	vor.u32 $0x2, v27  }
0xf8: {  	s28 =	simm.s32 $0x3  }
0xf9: {  	v63 =	vadd.s32 s28, v5;
	v37 =	vld.idx.msk [tilespmem:v26+s24+$0x0], $0xffff;
	v31 =	vshll.u32 v30, $0x2  }
0xfa: {  	v36 =	vor.u32 $0x3, v31;
	v24 =	vld.idx.msk [tilespmem:v24+s2+$0x0], $0xffff  }
0xfb: {  	v35 =	vor.u32 $0x1, v31;
	v26 =	vld.idx.msk [tilespmem:v28+s2+$0x0], $0xffff  }
0xfc: {  	v33 =	vor.u32 $0x2, v31;
	v25 =	vld.idx.msk [tilespmem:v29+s2+$0x0], $0xffff  }
0xfd: {  	v28 =	vld.idx.msk [tilespmem:v27+s2+$0x0], $0xffff  }
0xfe: {  	v32 =	vmovc v23;
	s28 =	simm.s32 $0x4;
	v34 =	vld.idx.msk [tilespmem:v63+s24+$0x0], $0xffff;
	v30 =	vmov v22;
	v27 =	vmov v20;
	v29 =	vmov v21  }
.LBB2_12:
0xff: {  	v38 =	vadd.s32 s28, v5;
	v37 =	vshll.u32 v37, $0x2;
	v27 =	vadd.f32 v24, v27;
	v24 =	vld.idx.msk [tilespmem:v36+s2+$0x0], $0xffff;
	p0 =	sne.s32 s28, $0xC7  }
.Ltmp5:
0x100: {  	s28 =	sadd.s32 $0x1, s28;
	v40 =	vmovc v26;
	v39 =	vor.u32 $0x2, v37;
	v36 =	vor.u32 $0x3, v37;
	v26 =	vld.idx.msk [tilespmem:v35+s2+$0x0], $0xffff;
	v35 =	vor.u32 $0x1, v37;
	(pc) =	sbr.rel @p0 .LBB2_12-.Ltmp5, $3  }
0x101: {  	v30 =	vadd.f32 v40, v30;
	v29 =	vadd.f32 v25, v29;
	v25 =	vld.idx.msk [tilespmem:v33+s2+$0x0], $0xffff;
	v33 =	vmov v39  }
0x102: {  	v32 =	vadd.f32 v28, v32;
	v28 =	vld.idx.msk [tilespmem:v31+s2+$0x0], $0xffff;
	v31 =	vmov v37;
	_ =	sdelay $0x1  }
0x103: {  	v37 =	vmov v34;
	v34 =	vld.idx.msk [tilespmem:v38+s24+$0x0], $0xffff  }
0x104: {  	_ =	sdelay $0x2  }
0x105: {  	v37 =	vshll.u32 v37, $0x2  }
0x106: {  	v36 =	vld.idx.msk [tilespmem:v36+s2+$0x0], $0xffff;
	v38 =	vor.u32 $0x3, v37  }
0x107: {  	v35 =	vld.idx.msk [tilespmem:v35+s2+$0x0], $0xffff;
	v39 =	vor.u32 $0x1, v37  }
0x108: {  	v33 =	vld.idx.msk [tilespmem:v33+s2+$0x0], $0xffff;
	v40 =	vor.u32 $0x2, v37  }
0x109: {  	v31 =	vld.idx.msk [tilespmem:v31+s2+$0x0], $0xffff;
	v34 =	vshll.u32 v34, $0x2  }
0x10a: {  	v41 =	vor.u32 $0x1, v34;
	v37 =	vld.idx.msk [tilespmem:v37+s2+$0x0], $0xffff  }
0x10b: {  	v42 =	vor.u32 $0x2, v34;
	v38 =	vld.idx.msk [tilespmem:v38+s2+$0x0], $0xffff  }
0x10c: {  	v43 =	vor.u32 $0x3, v34;
	v39 =	vld.idx.msk [tilespmem:v39+s2+$0x0], $0xffff  }
0x10d: {  	v28 =	vadd.f32 v28, v32;
	v62 =	vld.idx.msk [tilespmem:v40+s2+$0x0], $0xffff  }
0x10e: {  	v26 =	vadd.f32 v26, v30;
	v30 =	vld.idx.msk [tilespmem:v34+s2+$0x0], $0xffff  }
0x10f: {  	v25 =	vadd.f32 v25, v29;
	v28 =	vadd.f32 v31, v28;
	v29 =	vld.idx.msk [tilespmem:v41+s2+$0x0], $0xffff  }
0x110: {  	v24 =	vadd.f32 v24, v27;
	v26 =	vadd.f32 v35, v26;
	v27 =	vld.idx.msk [tilespmem:v42+s2+$0x0], $0xffff  }
0x111: {  	v25 =	vadd.f32 v33, v25;
	v31 =	vld.idx.msk [tilespmem:v43+s2+$0x0], $0xffff;
	v28 =	vadd.f32 v37, v28  }
0x112: {  	v24 =	vadd.f32 v36, v24;
	v26 =	vadd.f32 v39, v26  }
0x113: {  	s28 =	simm.s32 $0x0;
	v25 =	vadd.f32 v62, v25;
	v28 =	vadd.f32 v30, v28  }
0x114: {  	v24 =	vadd.f32 v38, v24;
	v26 =	vadd.f32 v29, v26;
	v29 =	vadd.s32 s28, v10  }
0x115: {  	v25 =	vadd.f32 v27, v25;
	[tilespmem:v6+s25+$0x0] =	vst.idx.msk $0xffff, v28  }
0x116: {  	v24 =	vadd.f32 v31, v24;
	[tilespmem:v7+s25+$0x0] =	vst.idx.msk $0xffff, v26  }
0x117: {  	[tilespmem:v8+s25+$0x0] =	vst.idx.msk $0xffff, v25  }
0x118: {  	s28 =	simm.s32 $0x1;
	[tilespmem:v9+s25+$0x0] =	vst.idx.msk $0xffff, v24  }
0x119: {  	v25 =	vadd.s32 s28, v10;
	v24 =	vld.idx.msk [tilespmem:v29+s24+$0x0], $0xffff;
	_ =	sdelay $0x3  }
0x11a: {  	s28 =	simm.s32 $0x2  }
0x11b: {  	v26 =	vadd.s32 s28, v10;
	v30 =	vld.idx.msk [tilespmem:v25+s24+$0x0], $0xffff;
	v27 =	vshll.u32 v24, $0x2  }
0x11c: {  	v24 =	vor.u32 $0x3, v27  }
0x11d: {  	v28 =	vor.u32 $0x1, v27  }
0x11e: {  	v29 =	vor.u32 $0x2, v27  }
0x11f: {  	s28 =	simm.s32 $0x3  }
0x120: {  	v63 =	vadd.s32 s28, v10;
	v37 =	vld.idx.msk [tilespmem:v26+s24+$0x0], $0xffff;
	v31 =	vshll.u32 v30, $0x2  }
0x121: {  	v36 =	vor.u32 $0x3, v31;
	v24 =	vld.idx.msk [tilespmem:v24+s2+$0x0], $0xffff  }
0x122: {  	v35 =	vor.u32 $0x1, v31;
	v26 =	vld.idx.msk [tilespmem:v28+s2+$0x0], $0xffff  }
0x123: {  	v33 =	vor.u32 $0x2, v31;
	v25 =	vld.idx.msk [tilespmem:v29+s2+$0x0], $0xffff  }
0x124: {  	v28 =	vld.idx.msk [tilespmem:v27+s2+$0x0], $0xffff  }
0x125: {  	v32 =	vmovc v23;
	s28 =	simm.s32 $0x4;
	v34 =	vld.idx.msk [tilespmem:v63+s24+$0x0], $0xffff;
	v30 =	vmov v22;
	v27 =	vmov v20;
	v29 =	vmov v21  }
.LBB2_14:
0x126: {  	v38 =	vadd.s32 s28, v10;
	v37 =	vshll.u32 v37, $0x2;
	v27 =	vadd.f32 v24, v27;
	v24 =	vld.idx.msk [tilespmem:v36+s2+$0x0], $0xffff;
	p0 =	sne.s32 s28, $0xC7  }
.Ltmp6:
0x127: {  	s28 =	sadd.s32 $0x1, s28;
	v40 =	vmovc v26;
	v39 =	vor.u32 $0x2, v37;
	v36 =	vor.u32 $0x3, v37;
	v26 =	vld.idx.msk [tilespmem:v35+s2+$0x0], $0xffff;
	v35 =	vor.u32 $0x1, v37;
	(pc) =	sbr.rel @p0 .LBB2_14-.Ltmp6, $3  }
0x128: {  	v30 =	vadd.f32 v40, v30;
	v29 =	vadd.f32 v25, v29;
	v25 =	vld.idx.msk [tilespmem:v33+s2+$0x0], $0xffff;
	v33 =	vmov v39  }
0x129: {  	v32 =	vadd.f32 v28, v32;
	v28 =	vld.idx.msk [tilespmem:v31+s2+$0x0], $0xffff;
	v31 =	vmov v37;
	_ =	sdelay $0x1  }
0x12a: {  	v37 =	vmov v34;
	v34 =	vld.idx.msk [tilespmem:v38+s24+$0x0], $0xffff  }
0x12b: {  	_ =	sdelay $0x2  }
0x12c: {  	v37 =	vshll.u32 v37, $0x2  }
0x12d: {  	v36 =	vld.idx.msk [tilespmem:v36+s2+$0x0], $0xffff;
	v38 =	vor.u32 $0x3, v37  }
0x12e: {  	v35 =	vld.idx.msk [tilespmem:v35+s2+$0x0], $0xffff;
	v39 =	vor.u32 $0x1, v37  }
0x12f: {  	v33 =	vld.idx.msk [tilespmem:v33+s2+$0x0], $0xffff;
	v40 =	vor.u32 $0x2, v37  }
0x130: {  	v31 =	vld.idx.msk [tilespmem:v31+s2+$0x0], $0xffff;
	v34 =	vshll.u32 v34, $0x2  }
0x131: {  	v41 =	vor.u32 $0x1, v34;
	v37 =	vld.idx.msk [tilespmem:v37+s2+$0x0], $0xffff  }
0x132: {  	v42 =	vor.u32 $0x2, v34;
	v38 =	vld.idx.msk [tilespmem:v38+s2+$0x0], $0xffff  }
0x133: {  	v43 =	vor.u32 $0x3, v34;
	v39 =	vld.idx.msk [tilespmem:v39+s2+$0x0], $0xffff  }
0x134: {  	v28 =	vadd.f32 v28, v32;
	v62 =	vld.idx.msk [tilespmem:v40+s2+$0x0], $0xffff  }
0x135: {  	v26 =	vadd.f32 v26, v30;
	v30 =	vld.idx.msk [tilespmem:v34+s2+$0x0], $0xffff  }
0x136: {  	v25 =	vadd.f32 v25, v29;
	v28 =	vadd.f32 v31, v28;
	v29 =	vld.idx.msk [tilespmem:v41+s2+$0x0], $0xffff  }
0x137: {  	v24 =	vadd.f32 v24, v27;
	v26 =	vadd.f32 v35, v26;
	v27 =	vld.idx.msk [tilespmem:v42+s2+$0x0], $0xffff  }
0x138: {  	v25 =	vadd.f32 v33, v25;
	v31 =	vld.idx.msk [tilespmem:v43+s2+$0x0], $0xffff;
	v28 =	vadd.f32 v37, v28  }
0x139: {  	v24 =	vadd.f32 v36, v24;
	v26 =	vadd.f32 v39, v26  }
0x13a: {  	s28 =	simm.s32 $0x0;
	v25 =	vadd.f32 v62, v25;
	v28 =	vadd.f32 v30, v28  }
0x13b: {  	v24 =	vadd.f32 v38, v24;
	v26 =	vadd.f32 v29, v26;
	v29 =	vadd.s32 s28, v15  }
0x13c: {  	v25 =	vadd.f32 v27, v25;
	[tilespmem:v11+s25+$0x0] =	vst.idx.msk $0xffff, v28  }
0x13d: {  	v24 =	vadd.f32 v31, v24;
	[tilespmem:v12+s25+$0x0] =	vst.idx.msk $0xffff, v26  }
0x13e: {  	[tilespmem:v13+s25+$0x0] =	vst.idx.msk $0xffff, v25  }
0x13f: {  	s28 =	simm.s32 $0x1;
	[tilespmem:v14+s25+$0x0] =	vst.idx.msk $0xffff, v24  }
0x140: {  	v25 =	vadd.s32 s28, v15;
	v24 =	vld.idx.msk [tilespmem:v29+s24+$0x0], $0xffff;
	_ =	sdelay $0x3  }
0x141: {  	s28 =	simm.s32 $0x2  }
0x142: {  	v26 =	vadd.s32 s28, v15;
	v30 =	vld.idx.msk [tilespmem:v25+s24+$0x0], $0xffff;
	v27 =	vshll.u32 v24, $0x2  }
0x143: {  	v24 =	vor.u32 $0x3, v27  }
0x144: {  	v28 =	vor.u32 $0x1, v27  }
0x145: {  	v29 =	vor.u32 $0x2, v27  }
0x146: {  	s28 =	simm.s32 $0x3  }
0x147: {  	v63 =	vadd.s32 s28, v15;
	v37 =	vld.idx.msk [tilespmem:v26+s24+$0x0], $0xffff;
	v31 =	vshll.u32 v30, $0x2  }
0x148: {  	v36 =	vor.u32 $0x3, v31;
	v24 =	vld.idx.msk [tilespmem:v24+s2+$0x0], $0xffff  }
0x149: {  	v35 =	vor.u32 $0x1, v31;
	v26 =	vld.idx.msk [tilespmem:v28+s2+$0x0], $0xffff  }
0x14a: {  	v33 =	vor.u32 $0x2, v31;
	v25 =	vld.idx.msk [tilespmem:v29+s2+$0x0], $0xffff  }
0x14b: {  	v28 =	vld.idx.msk [tilespmem:v27+s2+$0x0], $0xffff  }
0x14c: {  	v32 =	vmovc v23;
	s28 =	simm.s32 $0x4;
	v34 =	vld.idx.msk [tilespmem:v63+s24+$0x0], $0xffff;
	v30 =	vmov v22;
	v27 =	vmov v20;
	v29 =	vmov v21  }
.LBB2_16:
0x14d: {  	v38 =	vadd.s32 s28, v15;
	v37 =	vshll.u32 v37, $0x2;
	v27 =	vadd.f32 v24, v27;
	v24 =	vld.idx.msk [tilespmem:v36+s2+$0x0], $0xffff;
	p0 =	sne.s32 s28, $0xC7  }
.Ltmp7:
0x14e: {  	s28 =	sadd.s32 $0x1, s28;
	v40 =	vmovc v26;
	v39 =	vor.u32 $0x2, v37;
	v36 =	vor.u32 $0x3, v37;
	v26 =	vld.idx.msk [tilespmem:v35+s2+$0x0], $0xffff;
	v35 =	vor.u32 $0x1, v37;
	(pc) =	sbr.rel @p0 .LBB2_16-.Ltmp7, $3  }
0x14f: {  	v30 =	vadd.f32 v40, v30;
	v29 =	vadd.f32 v25, v29;
	v25 =	vld.idx.msk [tilespmem:v33+s2+$0x0], $0xffff;
	v33 =	vmov v39  }
0x150: {  	v32 =	vadd.f32 v28, v32;
	v28 =	vld.idx.msk [tilespmem:v31+s2+$0x0], $0xffff;
	v31 =	vmov v37;
	_ =	sdelay $0x1  }
0x151: {  	v37 =	vmov v34;
	v34 =	vld.idx.msk [tilespmem:v38+s24+$0x0], $0xffff  }
0x152: {  	_ =	sdelay $0x2  }
0x153: {  	v37 =	vshll.u32 v37, $0x2  }
0x154: {  	v36 =	vld.idx.msk [tilespmem:v36+s2+$0x0], $0xffff;
	v38 =	vor.u32 $0x3, v37  }
0x155: {  	v35 =	vld.idx.msk [tilespmem:v35+s2+$0x0], $0xffff;
	v39 =	vor.u32 $0x1, v37  }
0x156: {  	v33 =	vld.idx.msk [tilespmem:v33+s2+$0x0], $0xffff;
	v40 =	vor.u32 $0x2, v37  }
0x157: {  	v31 =	vld.idx.msk [tilespmem:v31+s2+$0x0], $0xffff;
	v34 =	vshll.u32 v34, $0x2  }
0x158: {  	v41 =	vor.u32 $0x1, v34;
	v37 =	vld.idx.msk [tilespmem:v37+s2+$0x0], $0xffff  }
0x159: {  	v42 =	vor.u32 $0x2, v34;
	v38 =	vld.idx.msk [tilespmem:v38+s2+$0x0], $0xffff  }
0x15a: {  	v43 =	vor.u32 $0x3, v34;
	v39 =	vld.idx.msk [tilespmem:v39+s2+$0x0], $0xffff  }
0x15b: {  	v28 =	vadd.f32 v28, v32;
	v62 =	vld.idx.msk [tilespmem:v40+s2+$0x0], $0xffff  }
0x15c: {  	v26 =	vadd.f32 v26, v30;
	v30 =	vld.idx.msk [tilespmem:v34+s2+$0x0], $0xffff  }
0x15d: {  	v25 =	vadd.f32 v25, v29;
	v28 =	vadd.f32 v31, v28;
	v29 =	vld.idx.msk [tilespmem:v41+s2+$0x0], $0xffff  }
0x15e: {  	v24 =	vadd.f32 v24, v27;
	v26 =	vadd.f32 v35, v26;
	v27 =	vld.idx.msk [tilespmem:v42+s2+$0x0], $0xffff  }
0x15f: {  	v25 =	vadd.f32 v33, v25;
	v31 =	vld.idx.msk [tilespmem:v43+s2+$0x0], $0xffff;
	v28 =	vadd.f32 v37, v28  }
0x160: {  	v24 =	vadd.f32 v36, v24;
	v26 =	vadd.f32 v39, v26  }
0x161: {  	v25 =	vadd.f32 v62, v25;
	v28 =	vadd.f32 v30, v28  }
0x162: {  	v24 =	vadd.f32 v38, v24;
	v26 =	vadd.f32 v29, v26  }
0x163: {  	v25 =	vadd.f32 v27, v25;
	[tilespmem:v16+s25+$0x0] =	vst.idx.msk $0xffff, v28  }
0x164: {  	v24 =	vadd.f32 v31, v24;
	[tilespmem:v17+s25+$0x0] =	vst.idx.msk $0xffff, v26  }
0x165: {  	[tilespmem:v18+s25+$0x0] =	vst.idx.msk $0xffff, v25  }
0x166: {  	s28 =	simm.s32 $0x0;
	[tilespmem:v19+s25+$0x0] =	vst.idx.msk $0xffff, v24  }
0x167: {  	[hbm4b:s8+s28] =	stream.linear.scatter [tilespmem:s25], [sflag:$0x1], $0x100, $0x38;
	[tilespmem:$0x4380] =	vst v63  }
0x168: {  	_ =	swait.ge [sflag:s22], $0x100  }
0x169: {  	[sflag:s22] =	ssyncset.done $0x0  }
0x16a: {  	v24 =	vadd.s32 s28, v1;
	[sflag:s22] =	ssyncadd.s32 $0xFFFFFF00  }
0x16b: {  	[tilespmem:s24], [sflag:$0x1] =	stream.linear.gather [hbm4b:s9+s28], $0x3200, $0x38;
	[tilespmem:$0x4380] =	vst v63  }
0x16c: {  	_ =	swait.ge [sflag:s22], $0x3200  }
0x16d: {  	[sflag:s22] =	ssyncset.done $0x0  }
0x16e: {  	s28 =	simm.s32 $0x1;
	[sflag:s22] =	ssyncadd.s32 $0xFFFFCE00  }
0x16f: {  	v25 =	vadd.s32 s28, v1;
	v24 =	vld.idx.msk [tilespmem:v24+s24+$0x0], $0xffff;
	_ =	sdelay $0x3  }
0x170: {  	s28 =	simm.s32 $0x2  }
0x171: {  	v26 =	vadd.s32 s28, v1;
	v30 =	vld.idx.msk [tilespmem:v25+s24+$0x0], $0xffff;
	v27 =	vshll.u32 v24, $0x2  }
0x172: {  	v24 =	vor.u32 $0x3, v27  }
0x173: {  	v28 =	vor.u32 $0x1, v27  }
0x174: {  	v29 =	vor.u32 $0x2, v27  }
0x175: {  	s28 =	simm.s32 $0x3  }
0x176: {  	v63 =	vadd.s32 s28, v1;
	v37 =	vld.idx.msk [tilespmem:v26+s24+$0x0], $0xffff;
	v31 =	vshll.u32 v30, $0x2  }
0x177: {  	v36 =	vor.u32 $0x3, v31;
	v24 =	vld.idx.msk [tilespmem:v24+s2+$0x0], $0xffff  }
0x178: {  	v35 =	vor.u32 $0x1, v31;
	v26 =	vld.idx.msk [tilespmem:v28+s2+$0x0], $0xffff  }
0x179: {  	v33 =	vor.u32 $0x2, v31;
	v25 =	vld.idx.msk [tilespmem:v29+s2+$0x0], $0xffff  }
0x17a: {  	v28 =	vld.idx.msk [tilespmem:v27+s2+$0x0], $0xffff  }
0x17b: {  	v32 =	vmovc v23;
	s28 =	simm.s32 $0x4;
	v34 =	vld.idx.msk [tilespmem:v63+s24+$0x0], $0xffff;
	v30 =	vmov v22;
	v27 =	vmov v20;
	v29 =	vmov v21  }
.LBB2_18:
0x17c: {  	v38 =	vadd.s32 s28, v1;
	v37 =	vshll.u32 v37, $0x2;
	v27 =	vadd.f32 v24, v27;
	v24 =	vld.idx.msk [tilespmem:v36+s2+$0x0], $0xffff;
	p0 =	sne.s32 s28, $0xC7  }
.Ltmp8:
0x17d: {  	s28 =	sadd.s32 $0x1, s28;
	v40 =	vmovc v26;
	v39 =	vor.u32 $0x2, v37;
	v36 =	vor.u32 $0x3, v37;
	v26 =	vld.idx.msk [tilespmem:v35+s2+$0x0], $0xffff;
	v35 =	vor.u32 $0x1, v37;
	(pc) =	sbr.rel @p0 .LBB2_18-.Ltmp8, $3  }
0x17e: {  	v30 =	vadd.f32 v40, v30;
	v29 =	vadd.f32 v25, v29;
	v25 =	vld.idx.msk [tilespmem:v33+s2+$0x0], $0xffff;
	v33 =	vmov v39  }
0x17f: {  	v32 =	vadd.f32 v28, v32;
	v28 =	vld.idx.msk [tilespmem:v31+s2+$0x0], $0xffff;
	v31 =	vmov v37;
	_ =	sdelay $0x1  }
0x180: {  	v37 =	vmov v34;
	v34 =	vld.idx.msk [tilespmem:v38+s24+$0x0], $0xffff  }
0x181: {  	_ =	sdelay $0x2  }
0x182: {  	v37 =	vshll.u32 v37, $0x2  }
0x183: {  	v36 =	vld.idx.msk [tilespmem:v36+s2+$0x0], $0xffff;
	v38 =	vor.u32 $0x3, v37  }
0x184: {  	v35 =	vld.idx.msk [tilespmem:v35+s2+$0x0], $0xffff;
	v39 =	vor.u32 $0x1, v37  }
0x185: {  	v33 =	vld.idx.msk [tilespmem:v33+s2+$0x0], $0xffff;
	v40 =	vor.u32 $0x2, v37  }
0x186: {  	v31 =	vld.idx.msk [tilespmem:v31+s2+$0x0], $0xffff;
	v34 =	vshll.u32 v34, $0x2  }
0x187: {  	v41 =	vor.u32 $0x1, v34;
	v37 =	vld.idx.msk [tilespmem:v37+s2+$0x0], $0xffff  }
0x188: {  	v42 =	vor.u32 $0x2, v34;
	v38 =	vld.idx.msk [tilespmem:v38+s2+$0x0], $0xffff  }
0x189: {  	v43 =	vor.u32 $0x3, v34;
	v39 =	vld.idx.msk [tilespmem:v39+s2+$0x0], $0xffff  }
0x18a: {  	v28 =	vadd.f32 v28, v32;
	v62 =	vld.idx.msk [tilespmem:v40+s2+$0x0], $0xffff  }
0x18b: {  	v26 =	vadd.f32 v26, v30;
	v30 =	vld.idx.msk [tilespmem:v34+s2+$0x0], $0xffff  }
0x18c: {  	v25 =	vadd.f32 v25, v29;
	v28 =	vadd.f32 v31, v28;
	v29 =	vld.idx.msk [tilespmem:v41+s2+$0x0], $0xffff  }
0x18d: {  	v24 =	vadd.f32 v24, v27;
	v26 =	vadd.f32 v35, v26;
	v27 =	vld.idx.msk [tilespmem:v42+s2+$0x0], $0xffff  }
0x18e: {  	v25 =	vadd.f32 v33, v25;
	v31 =	vld.idx.msk [tilespmem:v43+s2+$0x0], $0xffff;
	v28 =	vadd.f32 v37, v28  }
0x18f: {  	v24 =	vadd.f32 v36, v24;
	v26 =	vadd.f32 v39, v26  }
0x190: {  	s28 =	simm.s32 $0x0;
	v25 =	vadd.f32 v62, v25;
	v28 =	vadd.f32 v30, v28  }
0x191: {  	v24 =	vadd.f32 v38, v24;
	v26 =	vadd.f32 v29, v26;
	v29 =	vadd.s32 s28, v5  }
0x192: {  	v25 =	vadd.f32 v27, v25;
	[tilespmem:v0+s25+$0x0] =	vst.idx.msk $0xffff, v28  }
0x193: {  	v24 =	vadd.f32 v31, v24;
	[tilespmem:v2+s25+$0x0] =	vst.idx.msk $0xffff, v26  }
0x194: {  	[tilespmem:v3+s25+$0x0] =	vst.idx.msk $0xffff, v25  }
0x195: {  	s28 =	simm.s32 $0x1;
	[tilespmem:v4+s25+$0x0] =	vst.idx.msk $0xffff, v24  }
0x196: {  	v25 =	vadd.s32 s28, v5;
	v24 =	vld.idx.msk [tilespmem:v29+s24+$0x0], $0xffff;
	_ =	sdelay $0x3  }
0x197: {  	s28 =	simm.s32 $0x2  }
0x198: {  	v26 =	vadd.s32 s28, v5;
	v30 =	vld.idx.msk [tilespmem:v25+s24+$0x0], $0xffff;
	v27 =	vshll.u32 v24, $0x2  }
0x199: {  	v24 =	vor.u32 $0x3, v27  }
0x19a: {  	v28 =	vor.u32 $0x1, v27  }
0x19b: {  	v29 =	vor.u32 $0x2, v27  }
0x19c: {  	s28 =	simm.s32 $0x3  }
0x19d: {  	v63 =	vadd.s32 s28, v5;
	v37 =	vld.idx.msk [tilespmem:v26+s24+$0x0], $0xffff;
	v31 =	vshll.u32 v30, $0x2  }
0x19e: {  	v36 =	vor.u32 $0x3, v31;
	v24 =	vld.idx.msk [tilespmem:v24+s2+$0x0], $0xffff  }
0x19f: {  	v35 =	vor.u32 $0x1, v31;
	v26 =	vld.idx.msk [tilespmem:v28+s2+$0x0], $0xffff  }
0x1a0: {  	v33 =	vor.u32 $0x2, v31;
	v25 =	vld.idx.msk [tilespmem:v29+s2+$0x0], $0xffff  }
0x1a1: {  	v28 =	vld.idx.msk [tilespmem:v27+s2+$0x0], $0xffff  }
0x1a2: {  	v32 =	vmovc v23;
	s28 =	simm.s32 $0x4;
	v34 =	vld.idx.msk [tilespmem:v63+s24+$0x0], $0xffff;
	v30 =	vmov v22;
	v27 =	vmov v20;
	v29 =	vmov v21  }
.LBB2_20:
0x1a3: {  	v38 =	vadd.s32 s28, v5;
	v37 =	vshll.u32 v37, $0x2;
	v27 =	vadd.f32 v24, v27;
	v24 =	vld.idx.msk [tilespmem:v36+s2+$0x0], $0xffff;
	p0 =	sne.s32 s28, $0xC7  }
.Ltmp9:
0x1a4: {  	s28 =	sadd.s32 $0x1, s28;
	v40 =	vmovc v26;
	v39 =	vor.u32 $0x2, v37;
	v36 =	vor.u32 $0x3, v37;
	v26 =	vld.idx.msk [tilespmem:v35+s2+$0x0], $0xffff;
	v35 =	vor.u32 $0x1, v37;
	(pc) =	sbr.rel @p0 .LBB2_20-.Ltmp9, $3  }
0x1a5: {  	v30 =	vadd.f32 v40, v30;
	v29 =	vadd.f32 v25, v29;
	v25 =	vld.idx.msk [tilespmem:v33+s2+$0x0], $0xffff;
	v33 =	vmov v39  }
0x1a6: {  	v32 =	vadd.f32 v28, v32;
	v28 =	vld.idx.msk [tilespmem:v31+s2+$0x0], $0xffff;
	v31 =	vmov v37;
	_ =	sdelay $0x1  }
0x1a7: {  	v37 =	vmov v34;
	v34 =	vld.idx.msk [tilespmem:v38+s24+$0x0], $0xffff  }
0x1a8: {  	_ =	sdelay $0x2  }
0x1a9: {  	v37 =	vshll.u32 v37, $0x2  }
0x1aa: {  	v36 =	vld.idx.msk [tilespmem:v36+s2+$0x0], $0xffff;
	v38 =	vor.u32 $0x3, v37  }
0x1ab: {  	v35 =	vld.idx.msk [tilespmem:v35+s2+$0x0], $0xffff;
	v39 =	vor.u32 $0x1, v37  }
0x1ac: {  	v33 =	vld.idx.msk [tilespmem:v33+s2+$0x0], $0xffff;
	v40 =	vor.u32 $0x2, v37  }
0x1ad: {  	v31 =	vld.idx.msk [tilespmem:v31+s2+$0x0], $0xffff;
	v34 =	vshll.u32 v34, $0x2  }
0x1ae: {  	v41 =	vor.u32 $0x1, v34;
	v37 =	vld.idx.msk [tilespmem:v37+s2+$0x0], $0xffff  }
0x1af: {  	v42 =	vor.u32 $0x2, v34;
	v38 =	vld.idx.msk [tilespmem:v38+s2+$0x0], $0xffff  }
0x1b0: {  	v43 =	vor.u32 $0x3, v34;
	v39 =	vld.idx.msk [tilespmem:v39+s2+$0x0], $0xffff  }
0x1b1: {  	v28 =	vadd.f32 v28, v32;
	v62 =	vld.idx.msk [tilespmem:v40+s2+$0x0], $0xffff  }
0x1b2: {  	v26 =	vadd.f32 v26, v30;
	v30 =	vld.idx.msk [tilespmem:v34+s2+$0x0], $0xffff  }
0x1b3: {  	v25 =	vadd.f32 v25, v29;
	v28 =	vadd.f32 v31, v28;
	v29 =	vld.idx.msk [tilespmem:v41+s2+$0x0], $0xffff  }
0x1b4: {  	v24 =	vadd.f32 v24, v27;
	v26 =	vadd.f32 v35, v26;
	v27 =	vld.idx.msk [tilespmem:v42+s2+$0x0], $0xffff  }
0x1b5: {  	v25 =	vadd.f32 v33, v25;
	v31 =	vld.idx.msk [tilespmem:v43+s2+$0x0], $0xffff;
	v28 =	vadd.f32 v37, v28  }
0x1b6: {  	v24 =	vadd.f32 v36, v24;
	v26 =	vadd.f32 v39, v26  }
0x1b7: {  	s28 =	simm.s32 $0x0;
	v25 =	vadd.f32 v62, v25;
	v28 =	vadd.f32 v30, v28  }
0x1b8: {  	v24 =	vadd.f32 v38, v24;
	v26 =	vadd.f32 v29, v26;
	v29 =	vadd.s32 s28, v10  }
0x1b9: {  	v25 =	vadd.f32 v27, v25;
	[tilespmem:v6+s25+$0x0] =	vst.idx.msk $0xffff, v28  }
0x1ba: {  	v24 =	vadd.f32 v31, v24;
	[tilespmem:v7+s25+$0x0] =	vst.idx.msk $0xffff, v26  }
0x1bb: {  	[tilespmem:v8+s25+$0x0] =	vst.idx.msk $0xffff, v25  }
0x1bc: {  	s28 =	simm.s32 $0x1;
	[tilespmem:v9+s25+$0x0] =	vst.idx.msk $0xffff, v24  }
0x1bd: {  	v25 =	vadd.s32 s28, v10;
	v24 =	vld.idx.msk [tilespmem:v29+s24+$0x0], $0xffff;
	_ =	sdelay $0x3  }
0x1be: {  	s28 =	simm.s32 $0x2  }
0x1bf: {  	v26 =	vadd.s32 s28, v10;
	v30 =	vld.idx.msk [tilespmem:v25+s24+$0x0], $0xffff;
	v27 =	vshll.u32 v24, $0x2  }
0x1c0: {  	v24 =	vor.u32 $0x3, v27  }
0x1c1: {  	v28 =	vor.u32 $0x1, v27  }
0x1c2: {  	v29 =	vor.u32 $0x2, v27  }
0x1c3: {  	s28 =	simm.s32 $0x3  }
0x1c4: {  	v63 =	vadd.s32 s28, v10;
	v37 =	vld.idx.msk [tilespmem:v26+s24+$0x0], $0xffff;
	v31 =	vshll.u32 v30, $0x2  }
0x1c5: {  	v36 =	vor.u32 $0x3, v31;
	v24 =	vld.idx.msk [tilespmem:v24+s2+$0x0], $0xffff  }
0x1c6: {  	v35 =	vor.u32 $0x1, v31;
	v26 =	vld.idx.msk [tilespmem:v28+s2+$0x0], $0xffff  }
0x1c7: {  	v33 =	vor.u32 $0x2, v31;
	v25 =	vld.idx.msk [tilespmem:v29+s2+$0x0], $0xffff  }
0x1c8: {  	v28 =	vld.idx.msk [tilespmem:v27+s2+$0x0], $0xffff  }
0x1c9: {  	v32 =	vmovc v23;
	s28 =	simm.s32 $0x4;
	v34 =	vld.idx.msk [tilespmem:v63+s24+$0x0], $0xffff;
	v30 =	vmov v22;
	v27 =	vmov v20;
	v29 =	vmov v21  }
.LBB2_22:
0x1ca: {  	v38 =	vadd.s32 s28, v10;
	v37 =	vshll.u32 v37, $0x2;
	v27 =	vadd.f32 v24, v27;
	v24 =	vld.idx.msk [tilespmem:v36+s2+$0x0], $0xffff;
	p0 =	sne.s32 s28, $0xC7  }
.Ltmp10:
0x1cb: {  	s28 =	sadd.s32 $0x1, s28;
	v40 =	vmovc v26;
	v39 =	vor.u32 $0x2, v37;
	v36 =	vor.u32 $0x3, v37;
	v26 =	vld.idx.msk [tilespmem:v35+s2+$0x0], $0xffff;
	v35 =	vor.u32 $0x1, v37;
	(pc) =	sbr.rel @p0 .LBB2_22-.Ltmp10, $3  }
0x1cc: {  	v30 =	vadd.f32 v40, v30;
	v29 =	vadd.f32 v25, v29;
	v25 =	vld.idx.msk [tilespmem:v33+s2+$0x0], $0xffff;
	v33 =	vmov v39  }
0x1cd: {  	v32 =	vadd.f32 v28, v32;
	v28 =	vld.idx.msk [tilespmem:v31+s2+$0x0], $0xffff;
	v31 =	vmov v37;
	_ =	sdelay $0x1  }
0x1ce: {  	v37 =	vmov v34;
	v34 =	vld.idx.msk [tilespmem:v38+s24+$0x0], $0xffff  }
0x1cf: {  	_ =	sdelay $0x2  }
0x1d0: {  	v37 =	vshll.u32 v37, $0x2  }
0x1d1: {  	v36 =	vld.idx.msk [tilespmem:v36+s2+$0x0], $0xffff;
	v38 =	vor.u32 $0x3, v37  }
0x1d2: {  	v35 =	vld.idx.msk [tilespmem:v35+s2+$0x0], $0xffff;
	v39 =	vor.u32 $0x1, v37  }
0x1d3: {  	v33 =	vld.idx.msk [tilespmem:v33+s2+$0x0], $0xffff;
	v40 =	vor.u32 $0x2, v37  }
0x1d4: {  	v31 =	vld.idx.msk [tilespmem:v31+s2+$0x0], $0xffff;
	v34 =	vshll.u32 v34, $0x2  }
0x1d5: {  	v41 =	vor.u32 $0x1, v34;
	v37 =	vld.idx.msk [tilespmem:v37+s2+$0x0], $0xffff  }
0x1d6: {  	v42 =	vor.u32 $0x2, v34;
	v38 =	vld.idx.msk [tilespmem:v38+s2+$0x0], $0xffff  }
0x1d7: {  	v43 =	vor.u32 $0x3, v34;
	v39 =	vld.idx.msk [tilespmem:v39+s2+$0x0], $0xffff  }
0x1d8: {  	v28 =	vadd.f32 v28, v32;
	v62 =	vld.idx.msk [tilespmem:v40+s2+$0x0], $0xffff  }
0x1d9: {  	v26 =	vadd.f32 v26, v30;
	v30 =	vld.idx.msk [tilespmem:v34+s2+$0x0], $0xffff  }
0x1da: {  	v25 =	vadd.f32 v25, v29;
	v28 =	vadd.f32 v31, v28;
	v29 =	vld.idx.msk [tilespmem:v41+s2+$0x0], $0xffff  }
0x1db: {  	v24 =	vadd.f32 v24, v27;
	v26 =	vadd.f32 v35, v26;
	v27 =	vld.idx.msk [tilespmem:v42+s2+$0x0], $0xffff  }
0x1dc: {  	v25 =	vadd.f32 v33, v25;
	v31 =	vld.idx.msk [tilespmem:v43+s2+$0x0], $0xffff;
	v28 =	vadd.f32 v37, v28  }
0x1dd: {  	v24 =	vadd.f32 v36, v24;
	v26 =	vadd.f32 v39, v26  }
0x1de: {  	s28 =	simm.s32 $0x0;
	v25 =	vadd.f32 v62, v25;
	v28 =	vadd.f32 v30, v28  }
0x1df: {  	v24 =	vadd.f32 v38, v24;
	v26 =	vadd.f32 v29, v26;
	v29 =	vadd.s32 s28, v15  }
0x1e0: {  	v25 =	vadd.f32 v27, v25;
	[tilespmem:v11+s25+$0x0] =	vst.idx.msk $0xffff, v28  }
0x1e1: {  	v24 =	vadd.f32 v31, v24;
	[tilespmem:v12+s25+$0x0] =	vst.idx.msk $0xffff, v26  }
0x1e2: {  	[tilespmem:v13+s25+$0x0] =	vst.idx.msk $0xffff, v25  }
0x1e3: {  	s28 =	simm.s32 $0x1;
	[tilespmem:v14+s25+$0x0] =	vst.idx.msk $0xffff, v24  }
0x1e4: {  	v25 =	vadd.s32 s28, v15;
	v24 =	vld.idx.msk [tilespmem:v29+s24+$0x0], $0xffff;
	_ =	sdelay $0x3  }
0x1e5: {  	s28 =	simm.s32 $0x2  }
0x1e6: {  	v26 =	vadd.s32 s28, v15;
	v30 =	vld.idx.msk [tilespmem:v25+s24+$0x0], $0xffff;
	v27 =	vshll.u32 v24, $0x2  }
0x1e7: {  	v24 =	vor.u32 $0x3, v27  }
0x1e8: {  	v28 =	vor.u32 $0x1, v27  }
0x1e9: {  	v29 =	vor.u32 $0x2, v27  }
0x1ea: {  	s28 =	simm.s32 $0x3  }
0x1eb: {  	v63 =	vadd.s32 s28, v15;
	v37 =	vld.idx.msk [tilespmem:v26+s24+$0x0], $0xffff;
	v31 =	vshll.u32 v30, $0x2  }
0x1ec: {  	v36 =	vor.u32 $0x3, v31;
	v24 =	vld.idx.msk [tilespmem:v24+s2+$0x0], $0xffff  }
0x1ed: {  	v35 =	vor.u32 $0x1, v31;
	v26 =	vld.idx.msk [tilespmem:v28+s2+$0x0], $0xffff  }
0x1ee: {  	v33 =	vor.u32 $0x2, v31;
	v25 =	vld.idx.msk [tilespmem:v29+s2+$0x0], $0xffff  }
0x1ef: {  	v28 =	vld.idx.msk [tilespmem:v27+s2+$0x0], $0xffff  }
0x1f0: {  	v32 =	vmovc v23;
	s28 =	simm.s32 $0x4;
	v34 =	vld.idx.msk [tilespmem:v63+s24+$0x0], $0xffff;
	v30 =	vmov v22;
	v27 =	vmov v20;
	v29 =	vmov v21  }
.LBB2_24:
0x1f1: {  	v38 =	vadd.s32 s28, v15;
	v37 =	vshll.u32 v37, $0x2;
	v27 =	vadd.f32 v24, v27;
	v24 =	vld.idx.msk [tilespmem:v36+s2+$0x0], $0xffff;
	p0 =	sne.s32 s28, $0xC7  }
.Ltmp11:
0x1f2: {  	s28 =	sadd.s32 $0x1, s28;
	v40 =	vmovc v26;
	v39 =	vor.u32 $0x2, v37;
	v36 =	vor.u32 $0x3, v37;
	v26 =	vld.idx.msk [tilespmem:v35+s2+$0x0], $0xffff;
	v35 =	vor.u32 $0x1, v37;
	(pc) =	sbr.rel @p0 .LBB2_24-.Ltmp11, $3  }
0x1f3: {  	v30 =	vadd.f32 v40, v30;
	v29 =	vadd.f32 v25, v29;
	v25 =	vld.idx.msk [tilespmem:v33+s2+$0x0], $0xffff;
	v33 =	vmov v39  }
0x1f4: {  	v32 =	vadd.f32 v28, v32;
	v28 =	vld.idx.msk [tilespmem:v31+s2+$0x0], $0xffff;
	v31 =	vmov v37;
	_ =	sdelay $0x1  }
0x1f5: {  	v37 =	vmov v34;
	v34 =	vld.idx.msk [tilespmem:v38+s24+$0x0], $0xffff  }
0x1f6: {  	_ =	sdelay $0x2  }
0x1f7: {  	v37 =	vshll.u32 v37, $0x2  }
0x1f8: {  	v36 =	vld.idx.msk [tilespmem:v36+s2+$0x0], $0xffff;
	v38 =	vor.u32 $0x3, v37  }
0x1f9: {  	v35 =	vld.idx.msk [tilespmem:v35+s2+$0x0], $0xffff;
	v39 =	vor.u32 $0x1, v37  }
0x1fa: {  	v33 =	vld.idx.msk [tilespmem:v33+s2+$0x0], $0xffff;
	v40 =	vor.u32 $0x2, v37  }
0x1fb: {  	v31 =	vld.idx.msk [tilespmem:v31+s2+$0x0], $0xffff;
	v34 =	vshll.u32 v34, $0x2  }
0x1fc: {  	v41 =	vor.u32 $0x1, v34;
	v37 =	vld.idx.msk [tilespmem:v37+s2+$0x0], $0xffff  }
0x1fd: {  	v42 =	vor.u32 $0x2, v34;
	v38 =	vld.idx.msk [tilespmem:v38+s2+$0x0], $0xffff  }
0x1fe: {  	v43 =	vor.u32 $0x3, v34;
	v39 =	vld.idx.msk [tilespmem:v39+s2+$0x0], $0xffff  }
0x1ff: {  	v28 =	vadd.f32 v28, v32;
	v62 =	vld.idx.msk [tilespmem:v40+s2+$0x0], $0xffff  }
0x200: {  	v26 =	vadd.f32 v26, v30;
	v30 =	vld.idx.msk [tilespmem:v34+s2+$0x0], $0xffff  }
0x201: {  	v25 =	vadd.f32 v25, v29;
	v28 =	vadd.f32 v31, v28;
	v29 =	vld.idx.msk [tilespmem:v41+s2+$0x0], $0xffff  }
0x202: {  	v24 =	vadd.f32 v24, v27;
	v26 =	vadd.f32 v35, v26;
	v27 =	vld.idx.msk [tilespmem:v42+s2+$0x0], $0xffff  }
0x203: {  	v25 =	vadd.f32 v33, v25;
	v31 =	vld.idx.msk [tilespmem:v43+s2+$0x0], $0xffff;
	v28 =	vadd.f32 v37, v28  }
0x204: {  	v24 =	vadd.f32 v36, v24;
	v26 =	vadd.f32 v39, v26  }
0x205: {  	v25 =	vadd.f32 v62, v25;
	v28 =	vadd.f32 v30, v28  }
0x206: {  	v24 =	vadd.f32 v38, v24;
	v26 =	vadd.f32 v29, v26  }
0x207: {  	v25 =	vadd.f32 v27, v25;
	[tilespmem:v16+s25+$0x0] =	vst.idx.msk $0xffff, v28  }
0x208: {  	v24 =	vadd.f32 v31, v24;
	[tilespmem:v17+s25+$0x0] =	vst.idx.msk $0xffff, v26  }
0x209: {  	[tilespmem:v18+s25+$0x0] =	vst.idx.msk $0xffff, v25  }
0x20a: {  	s28 =	simm.s32 $0x0;
	[tilespmem:v19+s25+$0x0] =	vst.idx.msk $0xffff, v24  }
0x20b: {  	[hbm4b:s10+s28] =	stream.linear.scatter [tilespmem:s25], [sflag:$0x1], $0x100, $0x38;
	[tilespmem:$0x4380] =	vst v63  }
0x20c: {  	_ =	swait.ge [sflag:s22], $0x100  }
0x20d: {  	[sflag:s22] =	ssyncset.done $0x0  }
0x20e: {  	v24 =	vadd.s32 s28, v1;
	[sflag:s22] =	ssyncadd.s32 $0xFFFFFF00  }
0x20f: {  	[tilespmem:s24], [sflag:$0x1] =	stream.linear.gather [hbm4b:s11+s28], $0x3200, $0x38;
	[tilespmem:$0x4380] =	vst v63  }
0x210: {  	_ =	swait.ge [sflag:s22], $0x3200  }
0x211: {  	[sflag:s22] =	ssyncset.done $0x0  }
0x212: {  	s28 =	simm.s32 $0x1;
	[sflag:s22] =	ssyncadd.s32 $0xFFFFCE00  }
0x213: {  	v25 =	vadd.s32 s28, v1;
	v24 =	vld.idx.msk [tilespmem:v24+s24+$0x0], $0xffff;
	_ =	sdelay $0x3  }
0x214: {  	s28 =	simm.s32 $0x2  }
0x215: {  	v26 =	vadd.s32 s28, v1;
	v30 =	vld.idx.msk [tilespmem:v25+s24+$0x0], $0xffff;
	v27 =	vshll.u32 v24, $0x2  }
0x216: {  	v24 =	vor.u32 $0x3, v27  }
0x217: {  	v28 =	vor.u32 $0x1, v27  }
0x218: {  	v29 =	vor.u32 $0x2, v27  }
0x219: {  	s28 =	simm.s32 $0x3  }
0x21a: {  	v63 =	vadd.s32 s28, v1;
	v37 =	vld.idx.msk [tilespmem:v26+s24+$0x0], $0xffff;
	v31 =	vshll.u32 v30, $0x2  }
0x21b: {  	v36 =	vor.u32 $0x3, v31;
	v24 =	vld.idx.msk [tilespmem:v24+s2+$0x0], $0xffff  }
0x21c: {  	v35 =	vor.u32 $0x1, v31;
	v26 =	vld.idx.msk [tilespmem:v28+s2+$0x0], $0xffff  }
0x21d: {  	v33 =	vor.u32 $0x2, v31;
	v25 =	vld.idx.msk [tilespmem:v29+s2+$0x0], $0xffff  }
0x21e: {  	v28 =	vld.idx.msk [tilespmem:v27+s2+$0x0], $0xffff  }
0x21f: {  	v32 =	vmovc v23;
	s28 =	simm.s32 $0x4;
	v34 =	vld.idx.msk [tilespmem:v63+s24+$0x0], $0xffff;
	v30 =	vmov v22;
	v27 =	vmov v20;
	v29 =	vmov v21  }
.LBB2_26:
0x220: {  	v38 =	vadd.s32 s28, v1;
	v37 =	vshll.u32 v37, $0x2;
	v27 =	vadd.f32 v24, v27;
	v24 =	vld.idx.msk [tilespmem:v36+s2+$0x0], $0xffff;
	p0 =	sne.s32 s28, $0xC7  }
.Ltmp12:
0x221: {  	s28 =	sadd.s32 $0x1, s28;
	v40 =	vmovc v26;
	v39 =	vor.u32 $0x2, v37;
	v36 =	vor.u32 $0x3, v37;
	v26 =	vld.idx.msk [tilespmem:v35+s2+$0x0], $0xffff;
	v35 =	vor.u32 $0x1, v37;
	(pc) =	sbr.rel @p0 .LBB2_26-.Ltmp12, $3  }
0x222: {  	v30 =	vadd.f32 v40, v30;
	v29 =	vadd.f32 v25, v29;
	v25 =	vld.idx.msk [tilespmem:v33+s2+$0x0], $0xffff;
	v33 =	vmov v39  }
0x223: {  	v32 =	vadd.f32 v28, v32;
	v28 =	vld.idx.msk [tilespmem:v31+s2+$0x0], $0xffff;
	v31 =	vmov v37;
	_ =	sdelay $0x1  }
0x224: {  	v37 =	vmov v34;
	v34 =	vld.idx.msk [tilespmem:v38+s24+$0x0], $0xffff  }
0x225: {  	_ =	sdelay $0x2  }
0x226: {  	v37 =	vshll.u32 v37, $0x2  }
0x227: {  	v36 =	vld.idx.msk [tilespmem:v36+s2+$0x0], $0xffff;
	v38 =	vor.u32 $0x3, v37  }
0x228: {  	v35 =	vld.idx.msk [tilespmem:v35+s2+$0x0], $0xffff;
	v39 =	vor.u32 $0x1, v37  }
0x229: {  	v33 =	vld.idx.msk [tilespmem:v33+s2+$0x0], $0xffff;
	v40 =	vor.u32 $0x2, v37  }
0x22a: {  	v31 =	vld.idx.msk [tilespmem:v31+s2+$0x0], $0xffff;
	v34 =	vshll.u32 v34, $0x2  }
0x22b: {  	v41 =	vor.u32 $0x1, v34;
	v37 =	vld.idx.msk [tilespmem:v37+s2+$0x0], $0xffff  }
0x22c: {  	v42 =	vor.u32 $0x2, v34;
	v38 =	vld.idx.msk [tilespmem:v38+s2+$0x0], $0xffff  }
0x22d: {  	v43 =	vor.u32 $0x3, v34;
	v39 =	vld.idx.msk [tilespmem:v39+s2+$0x0], $0xffff  }
0x22e: {  	v28 =	vadd.f32 v28, v32;
	v62 =	vld.idx.msk [tilespmem:v40+s2+$0x0], $0xffff  }
0x22f: {  	v26 =	vadd.f32 v26, v30;
	v30 =	vld.idx.msk [tilespmem:v34+s2+$0x0], $0xffff  }
0x230: {  	v25 =	vadd.f32 v25, v29;
	v28 =	vadd.f32 v31, v28;
	v29 =	vld.idx.msk [tilespmem:v41+s2+$0x0], $0xffff  }
0x231: {  	v24 =	vadd.f32 v24, v27;
	v26 =	vadd.f32 v35, v26;
	v27 =	vld.idx.msk [tilespmem:v42+s2+$0x0], $0xffff  }
0x232: {  	v25 =	vadd.f32 v33, v25;
	v31 =	vld.idx.msk [tilespmem:v43+s2+$0x0], $0xffff;
	v28 =	vadd.f32 v37, v28  }
0x233: {  	v24 =	vadd.f32 v36, v24;
	v26 =	vadd.f32 v39, v26  }
0x234: {  	s28 =	simm.s32 $0x0;
	v25 =	vadd.f32 v62, v25;
	v28 =	vadd.f32 v30, v28  }
0x235: {  	v24 =	vadd.f32 v38, v24;
	v26 =	vadd.f32 v29, v26;
	v29 =	vadd.s32 s28, v5  }
0x236: {  	v25 =	vadd.f32 v27, v25;
	[tilespmem:v0+s25+$0x0] =	vst.idx.msk $0xffff, v28  }
0x237: {  	v24 =	vadd.f32 v31, v24;
	[tilespmem:v2+s25+$0x0] =	vst.idx.msk $0xffff, v26  }
0x238: {  	[tilespmem:v3+s25+$0x0] =	vst.idx.msk $0xffff, v25  }
0x239: {  	s28 =	simm.s32 $0x1;
	[tilespmem:v4+s25+$0x0] =	vst.idx.msk $0xffff, v24  }
0x23a: {  	v25 =	vadd.s32 s28, v5;
	v24 =	vld.idx.msk [tilespmem:v29+s24+$0x0], $0xffff;
	_ =	sdelay $0x3  }
0x23b: {  	s28 =	simm.s32 $0x2  }
0x23c: {  	v26 =	vadd.s32 s28, v5;
	v30 =	vld.idx.msk [tilespmem:v25+s24+$0x0], $0xffff;
	v27 =	vshll.u32 v24, $0x2  }
0x23d: {  	v24 =	vor.u32 $0x3, v27  }
0x23e: {  	v28 =	vor.u32 $0x1, v27  }
0x23f: {  	v29 =	vor.u32 $0x2, v27  }
0x240: {  	s28 =	simm.s32 $0x3  }
0x241: {  	v63 =	vadd.s32 s28, v5;
	v37 =	vld.idx.msk [tilespmem:v26+s24+$0x0], $0xffff;
	v31 =	vshll.u32 v30, $0x2  }
0x242: {  	v36 =	vor.u32 $0x3, v31;
	v24 =	vld.idx.msk [tilespmem:v24+s2+$0x0], $0xffff  }
0x243: {  	v35 =	vor.u32 $0x1, v31;
	v26 =	vld.idx.msk [tilespmem:v28+s2+$0x0], $0xffff  }
0x244: {  	v33 =	vor.u32 $0x2, v31;
	v25 =	vld.idx.msk [tilespmem:v29+s2+$0x0], $0xffff  }
0x245: {  	v28 =	vld.idx.msk [tilespmem:v27+s2+$0x0], $0xffff  }
0x246: {  	v32 =	vmovc v23;
	s28 =	simm.s32 $0x4;
	v34 =	vld.idx.msk [tilespmem:v63+s24+$0x0], $0xffff;
	v30 =	vmov v22;
	v27 =	vmov v20;
	v29 =	vmov v21  }
.LBB2_28:
0x247: {  	v38 =	vadd.s32 s28, v5;
	v37 =	vshll.u32 v37, $0x2;
	v27 =	vadd.f32 v24, v27;
	v24 =	vld.idx.msk [tilespmem:v36+s2+$0x0], $0xffff;
	p0 =	sne.s32 s28, $0xC7  }
.Ltmp13:
0x248: {  	s28 =	sadd.s32 $0x1, s28;
	v40 =	vmovc v26;
	v39 =	vor.u32 $0x2, v37;
	v36 =	vor.u32 $0x3, v37;
	v26 =	vld.idx.msk [tilespmem:v35+s2+$0x0], $0xffff;
	v35 =	vor.u32 $0x1, v37;
	(pc) =	sbr.rel @p0 .LBB2_28-.Ltmp13, $3  }
0x249: {  	v30 =	vadd.f32 v40, v30;
	v29 =	vadd.f32 v25, v29;
	v25 =	vld.idx.msk [tilespmem:v33+s2+$0x0], $0xffff;
	v33 =	vmov v39  }
0x24a: {  	v32 =	vadd.f32 v28, v32;
	v28 =	vld.idx.msk [tilespmem:v31+s2+$0x0], $0xffff;
	v31 =	vmov v37;
	_ =	sdelay $0x1  }
0x24b: {  	v37 =	vmov v34;
	v34 =	vld.idx.msk [tilespmem:v38+s24+$0x0], $0xffff  }
0x24c: {  	_ =	sdelay $0x2  }
0x24d: {  	v37 =	vshll.u32 v37, $0x2  }
0x24e: {  	v36 =	vld.idx.msk [tilespmem:v36+s2+$0x0], $0xffff;
	v38 =	vor.u32 $0x3, v37  }
0x24f: {  	v35 =	vld.idx.msk [tilespmem:v35+s2+$0x0], $0xffff;
	v39 =	vor.u32 $0x1, v37  }
0x250: {  	v33 =	vld.idx.msk [tilespmem:v33+s2+$0x0], $0xffff;
	v40 =	vor.u32 $0x2, v37  }
0x251: {  	v31 =	vld.idx.msk [tilespmem:v31+s2+$0x0], $0xffff;
	v34 =	vshll.u32 v34, $0x2  }
0x252: {  	v41 =	vor.u32 $0x1, v34;
	v37 =	vld.idx.msk [tilespmem:v37+s2+$0x0], $0xffff  }
0x253: {  	v42 =	vor.u32 $0x2, v34;
	v38 =	vld.idx.msk [tilespmem:v38+s2+$0x0], $0xffff  }
0x254: {  	v43 =	vor.u32 $0x3, v34;
	v39 =	vld.idx.msk [tilespmem:v39+s2+$0x0], $0xffff  }
0x255: {  	v28 =	vadd.f32 v28, v32;
	v62 =	vld.idx.msk [tilespmem:v40+s2+$0x0], $0xffff  }
0x256: {  	v26 =	vadd.f32 v26, v30;
	v30 =	vld.idx.msk [tilespmem:v34+s2+$0x0], $0xffff  }
0x257: {  	v25 =	vadd.f32 v25, v29;
	v28 =	vadd.f32 v31, v28;
	v29 =	vld.idx.msk [tilespmem:v41+s2+$0x0], $0xffff  }
0x258: {  	v24 =	vadd.f32 v24, v27;
	v26 =	vadd.f32 v35, v26;
	v27 =	vld.idx.msk [tilespmem:v42+s2+$0x0], $0xffff  }
0x259: {  	v25 =	vadd.f32 v33, v25;
	v31 =	vld.idx.msk [tilespmem:v43+s2+$0x0], $0xffff;
	v28 =	vadd.f32 v37, v28  }
0x25a: {  	v24 =	vadd.f32 v36, v24;
	v26 =	vadd.f32 v39, v26  }
0x25b: {  	s28 =	simm.s32 $0x0;
	v25 =	vadd.f32 v62, v25;
	v28 =	vadd.f32 v30, v28  }
0x25c: {  	v24 =	vadd.f32 v38, v24;
	v26 =	vadd.f32 v29, v26;
	v29 =	vadd.s32 s28, v10  }
0x25d: {  	v25 =	vadd.f32 v27, v25;
	[tilespmem:v6+s25+$0x0] =	vst.idx.msk $0xffff, v28  }
0x25e: {  	v24 =	vadd.f32 v31, v24;
	[tilespmem:v7+s25+$0x0] =	vst.idx.msk $0xffff, v26  }
0x25f: {  	[tilespmem:v8+s25+$0x0] =	vst.idx.msk $0xffff, v25  }
0x260: {  	s28 =	simm.s32 $0x1;
	[tilespmem:v9+s25+$0x0] =	vst.idx.msk $0xffff, v24  }
0x261: {  	v25 =	vadd.s32 s28, v10;
	v24 =	vld.idx.msk [tilespmem:v29+s24+$0x0], $0xffff;
	_ =	sdelay $0x3  }
0x262: {  	s28 =	simm.s32 $0x2  }
0x263: {  	v26 =	vadd.s32 s28, v10;
	v30 =	vld.idx.msk [tilespmem:v25+s24+$0x0], $0xffff;
	v27 =	vshll.u32 v24, $0x2  }
0x264: {  	v24 =	vor.u32 $0x3, v27  }
0x265: {  	v28 =	vor.u32 $0x1, v27  }
0x266: {  	v29 =	vor.u32 $0x2, v27  }
0x267: {  	s28 =	simm.s32 $0x3  }
0x268: {  	v63 =	vadd.s32 s28, v10;
	v37 =	vld.idx.msk [tilespmem:v26+s24+$0x0], $0xffff;
	v31 =	vshll.u32 v30, $0x2  }
0x269: {  	v36 =	vor.u32 $0x3, v31;
	v24 =	vld.idx.msk [tilespmem:v24+s2+$0x0], $0xffff  }
0x26a: {  	v35 =	vor.u32 $0x1, v31;
	v26 =	vld.idx.msk [tilespmem:v28+s2+$0x0], $0xffff  }
0x26b: {  	v33 =	vor.u32 $0x2, v31;
	v25 =	vld.idx.msk [tilespmem:v29+s2+$0x0], $0xffff  }
0x26c: {  	v28 =	vld.idx.msk [tilespmem:v27+s2+$0x0], $0xffff  }
0x26d: {  	v32 =	vmovc v23;
	s28 =	simm.s32 $0x4;
	v34 =	vld.idx.msk [tilespmem:v63+s24+$0x0], $0xffff;
	v30 =	vmov v22;
	v27 =	vmov v20;
	v29 =	vmov v21  }
.LBB2_30:
0x26e: {  	v38 =	vadd.s32 s28, v10;
	v37 =	vshll.u32 v37, $0x2;
	v27 =	vadd.f32 v24, v27;
	v24 =	vld.idx.msk [tilespmem:v36+s2+$0x0], $0xffff;
	p0 =	sne.s32 s28, $0xC7  }
.Ltmp14:
0x26f: {  	s28 =	sadd.s32 $0x1, s28;
	v40 =	vmovc v26;
	v39 =	vor.u32 $0x2, v37;
	v36 =	vor.u32 $0x3, v37;
	v26 =	vld.idx.msk [tilespmem:v35+s2+$0x0], $0xffff;
	v35 =	vor.u32 $0x1, v37;
	(pc) =	sbr.rel @p0 .LBB2_30-.Ltmp14, $3  }
0x270: {  	v30 =	vadd.f32 v40, v30;
	v29 =	vadd.f32 v25, v29;
	v25 =	vld.idx.msk [tilespmem:v33+s2+$0x0], $0xffff;
	v33 =	vmov v39  }
0x271: {  	v32 =	vadd.f32 v28, v32;
	v28 =	vld.idx.msk [tilespmem:v31+s2+$0x0], $0xffff;
	v31 =	vmov v37;
	_ =	sdelay $0x1  }
0x272: {  	v37 =	vmov v34;
	v34 =	vld.idx.msk [tilespmem:v38+s24+$0x0], $0xffff  }
0x273: {  	_ =	sdelay $0x2  }
0x274: {  	v37 =	vshll.u32 v37, $0x2  }
0x275: {  	v36 =	vld.idx.msk [tilespmem:v36+s2+$0x0], $0xffff;
	v38 =	vor.u32 $0x3, v37  }
0x276: {  	v35 =	vld.idx.msk [tilespmem:v35+s2+$0x0], $0xffff;
	v39 =	vor.u32 $0x1, v37  }
0x277: {  	v33 =	vld.idx.msk [tilespmem:v33+s2+$0x0], $0xffff;
	v40 =	vor.u32 $0x2, v37  }
0x278: {  	v31 =	vld.idx.msk [tilespmem:v31+s2+$0x0], $0xffff;
	v34 =	vshll.u32 v34, $0x2  }
0x279: {  	v41 =	vor.u32 $0x1, v34;
	v37 =	vld.idx.msk [tilespmem:v37+s2+$0x0], $0xffff  }
0x27a: {  	v42 =	vor.u32 $0x2, v34;
	v38 =	vld.idx.msk [tilespmem:v38+s2+$0x0], $0xffff  }
0x27b: {  	v43 =	vor.u32 $0x3, v34;
	v39 =	vld.idx.msk [tilespmem:v39+s2+$0x0], $0xffff  }
0x27c: {  	v28 =	vadd.f32 v28, v32;
	v62 =	vld.idx.msk [tilespmem:v40+s2+$0x0], $0xffff  }
0x27d: {  	v26 =	vadd.f32 v26, v30;
	v30 =	vld.idx.msk [tilespmem:v34+s2+$0x0], $0xffff  }
0x27e: {  	v25 =	vadd.f32 v25, v29;
	v28 =	vadd.f32 v31, v28;
	v29 =	vld.idx.msk [tilespmem:v41+s2+$0x0], $0xffff  }
0x27f: {  	v24 =	vadd.f32 v24, v27;
	v26 =	vadd.f32 v35, v26;
	v27 =	vld.idx.msk [tilespmem:v42+s2+$0x0], $0xffff  }
0x280: {  	v25 =	vadd.f32 v33, v25;
	v31 =	vld.idx.msk [tilespmem:v43+s2+$0x0], $0xffff;
	v28 =	vadd.f32 v37, v28  }
0x281: {  	v24 =	vadd.f32 v36, v24;
	v26 =	vadd.f32 v39, v26  }
0x282: {  	s28 =	simm.s32 $0x0;
	v25 =	vadd.f32 v62, v25;
	v28 =	vadd.f32 v30, v28  }
0x283: {  	v24 =	vadd.f32 v38, v24;
	v26 =	vadd.f32 v29, v26;
	v29 =	vadd.s32 s28, v15  }
0x284: {  	v25 =	vadd.f32 v27, v25;
	[tilespmem:v11+s25+$0x0] =	vst.idx.msk $0xffff, v28  }
0x285: {  	v24 =	vadd.f32 v31, v24;
	[tilespmem:v12+s25+$0x0] =	vst.idx.msk $0xffff, v26  }
0x286: {  	[tilespmem:v13+s25+$0x0] =	vst.idx.msk $0xffff, v25  }
0x287: {  	s28 =	simm.s32 $0x1;
	[tilespmem:v14+s25+$0x0] =	vst.idx.msk $0xffff, v24  }
0x288: {  	v25 =	vadd.s32 s28, v15;
	v24 =	vld.idx.msk [tilespmem:v29+s24+$0x0], $0xffff;
	_ =	sdelay $0x3  }
0x289: {  	s28 =	simm.s32 $0x2  }
0x28a: {  	v26 =	vadd.s32 s28, v15;
	v30 =	vld.idx.msk [tilespmem:v25+s24+$0x0], $0xffff;
	v27 =	vshll.u32 v24, $0x2  }
0x28b: {  	v24 =	vor.u32 $0x3, v27  }
0x28c: {  	v28 =	vor.u32 $0x1, v27  }
0x28d: {  	v29 =	vor.u32 $0x2, v27  }
0x28e: {  	s28 =	simm.s32 $0x3  }
0x28f: {  	v63 =	vadd.s32 s28, v15;
	v37 =	vld.idx.msk [tilespmem:v26+s24+$0x0], $0xffff;
	v31 =	vshll.u32 v30, $0x2  }
0x290: {  	v36 =	vor.u32 $0x3, v31;
	v24 =	vld.idx.msk [tilespmem:v24+s2+$0x0], $0xffff  }
0x291: {  	v35 =	vor.u32 $0x1, v31;
	v26 =	vld.idx.msk [tilespmem:v28+s2+$0x0], $0xffff  }
0x292: {  	v33 =	vor.u32 $0x2, v31;
	v25 =	vld.idx.msk [tilespmem:v29+s2+$0x0], $0xffff  }
0x293: {  	v28 =	vld.idx.msk [tilespmem:v27+s2+$0x0], $0xffff  }
0x294: {  	v32 =	vmovc v23;
	s28 =	simm.s32 $0x4;
	v34 =	vld.idx.msk [tilespmem:v63+s24+$0x0], $0xffff;
	v30 =	vmov v22;
	v27 =	vmov v20;
	v29 =	vmov v21  }
.LBB2_32:
0x295: {  	v38 =	vadd.s32 s28, v15;
	v37 =	vshll.u32 v37, $0x2;
	v27 =	vadd.f32 v24, v27;
	v24 =	vld.idx.msk [tilespmem:v36+s2+$0x0], $0xffff;
	p0 =	sne.s32 s28, $0xC7  }
.Ltmp15:
0x296: {  	s28 =	sadd.s32 $0x1, s28;
	v40 =	vmovc v26;
	v39 =	vor.u32 $0x2, v37;
	v36 =	vor.u32 $0x3, v37;
	v26 =	vld.idx.msk [tilespmem:v35+s2+$0x0], $0xffff;
	v35 =	vor.u32 $0x1, v37;
	(pc) =	sbr.rel @p0 .LBB2_32-.Ltmp15, $3  }
0x297: {  	v30 =	vadd.f32 v40, v30;
	v29 =	vadd.f32 v25, v29;
	v25 =	vld.idx.msk [tilespmem:v33+s2+$0x0], $0xffff;
	v33 =	vmov v39  }
0x298: {  	v32 =	vadd.f32 v28, v32;
	v28 =	vld.idx.msk [tilespmem:v31+s2+$0x0], $0xffff;
	v31 =	vmov v37;
	_ =	sdelay $0x1  }
0x299: {  	v37 =	vmov v34;
	v34 =	vld.idx.msk [tilespmem:v38+s24+$0x0], $0xffff  }
0x29a: {  	_ =	sdelay $0x2  }
0x29b: {  	v37 =	vshll.u32 v37, $0x2  }
0x29c: {  	v36 =	vld.idx.msk [tilespmem:v36+s2+$0x0], $0xffff;
	v38 =	vor.u32 $0x3, v37  }
0x29d: {  	v35 =	vld.idx.msk [tilespmem:v35+s2+$0x0], $0xffff;
	v39 =	vor.u32 $0x1, v37  }
0x29e: {  	v33 =	vld.idx.msk [tilespmem:v33+s2+$0x0], $0xffff;
	v40 =	vor.u32 $0x2, v37  }
0x29f: {  	v31 =	vld.idx.msk [tilespmem:v31+s2+$0x0], $0xffff;
	v34 =	vshll.u32 v34, $0x2  }
0x2a0: {  	v41 =	vor.u32 $0x1, v34;
	v37 =	vld.idx.msk [tilespmem:v37+s2+$0x0], $0xffff  }
0x2a1: {  	v42 =	vor.u32 $0x2, v34;
	v38 =	vld.idx.msk [tilespmem:v38+s2+$0x0], $0xffff  }
0x2a2: {  	v43 =	vor.u32 $0x3, v34;
	v39 =	vld.idx.msk [tilespmem:v39+s2+$0x0], $0xffff  }
0x2a3: {  	v28 =	vadd.f32 v28, v32;
	v62 =	vld.idx.msk [tilespmem:v40+s2+$0x0], $0xffff  }
0x2a4: {  	v26 =	vadd.f32 v26, v30;
	v30 =	vld.idx.msk [tilespmem:v34+s2+$0x0], $0xffff  }
0x2a5: {  	v25 =	vadd.f32 v25, v29;
	v28 =	vadd.f32 v31, v28;
	v29 =	vld.idx.msk [tilespmem:v41+s2+$0x0], $0xffff  }
0x2a6: {  	v24 =	vadd.f32 v24, v27;
	v26 =	vadd.f32 v35, v26;
	v27 =	vld.idx.msk [tilespmem:v42+s2+$0x0], $0xffff  }
0x2a7: {  	v25 =	vadd.f32 v33, v25;
	v31 =	vld.idx.msk [tilespmem:v43+s2+$0x0], $0xffff;
	v28 =	vadd.f32 v37, v28  }
0x2a8: {  	v24 =	vadd.f32 v36, v24;
	v26 =	vadd.f32 v39, v26  }
0x2a9: {  	v25 =	vadd.f32 v62, v25;
	v28 =	vadd.f32 v30, v28  }
0x2aa: {  	v24 =	vadd.f32 v38, v24;
	v26 =	vadd.f32 v29, v26  }
0x2ab: {  	v25 =	vadd.f32 v27, v25;
	[tilespmem:v16+s25+$0x0] =	vst.idx.msk $0xffff, v28  }
0x2ac: {  	v24 =	vadd.f32 v31, v24;
	[tilespmem:v17+s25+$0x0] =	vst.idx.msk $0xffff, v26  }
0x2ad: {  	[tilespmem:v18+s25+$0x0] =	vst.idx.msk $0xffff, v25  }
0x2ae: {  	s28 =	simm.s32 $0x0;
	[tilespmem:v19+s25+$0x0] =	vst.idx.msk $0xffff, v24  }
0x2af: {  	[hbm4b:s12+s28] =	stream.linear.scatter [tilespmem:s25], [sflag:$0x1], $0x100, $0x38;
	[tilespmem:$0x4380] =	vst v63  }
0x2b0: {  	_ =	swait.ge [sflag:s22], $0x100  }
0x2b1: {  	[sflag:s22] =	ssyncset.done $0x0  }
0x2b2: {  	v24 =	vadd.s32 s28, v1;
	[sflag:s22] =	ssyncadd.s32 $0xFFFFFF00  }
0x2b3: {  	[tilespmem:s24], [sflag:$0x1] =	stream.linear.gather [hbm4b:s13+s28], $0x3200, $0x38;
	[tilespmem:$0x4380] =	vst v63  }
0x2b4: {  	_ =	swait.ge [sflag:s22], $0x3200  }
0x2b5: {  	[sflag:s22] =	ssyncset.done $0x0  }
0x2b6: {  	s28 =	simm.s32 $0x1;
	[sflag:s22] =	ssyncadd.s32 $0xFFFFCE00  }
0x2b7: {  	v25 =	vadd.s32 s28, v1;
	v24 =	vld.idx.msk [tilespmem:v24+s24+$0x0], $0xffff;
	_ =	sdelay $0x3  }
0x2b8: {  	s28 =	simm.s32 $0x2  }
0x2b9: {  	v26 =	vadd.s32 s28, v1;
	v30 =	vld.idx.msk [tilespmem:v25+s24+$0x0], $0xffff;
	v27 =	vshll.u32 v24, $0x2  }
0x2ba: {  	v24 =	vor.u32 $0x3, v27  }
0x2bb: {  	v28 =	vor.u32 $0x1, v27  }
0x2bc: {  	v29 =	vor.u32 $0x2, v27  }
0x2bd: {  	s28 =	simm.s32 $0x3  }
0x2be: {  	v63 =	vadd.s32 s28, v1;
	v37 =	vld.idx.msk [tilespmem:v26+s24+$0x0], $0xffff;
	v31 =	vshll.u32 v30, $0x2  }
0x2bf: {  	v36 =	vor.u32 $0x3, v31;
	v24 =	vld.idx.msk [tilespmem:v24+s2+$0x0], $0xffff  }
0x2c0: {  	v35 =	vor.u32 $0x1, v31;
	v26 =	vld.idx.msk [tilespmem:v28+s2+$0x0], $0xffff  }
0x2c1: {  	v33 =	vor.u32 $0x2, v31;
	v25 =	vld.idx.msk [tilespmem:v29+s2+$0x0], $0xffff  }
0x2c2: {  	v28 =	vld.idx.msk [tilespmem:v27+s2+$0x0], $0xffff  }
0x2c3: {  	v32 =	vmovc v23;
	s28 =	simm.s32 $0x4;
	v34 =	vld.idx.msk [tilespmem:v63+s24+$0x0], $0xffff;
	v30 =	vmov v22;
	v27 =	vmov v20;
	v29 =	vmov v21  }
.LBB2_34:
0x2c4: {  	v38 =	vadd.s32 s28, v1;
	v37 =	vshll.u32 v37, $0x2;
	v27 =	vadd.f32 v24, v27;
	v24 =	vld.idx.msk [tilespmem:v36+s2+$0x0], $0xffff;
	p0 =	sne.s32 s28, $0xC7  }
.Ltmp16:
0x2c5: {  	s28 =	sadd.s32 $0x1, s28;
	v40 =	vmovc v26;
	v39 =	vor.u32 $0x2, v37;
	v36 =	vor.u32 $0x3, v37;
	v26 =	vld.idx.msk [tilespmem:v35+s2+$0x0], $0xffff;
	v35 =	vor.u32 $0x1, v37;
	(pc) =	sbr.rel @p0 .LBB2_34-.Ltmp16, $3  }
0x2c6: {  	v30 =	vadd.f32 v40, v30;
	v29 =	vadd.f32 v25, v29;
	v25 =	vld.idx.msk [tilespmem:v33+s2+$0x0], $0xffff;
	v33 =	vmov v39  }
0x2c7: {  	v32 =	vadd.f32 v28, v32;
	v28 =	vld.idx.msk [tilespmem:v31+s2+$0x0], $0xffff;
	v31 =	vmov v37;
	_ =	sdelay $0x1  }
0x2c8: {  	v37 =	vmov v34;
	v34 =	vld.idx.msk [tilespmem:v38+s24+$0x0], $0xffff  }
0x2c9: {  	_ =	sdelay $0x2  }
0x2ca: {  	v37 =	vshll.u32 v37, $0x2  }
0x2cb: {  	v36 =	vld.idx.msk [tilespmem:v36+s2+$0x0], $0xffff;
	v38 =	vor.u32 $0x3, v37  }
0x2cc: {  	v35 =	vld.idx.msk [tilespmem:v35+s2+$0x0], $0xffff;
	v39 =	vor.u32 $0x1, v37  }
0x2cd: {  	v33 =	vld.idx.msk [tilespmem:v33+s2+$0x0], $0xffff;
	v40 =	vor.u32 $0x2, v37  }
0x2ce: {  	v31 =	vld.idx.msk [tilespmem:v31+s2+$0x0], $0xffff;
	v34 =	vshll.u32 v34, $0x2  }
0x2cf: {  	v41 =	vor.u32 $0x1, v34;
	v37 =	vld.idx.msk [tilespmem:v37+s2+$0x0], $0xffff  }
0x2d0: {  	v42 =	vor.u32 $0x2, v34;
	v38 =	vld.idx.msk [tilespmem:v38+s2+$0x0], $0xffff  }
0x2d1: {  	v43 =	vor.u32 $0x3, v34;
	v39 =	vld.idx.msk [tilespmem:v39+s2+$0x0], $0xffff  }
0x2d2: {  	v28 =	vadd.f32 v28, v32;
	v62 =	vld.idx.msk [tilespmem:v40+s2+$0x0], $0xffff  }
0x2d3: {  	v26 =	vadd.f32 v26, v30;
	v30 =	vld.idx.msk [tilespmem:v34+s2+$0x0], $0xffff  }
0x2d4: {  	v25 =	vadd.f32 v25, v29;
	v28 =	vadd.f32 v31, v28;
	v29 =	vld.idx.msk [tilespmem:v41+s2+$0x0], $0xffff  }
0x2d5: {  	v24 =	vadd.f32 v24, v27;
	v26 =	vadd.f32 v35, v26;
	v27 =	vld.idx.msk [tilespmem:v42+s2+$0x0], $0xffff  }
0x2d6: {  	v25 =	vadd.f32 v33, v25;
	v31 =	vld.idx.msk [tilespmem:v43+s2+$0x0], $0xffff;
	v28 =	vadd.f32 v37, v28  }
0x2d7: {  	v24 =	vadd.f32 v36, v24;
	v26 =	vadd.f32 v39, v26  }
0x2d8: {  	s28 =	simm.s32 $0x0;
	v25 =	vadd.f32 v62, v25;
	v28 =	vadd.f32 v30, v28  }
0x2d9: {  	v24 =	vadd.f32 v38, v24;
	v26 =	vadd.f32 v29, v26;
	v29 =	vadd.s32 s28, v5  }
0x2da: {  	v25 =	vadd.f32 v27, v25;
	[tilespmem:v0+s25+$0x0] =	vst.idx.msk $0xffff, v28  }
0x2db: {  	v24 =	vadd.f32 v31, v24;
	[tilespmem:v2+s25+$0x0] =	vst.idx.msk $0xffff, v26  }
0x2dc: {  	[tilespmem:v3+s25+$0x0] =	vst.idx.msk $0xffff, v25  }
0x2dd: {  	s28 =	simm.s32 $0x1;
	[tilespmem:v4+s25+$0x0] =	vst.idx.msk $0xffff, v24  }
0x2de: {  	v25 =	vadd.s32 s28, v5;
	v24 =	vld.idx.msk [tilespmem:v29+s24+$0x0], $0xffff;
	_ =	sdelay $0x3  }
0x2df: {  	s28 =	simm.s32 $0x2  }
0x2e0: {  	v26 =	vadd.s32 s28, v5;
	v30 =	vld.idx.msk [tilespmem:v25+s24+$0x0], $0xffff;
	v27 =	vshll.u32 v24, $0x2  }
0x2e1: {  	v24 =	vor.u32 $0x3, v27  }
0x2e2: {  	v28 =	vor.u32 $0x1, v27  }
0x2e3: {  	v29 =	vor.u32 $0x2, v27  }
0x2e4: {  	s28 =	simm.s32 $0x3  }
0x2e5: {  	v63 =	vadd.s32 s28, v5;
	v37 =	vld.idx.msk [tilespmem:v26+s24+$0x0], $0xffff;
	v31 =	vshll.u32 v30, $0x2  }
0x2e6: {  	v36 =	vor.u32 $0x3, v31;
	v24 =	vld.idx.msk [tilespmem:v24+s2+$0x0], $0xffff  }
0x2e7: {  	v35 =	vor.u32 $0x1, v31;
	v26 =	vld.idx.msk [tilespmem:v28+s2+$0x0], $0xffff  }
0x2e8: {  	v33 =	vor.u32 $0x2, v31;
	v25 =	vld.idx.msk [tilespmem:v29+s2+$0x0], $0xffff  }
0x2e9: {  	v28 =	vld.idx.msk [tilespmem:v27+s2+$0x0], $0xffff  }
0x2ea: {  	v32 =	vmovc v23;
	s28 =	simm.s32 $0x4;
	v34 =	vld.idx.msk [tilespmem:v63+s24+$0x0], $0xffff;
	v30 =	vmov v22;
	v27 =	vmov v20;
	v29 =	vmov v21  }
.LBB2_36:
0x2eb: {  	v38 =	vadd.s32 s28, v5;
	v37 =	vshll.u32 v37, $0x2;
	v27 =	vadd.f32 v24, v27;
	v24 =	vld.idx.msk [tilespmem:v36+s2+$0x0], $0xffff;
	p0 =	sne.s32 s28, $0xC7  }
.Ltmp17:
0x2ec: {  	s28 =	sadd.s32 $0x1, s28;
	v40 =	vmovc v26;
	v39 =	vor.u32 $0x2, v37;
	v36 =	vor.u32 $0x3, v37;
	v26 =	vld.idx.msk [tilespmem:v35+s2+$0x0], $0xffff;
	v35 =	vor.u32 $0x1, v37;
	(pc) =	sbr.rel @p0 .LBB2_36-.Ltmp17, $3  }
0x2ed: {  	v30 =	vadd.f32 v40, v30;
	v29 =	vadd.f32 v25, v29;
	v25 =	vld.idx.msk [tilespmem:v33+s2+$0x0], $0xffff;
	v33 =	vmov v39  }
0x2ee: {  	v32 =	vadd.f32 v28, v32;
	v28 =	vld.idx.msk [tilespmem:v31+s2+$0x0], $0xffff;
	v31 =	vmov v37;
	_ =	sdelay $0x1  }
0x2ef: {  	v37 =	vmov v34;
	v34 =	vld.idx.msk [tilespmem:v38+s24+$0x0], $0xffff  }
0x2f0: {  	_ =	sdelay $0x2  }
0x2f1: {  	v37 =	vshll.u32 v37, $0x2  }
0x2f2: {  	v36 =	vld.idx.msk [tilespmem:v36+s2+$0x0], $0xffff;
	v38 =	vor.u32 $0x3, v37  }
0x2f3: {  	v35 =	vld.idx.msk [tilespmem:v35+s2+$0x0], $0xffff;
	v39 =	vor.u32 $0x1, v37  }
0x2f4: {  	v33 =	vld.idx.msk [tilespmem:v33+s2+$0x0], $0xffff;
	v40 =	vor.u32 $0x2, v37  }
0x2f5: {  	v31 =	vld.idx.msk [tilespmem:v31+s2+$0x0], $0xffff;
	v34 =	vshll.u32 v34, $0x2  }
0x2f6: {  	v41 =	vor.u32 $0x1, v34;
	v37 =	vld.idx.msk [tilespmem:v37+s2+$0x0], $0xffff  }
0x2f7: {  	v42 =	vor.u32 $0x2, v34;
	v38 =	vld.idx.msk [tilespmem:v38+s2+$0x0], $0xffff  }
0x2f8: {  	v43 =	vor.u32 $0x3, v34;
	v39 =	vld.idx.msk [tilespmem:v39+s2+$0x0], $0xffff  }
0x2f9: {  	v28 =	vadd.f32 v28, v32;
	v62 =	vld.idx.msk [tilespmem:v40+s2+$0x0], $0xffff  }
0x2fa: {  	v26 =	vadd.f32 v26, v30;
	v30 =	vld.idx.msk [tilespmem:v34+s2+$0x0], $0xffff  }
0x2fb: {  	v25 =	vadd.f32 v25, v29;
	v28 =	vadd.f32 v31, v28;
	v29 =	vld.idx.msk [tilespmem:v41+s2+$0x0], $0xffff  }
0x2fc: {  	v24 =	vadd.f32 v24, v27;
	v26 =	vadd.f32 v35, v26;
	v27 =	vld.idx.msk [tilespmem:v42+s2+$0x0], $0xffff  }
0x2fd: {  	v25 =	vadd.f32 v33, v25;
	v31 =	vld.idx.msk [tilespmem:v43+s2+$0x0], $0xffff;
	v28 =	vadd.f32 v37, v28  }
0x2fe: {  	v24 =	vadd.f32 v36, v24;
	v26 =	vadd.f32 v39, v26  }
0x2ff: {  	s28 =	simm.s32 $0x0;
	v25 =	vadd.f32 v62, v25;
	v28 =	vadd.f32 v30, v28  }
0x300: {  	v24 =	vadd.f32 v38, v24;
	v26 =	vadd.f32 v29, v26;
	v29 =	vadd.s32 s28, v10  }
0x301: {  	v25 =	vadd.f32 v27, v25;
	[tilespmem:v6+s25+$0x0] =	vst.idx.msk $0xffff, v28  }
0x302: {  	v24 =	vadd.f32 v31, v24;
	[tilespmem:v7+s25+$0x0] =	vst.idx.msk $0xffff, v26  }
0x303: {  	[tilespmem:v8+s25+$0x0] =	vst.idx.msk $0xffff, v25  }
0x304: {  	s28 =	simm.s32 $0x1;
	[tilespmem:v9+s25+$0x0] =	vst.idx.msk $0xffff, v24  }
0x305: {  	v25 =	vadd.s32 s28, v10;
	v24 =	vld.idx.msk [tilespmem:v29+s24+$0x0], $0xffff;
	_ =	sdelay $0x3  }
0x306: {  	s28 =	simm.s32 $0x2  }
0x307: {  	v26 =	vadd.s32 s28, v10;
	v30 =	vld.idx.msk [tilespmem:v25+s24+$0x0], $0xffff;
	v27 =	vshll.u32 v24, $0x2  }
0x308: {  	v24 =	vor.u32 $0x3, v27  }
0x309: {  	v28 =	vor.u32 $0x1, v27  }
0x30a: {  	v29 =	vor.u32 $0x2, v27  }
0x30b: {  	s28 =	simm.s32 $0x3  }
0x30c: {  	v63 =	vadd.s32 s28, v10;
	v37 =	vld.idx.msk [tilespmem:v26+s24+$0x0], $0xffff;
	v31 =	vshll.u32 v30, $0x2  }
0x30d: {  	v36 =	vor.u32 $0x3, v31;
	v24 =	vld.idx.msk [tilespmem:v24+s2+$0x0], $0xffff  }
0x30e: {  	v35 =	vor.u32 $0x1, v31;
	v26 =	vld.idx.msk [tilespmem:v28+s2+$0x0], $0xffff  }
0x30f: {  	v33 =	vor.u32 $0x2, v31;
	v25 =	vld.idx.msk [tilespmem:v29+s2+$0x0], $0xffff  }
0x310: {  	v28 =	vld.idx.msk [tilespmem:v27+s2+$0x0], $0xffff  }
0x311: {  	v32 =	vmovc v23;
	s28 =	simm.s32 $0x4;
	v34 =	vld.idx.msk [tilespmem:v63+s24+$0x0], $0xffff;
	v30 =	vmov v22;
	v27 =	vmov v20;
	v29 =	vmov v21  }
.LBB2_38:
0x312: {  	v38 =	vadd.s32 s28, v10;
	v37 =	vshll.u32 v37, $0x2;
	v27 =	vadd.f32 v24, v27;
	v24 =	vld.idx.msk [tilespmem:v36+s2+$0x0], $0xffff;
	p0 =	sne.s32 s28, $0xC7  }
.Ltmp18:
0x313: {  	s28 =	sadd.s32 $0x1, s28;
	v40 =	vmovc v26;
	v39 =	vor.u32 $0x2, v37;
	v36 =	vor.u32 $0x3, v37;
	v26 =	vld.idx.msk [tilespmem:v35+s2+$0x0], $0xffff;
	v35 =	vor.u32 $0x1, v37;
	(pc) =	sbr.rel @p0 .LBB2_38-.Ltmp18, $3  }
0x314: {  	v30 =	vadd.f32 v40, v30;
	v29 =	vadd.f32 v25, v29;
	v25 =	vld.idx.msk [tilespmem:v33+s2+$0x0], $0xffff;
	v33 =	vmov v39  }
0x315: {  	v32 =	vadd.f32 v28, v32;
	v28 =	vld.idx.msk [tilespmem:v31+s2+$0x0], $0xffff;
	v31 =	vmov v37;
	_ =	sdelay $0x1  }
0x316: {  	v37 =	vmov v34;
	v34 =	vld.idx.msk [tilespmem:v38+s24+$0x0], $0xffff  }
0x317: {  	_ =	sdelay $0x2  }
0x318: {  	v37 =	vshll.u32 v37, $0x2  }
0x319: {  	v36 =	vld.idx.msk [tilespmem:v36+s2+$0x0], $0xffff;
	v38 =	vor.u32 $0x3, v37  }
0x31a: {  	v35 =	vld.idx.msk [tilespmem:v35+s2+$0x0], $0xffff;
	v39 =	vor.u32 $0x1, v37  }
0x31b: {  	v33 =	vld.idx.msk [tilespmem:v33+s2+$0x0], $0xffff;
	v40 =	vor.u32 $0x2, v37  }
0x31c: {  	v31 =	vld.idx.msk [tilespmem:v31+s2+$0x0], $0xffff;
	v34 =	vshll.u32 v34, $0x2  }
0x31d: {  	v41 =	vor.u32 $0x1, v34;
	v37 =	vld.idx.msk [tilespmem:v37+s2+$0x0], $0xffff  }
0x31e: {  	v42 =	vor.u32 $0x2, v34;
	v38 =	vld.idx.msk [tilespmem:v38+s2+$0x0], $0xffff  }
0x31f: {  	v43 =	vor.u32 $0x3, v34;
	v39 =	vld.idx.msk [tilespmem:v39+s2+$0x0], $0xffff  }
0x320: {  	v28 =	vadd.f32 v28, v32;
	v62 =	vld.idx.msk [tilespmem:v40+s2+$0x0], $0xffff  }
0x321: {  	v26 =	vadd.f32 v26, v30;
	v30 =	vld.idx.msk [tilespmem:v34+s2+$0x0], $0xffff  }
0x322: {  	v25 =	vadd.f32 v25, v29;
	v28 =	vadd.f32 v31, v28;
	v29 =	vld.idx.msk [tilespmem:v41+s2+$0x0], $0xffff  }
0x323: {  	v24 =	vadd.f32 v24, v27;
	v26 =	vadd.f32 v35, v26;
	v27 =	vld.idx.msk [tilespmem:v42+s2+$0x0], $0xffff  }
0x324: {  	v25 =	vadd.f32 v33, v25;
	v31 =	vld.idx.msk [tilespmem:v43+s2+$0x0], $0xffff;
	v28 =	vadd.f32 v37, v28  }
0x325: {  	v24 =	vadd.f32 v36, v24;
	v26 =	vadd.f32 v39, v26  }
0x326: {  	s28 =	simm.s32 $0x0;
	v25 =	vadd.f32 v62, v25;
	v28 =	vadd.f32 v30, v28  }
0x327: {  	v24 =	vadd.f32 v38, v24;
	v26 =	vadd.f32 v29, v26;
	v29 =	vadd.s32 s28, v15  }
0x328: {  	v25 =	vadd.f32 v27, v25;
	[tilespmem:v11+s25+$0x0] =	vst.idx.msk $0xffff, v28  }
0x329: {  	v24 =	vadd.f32 v31, v24;
	[tilespmem:v12+s25+$0x0] =	vst.idx.msk $0xffff, v26  }
0x32a: {  	[tilespmem:v13+s25+$0x0] =	vst.idx.msk $0xffff, v25  }
0x32b: {  	s28 =	simm.s32 $0x1;
	[tilespmem:v14+s25+$0x0] =	vst.idx.msk $0xffff, v24  }
0x32c: {  	v25 =	vadd.s32 s28, v15;
	v24 =	vld.idx.msk [tilespmem:v29+s24+$0x0], $0xffff;
	_ =	sdelay $0x3  }
0x32d: {  	s28 =	simm.s32 $0x2  }
0x32e: {  	v26 =	vadd.s32 s28, v15;
	v30 =	vld.idx.msk [tilespmem:v25+s24+$0x0], $0xffff;
	v27 =	vshll.u32 v24, $0x2  }
0x32f: {  	v24 =	vor.u32 $0x3, v27  }
0x330: {  	v28 =	vor.u32 $0x1, v27  }
0x331: {  	v29 =	vor.u32 $0x2, v27  }
0x332: {  	s28 =	simm.s32 $0x3  }
0x333: {  	v63 =	vadd.s32 s28, v15;
	v37 =	vld.idx.msk [tilespmem:v26+s24+$0x0], $0xffff;
	v31 =	vshll.u32 v30, $0x2  }
0x334: {  	v36 =	vor.u32 $0x3, v31;
	v24 =	vld.idx.msk [tilespmem:v24+s2+$0x0], $0xffff  }
0x335: {  	v35 =	vor.u32 $0x1, v31;
	v26 =	vld.idx.msk [tilespmem:v28+s2+$0x0], $0xffff  }
0x336: {  	v33 =	vor.u32 $0x2, v31;
	v25 =	vld.idx.msk [tilespmem:v29+s2+$0x0], $0xffff  }
0x337: {  	v28 =	vld.idx.msk [tilespmem:v27+s2+$0x0], $0xffff  }
0x338: {  	v32 =	vmovc v23;
	s28 =	simm.s32 $0x4;
	v34 =	vld.idx.msk [tilespmem:v63+s24+$0x0], $0xffff;
	v30 =	vmov v22;
	v27 =	vmov v20;
	v29 =	vmov v21  }
.LBB2_40:
0x339: {  	v38 =	vadd.s32 s28, v15;
	v37 =	vshll.u32 v37, $0x2;
	v27 =	vadd.f32 v24, v27;
	v24 =	vld.idx.msk [tilespmem:v36+s2+$0x0], $0xffff;
	p0 =	sne.s32 s28, $0xC7  }
.Ltmp19:
0x33a: {  	s28 =	sadd.s32 $0x1, s28;
	v40 =	vmovc v26;
	v39 =	vor.u32 $0x2, v37;
	v36 =	vor.u32 $0x3, v37;
	v26 =	vld.idx.msk [tilespmem:v35+s2+$0x0], $0xffff;
	v35 =	vor.u32 $0x1, v37;
	(pc) =	sbr.rel @p0 .LBB2_40-.Ltmp19, $3  }
0x33b: {  	v30 =	vadd.f32 v40, v30;
	v29 =	vadd.f32 v25, v29;
	v25 =	vld.idx.msk [tilespmem:v33+s2+$0x0], $0xffff;
	v33 =	vmov v39  }
0x33c: {  	v32 =	vadd.f32 v28, v32;
	v28 =	vld.idx.msk [tilespmem:v31+s2+$0x0], $0xffff;
	v31 =	vmov v37;
	_ =	sdelay $0x1  }
0x33d: {  	v37 =	vmov v34;
	v34 =	vld.idx.msk [tilespmem:v38+s24+$0x0], $0xffff  }
0x33e: {  	_ =	sdelay $0x2  }
0x33f: {  	v37 =	vshll.u32 v37, $0x2  }
0x340: {  	v36 =	vld.idx.msk [tilespmem:v36+s2+$0x0], $0xffff;
	v38 =	vor.u32 $0x3, v37  }
0x341: {  	v35 =	vld.idx.msk [tilespmem:v35+s2+$0x0], $0xffff;
	v39 =	vor.u32 $0x1, v37  }
0x342: {  	v33 =	vld.idx.msk [tilespmem:v33+s2+$0x0], $0xffff;
	v40 =	vor.u32 $0x2, v37  }
0x343: {  	v31 =	vld.idx.msk [tilespmem:v31+s2+$0x0], $0xffff;
	v34 =	vshll.u32 v34, $0x2  }
0x344: {  	v41 =	vor.u32 $0x1, v34;
	v37 =	vld.idx.msk [tilespmem:v37+s2+$0x0], $0xffff  }
0x345: {  	v42 =	vor.u32 $0x2, v34;
	v38 =	vld.idx.msk [tilespmem:v38+s2+$0x0], $0xffff  }
0x346: {  	v43 =	vor.u32 $0x3, v34;
	v39 =	vld.idx.msk [tilespmem:v39+s2+$0x0], $0xffff  }
0x347: {  	v28 =	vadd.f32 v28, v32;
	v62 =	vld.idx.msk [tilespmem:v40+s2+$0x0], $0xffff  }
0x348: {  	v26 =	vadd.f32 v26, v30;
	v30 =	vld.idx.msk [tilespmem:v34+s2+$0x0], $0xffff  }
0x349: {  	v25 =	vadd.f32 v25, v29;
	v28 =	vadd.f32 v31, v28;
	v29 =	vld.idx.msk [tilespmem:v41+s2+$0x0], $0xffff  }
0x34a: {  	v24 =	vadd.f32 v24, v27;
	v26 =	vadd.f32 v35, v26;
	v27 =	vld.idx.msk [tilespmem:v42+s2+$0x0], $0xffff  }
0x34b: {  	v25 =	vadd.f32 v33, v25;
	v31 =	vld.idx.msk [tilespmem:v43+s2+$0x0], $0xffff;
	v28 =	vadd.f32 v37, v28  }
0x34c: {  	v24 =	vadd.f32 v36, v24;
	v26 =	vadd.f32 v39, v26  }
0x34d: {  	v25 =	vadd.f32 v62, v25;
	v28 =	vadd.f32 v30, v28  }
0x34e: {  	v24 =	vadd.f32 v38, v24;
	v26 =	vadd.f32 v29, v26  }
0x34f: {  	v25 =	vadd.f32 v27, v25;
	[tilespmem:v16+s25+$0x0] =	vst.idx.msk $0xffff, v28  }
0x350: {  	v24 =	vadd.f32 v31, v24;
	[tilespmem:v17+s25+$0x0] =	vst.idx.msk $0xffff, v26  }
0x351: {  	[tilespmem:v18+s25+$0x0] =	vst.idx.msk $0xffff, v25  }
0x352: {  	s28 =	simm.s32 $0x0;
	[tilespmem:v19+s25+$0x0] =	vst.idx.msk $0xffff, v24  }
0x353: {  	[hbm4b:s14+s28] =	stream.linear.scatter [tilespmem:s25], [sflag:$0x1], $0x100, $0x38;
	[tilespmem:$0x4380] =	vst v63  }
0x354: {  	_ =	swait.ge [sflag:s22], $0x100  }
0x355: {  	[sflag:s22] =	ssyncset.done $0x0  }
0x356: {  	v24 =	vadd.s32 s28, v1;
	[sflag:s22] =	ssyncadd.s32 $0xFFFFFF00  }
0x357: {  	[tilespmem:s24], [sflag:$0x1] =	stream.linear.gather [hbm4b:s15+s28], $0x3200, $0x38;
	[tilespmem:$0x4380] =	vst v63  }
0x358: {  	_ =	swait.ge [sflag:s22], $0x3200  }
0x359: {  	[sflag:s22] =	ssyncset.done $0x0  }
0x35a: {  	s28 =	simm.s32 $0x1;
	[sflag:s22] =	ssyncadd.s32 $0xFFFFCE00  }
0x35b: {  	v25 =	vadd.s32 s28, v1;
	v24 =	vld.idx.msk [tilespmem:v24+s24+$0x0], $0xffff;
	_ =	sdelay $0x3  }
0x35c: {  	s28 =	simm.s32 $0x2  }
0x35d: {  	v26 =	vadd.s32 s28, v1;
	v30 =	vld.idx.msk [tilespmem:v25+s24+$0x0], $0xffff;
	v27 =	vshll.u32 v24, $0x2  }
0x35e: {  	v24 =	vor.u32 $0x3, v27  }
0x35f: {  	v28 =	vor.u32 $0x1, v27  }
0x360: {  	v29 =	vor.u32 $0x2, v27  }
0x361: {  	s28 =	simm.s32 $0x3  }
0x362: {  	v63 =	vadd.s32 s28, v1;
	v37 =	vld.idx.msk [tilespmem:v26+s24+$0x0], $0xffff;
	v31 =	vshll.u32 v30, $0x2  }
0x363: {  	v36 =	vor.u32 $0x3, v31;
	v24 =	vld.idx.msk [tilespmem:v24+s2+$0x0], $0xffff  }
0x364: {  	v35 =	vor.u32 $0x1, v31;
	v26 =	vld.idx.msk [tilespmem:v28+s2+$0x0], $0xffff  }
0x365: {  	v33 =	vor.u32 $0x2, v31;
	v25 =	vld.idx.msk [tilespmem:v29+s2+$0x0], $0xffff  }
0x366: {  	v28 =	vld.idx.msk [tilespmem:v27+s2+$0x0], $0xffff  }
0x367: {  	v32 =	vmovc v23;
	s28 =	simm.s32 $0x4;
	v34 =	vld.idx.msk [tilespmem:v63+s24+$0x0], $0xffff;
	v30 =	vmov v22;
	v27 =	vmov v20;
	v29 =	vmov v21  }
.LBB2_42:
0x368: {  	v38 =	vadd.s32 s28, v1;
	v37 =	vshll.u32 v37, $0x2;
	v27 =	vadd.f32 v24, v27;
	v24 =	vld.idx.msk [tilespmem:v36+s2+$0x0], $0xffff;
	p0 =	sne.s32 s28, $0xC7  }
.Ltmp20:
0x369: {  	s28 =	sadd.s32 $0x1, s28;
	v40 =	vmovc v26;
	v39 =	vor.u32 $0x2, v37;
	v36 =	vor.u32 $0x3, v37;
	v26 =	vld.idx.msk [tilespmem:v35+s2+$0x0], $0xffff;
	v35 =	vor.u32 $0x1, v37;
	(pc) =	sbr.rel @p0 .LBB2_42-.Ltmp20, $3  }
0x36a: {  	v30 =	vadd.f32 v40, v30;
	v29 =	vadd.f32 v25, v29;
	v25 =	vld.idx.msk [tilespmem:v33+s2+$0x0], $0xffff;
	v33 =	vmov v39  }
0x36b: {  	v32 =	vadd.f32 v28, v32;
	v28 =	vld.idx.msk [tilespmem:v31+s2+$0x0], $0xffff;
	v31 =	vmov v37;
	_ =	sdelay $0x1  }
0x36c: {  	v37 =	vmov v34;
	v34 =	vld.idx.msk [tilespmem:v38+s24+$0x0], $0xffff  }
0x36d: {  	_ =	sdelay $0x2  }
0x36e: {  	v37 =	vshll.u32 v37, $0x2  }
0x36f: {  	v36 =	vld.idx.msk [tilespmem:v36+s2+$0x0], $0xffff;
	v38 =	vor.u32 $0x3, v37  }
0x370: {  	v35 =	vld.idx.msk [tilespmem:v35+s2+$0x0], $0xffff;
	v39 =	vor.u32 $0x1, v37  }
0x371: {  	v33 =	vld.idx.msk [tilespmem:v33+s2+$0x0], $0xffff;
	v40 =	vor.u32 $0x2, v37  }
0x372: {  	v31 =	vld.idx.msk [tilespmem:v31+s2+$0x0], $0xffff;
	v34 =	vshll.u32 v34, $0x2  }
0x373: {  	v41 =	vor.u32 $0x1, v34;
	v37 =	vld.idx.msk [tilespmem:v37+s2+$0x0], $0xffff  }
0x374: {  	v42 =	vor.u32 $0x2, v34;
	v38 =	vld.idx.msk [tilespmem:v38+s2+$0x0], $0xffff  }
0x375: {  	v43 =	vor.u32 $0x3, v34;
	v39 =	vld.idx.msk [tilespmem:v39+s2+$0x0], $0xffff  }
0x376: {  	v28 =	vadd.f32 v28, v32;
	v62 =	vld.idx.msk [tilespmem:v40+s2+$0x0], $0xffff  }
0x377: {  	v26 =	vadd.f32 v26, v30;
	v30 =	vld.idx.msk [tilespmem:v34+s2+$0x0], $0xffff  }
0x378: {  	v25 =	vadd.f32 v25, v29;
	v28 =	vadd.f32 v31, v28;
	v29 =	vld.idx.msk [tilespmem:v41+s2+$0x0], $0xffff  }
0x379: {  	v24 =	vadd.f32 v24, v27;
	v26 =	vadd.f32 v35, v26;
	v27 =	vld.idx.msk [tilespmem:v42+s2+$0x0], $0xffff  }
0x37a: {  	v25 =	vadd.f32 v33, v25;
	v31 =	vld.idx.msk [tilespmem:v43+s2+$0x0], $0xffff;
	v28 =	vadd.f32 v37, v28  }
0x37b: {  	v24 =	vadd.f32 v36, v24;
	v26 =	vadd.f32 v39, v26  }
0x37c: {  	s28 =	simm.s32 $0x0;
	v25 =	vadd.f32 v62, v25;
	v28 =	vadd.f32 v30, v28  }
0x37d: {  	v24 =	vadd.f32 v38, v24;
	v26 =	vadd.f32 v29, v26;
	v29 =	vadd.s32 s28, v5  }
0x37e: {  	v25 =	vadd.f32 v27, v25;
	[tilespmem:v0+s25+$0x0] =	vst.idx.msk $0xffff, v28  }
0x37f: {  	v24 =	vadd.f32 v31, v24;
	[tilespmem:v2+s25+$0x0] =	vst.idx.msk $0xffff, v26  }
0x380: {  	[tilespmem:v3+s25+$0x0] =	vst.idx.msk $0xffff, v25  }
0x381: {  	s28 =	simm.s32 $0x1;
	[tilespmem:v4+s25+$0x0] =	vst.idx.msk $0xffff, v24  }
0x382: {  	v25 =	vadd.s32 s28, v5;
	v24 =	vld.idx.msk [tilespmem:v29+s24+$0x0], $0xffff;
	_ =	sdelay $0x3  }
0x383: {  	s28 =	simm.s32 $0x2  }
0x384: {  	v26 =	vadd.s32 s28, v5;
	v30 =	vld.idx.msk [tilespmem:v25+s24+$0x0], $0xffff;
	v27 =	vshll.u32 v24, $0x2  }
0x385: {  	v24 =	vor.u32 $0x3, v27  }
0x386: {  	v28 =	vor.u32 $0x1, v27  }
0x387: {  	v29 =	vor.u32 $0x2, v27  }
0x388: {  	s28 =	simm.s32 $0x3  }
0x389: {  	v63 =	vadd.s32 s28, v5;
	v37 =	vld.idx.msk [tilespmem:v26+s24+$0x0], $0xffff;
	v31 =	vshll.u32 v30, $0x2  }
0x38a: {  	v36 =	vor.u32 $0x3, v31;
	v24 =	vld.idx.msk [tilespmem:v24+s2+$0x0], $0xffff  }
0x38b: {  	v35 =	vor.u32 $0x1, v31;
	v26 =	vld.idx.msk [tilespmem:v28+s2+$0x0], $0xffff  }
0x38c: {  	v33 =	vor.u32 $0x2, v31;
	v25 =	vld.idx.msk [tilespmem:v29+s2+$0x0], $0xffff  }
0x38d: {  	v28 =	vld.idx.msk [tilespmem:v27+s2+$0x0], $0xffff  }
0x38e: {  	v32 =	vmovc v23;
	s28 =	simm.s32 $0x4;
	v34 =	vld.idx.msk [tilespmem:v63+s24+$0x0], $0xffff;
	v30 =	vmov v22;
	v27 =	vmov v20;
	v29 =	vmov v21  }
.LBB2_44:
0x38f: {  	v38 =	vadd.s32 s28, v5;
	v37 =	vshll.u32 v37, $0x2;
	v27 =	vadd.f32 v24, v27;
	v24 =	vld.idx.msk [tilespmem:v36+s2+$0x0], $0xffff;
	p0 =	sne.s32 s28, $0xC7  }
.Ltmp21:
0x390: {  	s28 =	sadd.s32 $0x1, s28;
	v40 =	vmovc v26;
	v39 =	vor.u32 $0x2, v37;
	v36 =	vor.u32 $0x3, v37;
	v26 =	vld.idx.msk [tilespmem:v35+s2+$0x0], $0xffff;
	v35 =	vor.u32 $0x1, v37;
	(pc) =	sbr.rel @p0 .LBB2_44-.Ltmp21, $3  }
0x391: {  	v30 =	vadd.f32 v40, v30;
	v29 =	vadd.f32 v25, v29;
	v25 =	vld.idx.msk [tilespmem:v33+s2+$0x0], $0xffff;
	v33 =	vmov v39  }
0x392: {  	v32 =	vadd.f32 v28, v32;
	v28 =	vld.idx.msk [tilespmem:v31+s2+$0x0], $0xffff;
	v31 =	vmov v37;
	_ =	sdelay $0x1  }
0x393: {  	v37 =	vmov v34;
	v34 =	vld.idx.msk [tilespmem:v38+s24+$0x0], $0xffff  }
0x394: {  	_ =	sdelay $0x2  }
0x395: {  	v37 =	vshll.u32 v37, $0x2  }
0x396: {  	v36 =	vld.idx.msk [tilespmem:v36+s2+$0x0], $0xffff;
	v38 =	vor.u32 $0x3, v37  }
0x397: {  	v35 =	vld.idx.msk [tilespmem:v35+s2+$0x0], $0xffff;
	v39 =	vor.u32 $0x1, v37  }
0x398: {  	v33 =	vld.idx.msk [tilespmem:v33+s2+$0x0], $0xffff;
	v40 =	vor.u32 $0x2, v37  }
0x399: {  	v31 =	vld.idx.msk [tilespmem:v31+s2+$0x0], $0xffff;
	v34 =	vshll.u32 v34, $0x2  }
0x39a: {  	v41 =	vor.u32 $0x1, v34;
	v37 =	vld.idx.msk [tilespmem:v37+s2+$0x0], $0xffff  }
0x39b: {  	v42 =	vor.u32 $0x2, v34;
	v38 =	vld.idx.msk [tilespmem:v38+s2+$0x0], $0xffff  }
0x39c: {  	v43 =	vor.u32 $0x3, v34;
	v39 =	vld.idx.msk [tilespmem:v39+s2+$0x0], $0xffff  }
0x39d: {  	v28 =	vadd.f32 v28, v32;
	v62 =	vld.idx.msk [tilespmem:v40+s2+$0x0], $0xffff  }
0x39e: {  	v26 =	vadd.f32 v26, v30;
	v30 =	vld.idx.msk [tilespmem:v34+s2+$0x0], $0xffff  }
0x39f: {  	v25 =	vadd.f32 v25, v29;
	v28 =	vadd.f32 v31, v28;
	v29 =	vld.idx.msk [tilespmem:v41+s2+$0x0], $0xffff  }
0x3a0: {  	v24 =	vadd.f32 v24, v27;
	v26 =	vadd.f32 v35, v26;
	v27 =	vld.idx.msk [tilespmem:v42+s2+$0x0], $0xffff  }
0x3a1: {  	v25 =	vadd.f32 v33, v25;
	v31 =	vld.idx.msk [tilespmem:v43+s2+$0x0], $0xffff;
	v28 =	vadd.f32 v37, v28  }
0x3a2: {  	v24 =	vadd.f32 v36, v24;
	v26 =	vadd.f32 v39, v26  }
0x3a3: {  	s28 =	simm.s32 $0x0;
	v25 =	vadd.f32 v62, v25;
	v28 =	vadd.f32 v30, v28  }
0x3a4: {  	v24 =	vadd.f32 v38, v24;
	v26 =	vadd.f32 v29, v26;
	v29 =	vadd.s32 s28, v10  }
0x3a5: {  	v25 =	vadd.f32 v27, v25;
	[tilespmem:v6+s25+$0x0] =	vst.idx.msk $0xffff, v28  }
0x3a6: {  	v24 =	vadd.f32 v31, v24;
	[tilespmem:v7+s25+$0x0] =	vst.idx.msk $0xffff, v26  }
0x3a7: {  	[tilespmem:v8+s25+$0x0] =	vst.idx.msk $0xffff, v25  }
0x3a8: {  	s28 =	simm.s32 $0x1;
	[tilespmem:v9+s25+$0x0] =	vst.idx.msk $0xffff, v24  }
0x3a9: {  	v25 =	vadd.s32 s28, v10;
	v24 =	vld.idx.msk [tilespmem:v29+s24+$0x0], $0xffff;
	_ =	sdelay $0x3  }
0x3aa: {  	s28 =	simm.s32 $0x2  }
0x3ab: {  	v26 =	vadd.s32 s28, v10;
	v30 =	vld.idx.msk [tilespmem:v25+s24+$0x0], $0xffff;
	v27 =	vshll.u32 v24, $0x2  }
0x3ac: {  	v24 =	vor.u32 $0x3, v27  }
0x3ad: {  	v28 =	vor.u32 $0x1, v27  }
0x3ae: {  	v29 =	vor.u32 $0x2, v27  }
0x3af: {  	s28 =	simm.s32 $0x3  }
0x3b0: {  	v63 =	vadd.s32 s28, v10;
	v37 =	vld.idx.msk [tilespmem:v26+s24+$0x0], $0xffff;
	v31 =	vshll.u32 v30, $0x2  }
0x3b1: {  	v36 =	vor.u32 $0x3, v31;
	v24 =	vld.idx.msk [tilespmem:v24+s2+$0x0], $0xffff  }
0x3b2: {  	v35 =	vor.u32 $0x1, v31;
	v26 =	vld.idx.msk [tilespmem:v28+s2+$0x0], $0xffff  }
0x3b3: {  	v33 =	vor.u32 $0x2, v31;
	v25 =	vld.idx.msk [tilespmem:v29+s2+$0x0], $0xffff  }
0x3b4: {  	v28 =	vld.idx.msk [tilespmem:v27+s2+$0x0], $0xffff  }
0x3b5: {  	v32 =	vmovc v23;
	s28 =	simm.s32 $0x4;
	v34 =	vld.idx.msk [tilespmem:v63+s24+$0x0], $0xffff;
	v30 =	vmov v22;
	v27 =	vmov v20;
	v29 =	vmov v21  }
.LBB2_46:
0x3b6: {  	v38 =	vadd.s32 s28, v10;
	v37 =	vshll.u32 v37, $0x2;
	v27 =	vadd.f32 v24, v27;
	v24 =	vld.idx.msk [tilespmem:v36+s2+$0x0], $0xffff;
	p0 =	sne.s32 s28, $0xC7  }
.Ltmp22:
0x3b7: {  	s28 =	sadd.s32 $0x1, s28;
	v40 =	vmovc v26;
	v39 =	vor.u32 $0x2, v37;
	v36 =	vor.u32 $0x3, v37;
	v26 =	vld.idx.msk [tilespmem:v35+s2+$0x0], $0xffff;
	v35 =	vor.u32 $0x1, v37;
	(pc) =	sbr.rel @p0 .LBB2_46-.Ltmp22, $3  }
0x3b8: {  	v30 =	vadd.f32 v40, v30;
	v29 =	vadd.f32 v25, v29;
	v25 =	vld.idx.msk [tilespmem:v33+s2+$0x0], $0xffff;
	v33 =	vmov v39  }
0x3b9: {  	v32 =	vadd.f32 v28, v32;
	v28 =	vld.idx.msk [tilespmem:v31+s2+$0x0], $0xffff;
	v31 =	vmov v37;
	_ =	sdelay $0x1  }
0x3ba: {  	v37 =	vmov v34;
	v34 =	vld.idx.msk [tilespmem:v38+s24+$0x0], $0xffff  }
0x3bb: {  	_ =	sdelay $0x2  }
0x3bc: {  	v37 =	vshll.u32 v37, $0x2  }
0x3bd: {  	v36 =	vld.idx.msk [tilespmem:v36+s2+$0x0], $0xffff;
	v38 =	vor.u32 $0x3, v37  }
0x3be: {  	v35 =	vld.idx.msk [tilespmem:v35+s2+$0x0], $0xffff;
	v39 =	vor.u32 $0x1, v37  }
0x3bf: {  	v33 =	vld.idx.msk [tilespmem:v33+s2+$0x0], $0xffff;
	v40 =	vor.u32 $0x2, v37  }
0x3c0: {  	v31 =	vld.idx.msk [tilespmem:v31+s2+$0x0], $0xffff;
	v34 =	vshll.u32 v34, $0x2  }
0x3c1: {  	v41 =	vor.u32 $0x1, v34;
	v37 =	vld.idx.msk [tilespmem:v37+s2+$0x0], $0xffff  }
0x3c2: {  	v42 =	vor.u32 $0x2, v34;
	v38 =	vld.idx.msk [tilespmem:v38+s2+$0x0], $0xffff  }
0x3c3: {  	v43 =	vor.u32 $0x3, v34;
	v39 =	vld.idx.msk [tilespmem:v39+s2+$0x0], $0xffff  }
0x3c4: {  	v28 =	vadd.f32 v28, v32;
	v62 =	vld.idx.msk [tilespmem:v40+s2+$0x0], $0xffff  }
0x3c5: {  	v26 =	vadd.f32 v26, v30;
	v30 =	vld.idx.msk [tilespmem:v34+s2+$0x0], $0xffff  }
0x3c6: {  	v25 =	vadd.f32 v25, v29;
	v28 =	vadd.f32 v31, v28;
	v29 =	vld.idx.msk [tilespmem:v41+s2+$0x0], $0xffff  }
0x3c7: {  	v24 =	vadd.f32 v24, v27;
	v26 =	vadd.f32 v35, v26;
	v27 =	vld.idx.msk [tilespmem:v42+s2+$0x0], $0xffff  }
0x3c8: {  	v25 =	vadd.f32 v33, v25;
	v31 =	vld.idx.msk [tilespmem:v43+s2+$0x0], $0xffff;
	v28 =	vadd.f32 v37, v28  }
0x3c9: {  	v24 =	vadd.f32 v36, v24;
	v26 =	vadd.f32 v39, v26  }
0x3ca: {  	s28 =	simm.s32 $0x0;
	v25 =	vadd.f32 v62, v25;
	v28 =	vadd.f32 v30, v28  }
0x3cb: {  	v24 =	vadd.f32 v38, v24;
	v26 =	vadd.f32 v29, v26;
	v29 =	vadd.s32 s28, v15  }
0x3cc: {  	v25 =	vadd.f32 v27, v25;
	[tilespmem:v11+s25+$0x0] =	vst.idx.msk $0xffff, v28  }
0x3cd: {  	v24 =	vadd.f32 v31, v24;
	[tilespmem:v12+s25+$0x0] =	vst.idx.msk $0xffff, v26  }
0x3ce: {  	[tilespmem:v13+s25+$0x0] =	vst.idx.msk $0xffff, v25  }
0x3cf: {  	s28 =	simm.s32 $0x1;
	[tilespmem:v14+s25+$0x0] =	vst.idx.msk $0xffff, v24  }
0x3d0: {  	v25 =	vadd.s32 s28, v15;
	v24 =	vld.idx.msk [tilespmem:v29+s24+$0x0], $0xffff;
	_ =	sdelay $0x3  }
0x3d1: {  	s28 =	simm.s32 $0x2  }
0x3d2: {  	v26 =	vadd.s32 s28, v15;
	v30 =	vld.idx.msk [tilespmem:v25+s24+$0x0], $0xffff;
	v27 =	vshll.u32 v24, $0x2  }
0x3d3: {  	v24 =	vor.u32 $0x3, v27  }
0x3d4: {  	v28 =	vor.u32 $0x1, v27  }
0x3d5: {  	v29 =	vor.u32 $0x2, v27  }
0x3d6: {  	s28 =	simm.s32 $0x3  }
0x3d7: {  	v63 =	vadd.s32 s28, v15;
	v37 =	vld.idx.msk [tilespmem:v26+s24+$0x0], $0xffff;
	v31 =	vshll.u32 v30, $0x2  }
0x3d8: {  	v36 =	vor.u32 $0x3, v31;
	v24 =	vld.idx.msk [tilespmem:v24+s2+$0x0], $0xffff  }
0x3d9: {  	v35 =	vor.u32 $0x1, v31;
	v26 =	vld.idx.msk [tilespmem:v28+s2+$0x0], $0xffff  }
0x3da: {  	v33 =	vor.u32 $0x2, v31;
	v25 =	vld.idx.msk [tilespmem:v29+s2+$0x0], $0xffff  }
0x3db: {  	v28 =	vld.idx.msk [tilespmem:v27+s2+$0x0], $0xffff  }
0x3dc: {  	v32 =	vmovc v23;
	s28 =	simm.s32 $0x4;
	v34 =	vld.idx.msk [tilespmem:v63+s24+$0x0], $0xffff;
	v30 =	vmov v22;
	v27 =	vmov v20;
	v29 =	vmov v21  }
.LBB2_48:
0x3dd: {  	v38 =	vadd.s32 s28, v15;
	v37 =	vshll.u32 v37, $0x2;
	v27 =	vadd.f32 v24, v27;
	v24 =	vld.idx.msk [tilespmem:v36+s2+$0x0], $0xffff;
	p0 =	sne.s32 s28, $0xC7  }
.Ltmp23:
0x3de: {  	s28 =	sadd.s32 $0x1, s28;
	v40 =	vmovc v26;
	v39 =	vor.u32 $0x2, v37;
	v36 =	vor.u32 $0x3, v37;
	v26 =	vld.idx.msk [tilespmem:v35+s2+$0x0], $0xffff;
	v35 =	vor.u32 $0x1, v37;
	(pc) =	sbr.rel @p0 .LBB2_48-.Ltmp23, $3  }
0x3df: {  	v30 =	vadd.f32 v40, v30;
	v29 =	vadd.f32 v25, v29;
	v25 =	vld.idx.msk [tilespmem:v33+s2+$0x0], $0xffff;
	v33 =	vmov v39  }
0x3e0: {  	v32 =	vadd.f32 v28, v32;
	v28 =	vld.idx.msk [tilespmem:v31+s2+$0x0], $0xffff;
	v31 =	vmov v37;
	_ =	sdelay $0x1  }
0x3e1: {  	v37 =	vmov v34;
	v34 =	vld.idx.msk [tilespmem:v38+s24+$0x0], $0xffff  }
0x3e2: {  	_ =	sdelay $0x2  }
0x3e3: {  	v37 =	vshll.u32 v37, $0x2  }
0x3e4: {  	v36 =	vld.idx.msk [tilespmem:v36+s2+$0x0], $0xffff;
	v38 =	vor.u32 $0x3, v37  }
0x3e5: {  	v35 =	vld.idx.msk [tilespmem:v35+s2+$0x0], $0xffff;
	v39 =	vor.u32 $0x1, v37  }
0x3e6: {  	v33 =	vld.idx.msk [tilespmem:v33+s2+$0x0], $0xffff;
	v40 =	vor.u32 $0x2, v37  }
0x3e7: {  	v31 =	vld.idx.msk [tilespmem:v31+s2+$0x0], $0xffff;
	v34 =	vshll.u32 v34, $0x2  }
0x3e8: {  	v41 =	vor.u32 $0x1, v34;
	v37 =	vld.idx.msk [tilespmem:v37+s2+$0x0], $0xffff  }
0x3e9: {  	v42 =	vor.u32 $0x2, v34;
	v38 =	vld.idx.msk [tilespmem:v38+s2+$0x0], $0xffff  }
0x3ea: {  	v43 =	vor.u32 $0x3, v34;
	v39 =	vld.idx.msk [tilespmem:v39+s2+$0x0], $0xffff  }
0x3eb: {  	v28 =	vadd.f32 v28, v32;
	v62 =	vld.idx.msk [tilespmem:v40+s2+$0x0], $0xffff  }
0x3ec: {  	v26 =	vadd.f32 v26, v30;
	v30 =	vld.idx.msk [tilespmem:v34+s2+$0x0], $0xffff  }
0x3ed: {  	v25 =	vadd.f32 v25, v29;
	v28 =	vadd.f32 v31, v28;
	v29 =	vld.idx.msk [tilespmem:v41+s2+$0x0], $0xffff  }
0x3ee: {  	v24 =	vadd.f32 v24, v27;
	v26 =	vadd.f32 v35, v26;
	v27 =	vld.idx.msk [tilespmem:v42+s2+$0x0], $0xffff  }
0x3ef: {  	v25 =	vadd.f32 v33, v25;
	v31 =	vld.idx.msk [tilespmem:v43+s2+$0x0], $0xffff;
	v28 =	vadd.f32 v37, v28  }
0x3f0: {  	v24 =	vadd.f32 v36, v24;
	v26 =	vadd.f32 v39, v26  }
0x3f1: {  	v25 =	vadd.f32 v62, v25;
	v28 =	vadd.f32 v30, v28  }
0x3f2: {  	v24 =	vadd.f32 v38, v24;
	v26 =	vadd.f32 v29, v26  }
0x3f3: {  	v25 =	vadd.f32 v27, v25;
	[tilespmem:v16+s25+$0x0] =	vst.idx.msk $0xffff, v28  }
0x3f4: {  	v24 =	vadd.f32 v31, v24;
	[tilespmem:v17+s25+$0x0] =	vst.idx.msk $0xffff, v26  }
0x3f5: {  	[tilespmem:v18+s25+$0x0] =	vst.idx.msk $0xffff, v25  }
0x3f6: {  	s28 =	simm.s32 $0x0;
	[tilespmem:v19+s25+$0x0] =	vst.idx.msk $0xffff, v24  }
0x3f7: {  	[hbm4b:s16+s28] =	stream.linear.scatter [tilespmem:s25], [sflag:$0x1], $0x100, $0x38;
	[tilespmem:$0x4380] =	vst v63  }
0x3f8: {  	_ =	swait.ge [sflag:s22], $0x100  }
0x3f9: {  	[sflag:s22] =	ssyncset.done $0x0  }
0x3fa: {  	v24 =	vadd.s32 s28, v1;
	[sflag:s22] =	ssyncadd.s32 $0xFFFFFF00  }
0x3fb: {  	[tilespmem:s24], [sflag:$0x1] =	stream.linear.gather [hbm4b:s17+s28], $0x3200, $0x38;
	[tilespmem:$0x4380] =	vst v63  }
0x3fc: {  	_ =	swait.ge [sflag:s22], $0x3200  }
0x3fd: {  	[sflag:s22] =	ssyncset.done $0x0  }
0x3fe: {  	s28 =	simm.s32 $0x1;
	[sflag:s22] =	ssyncadd.s32 $0xFFFFCE00  }
0x3ff: {  	v25 =	vadd.s32 s28, v1;
	v24 =	vld.idx.msk [tilespmem:v24+s24+$0x0], $0xffff;
	_ =	sdelay $0x3  }
0x400: {  	s28 =	simm.s32 $0x2  }
0x401: {  	v26 =	vadd.s32 s28, v1;
	v30 =	vld.idx.msk [tilespmem:v25+s24+$0x0], $0xffff;
	v27 =	vshll.u32 v24, $0x2  }
0x402: {  	v24 =	vor.u32 $0x3, v27  }
0x403: {  	v28 =	vor.u32 $0x1, v27  }
0x404: {  	v29 =	vor.u32 $0x2, v27  }
0x405: {  	s28 =	simm.s32 $0x3  }
0x406: {  	v63 =	vadd.s32 s28, v1;
	v37 =	vld.idx.msk [tilespmem:v26+s24+$0x0], $0xffff;
	v31 =	vshll.u32 v30, $0x2  }
0x407: {  	v36 =	vor.u32 $0x3, v31;
	v24 =	vld.idx.msk [tilespmem:v24+s2+$0x0], $0xffff  }
0x408: {  	v35 =	vor.u32 $0x1, v31;
	v26 =	vld.idx.msk [tilespmem:v28+s2+$0x0], $0xffff  }
0x409: {  	v33 =	vor.u32 $0x2, v31;
	v25 =	vld.idx.msk [tilespmem:v29+s2+$0x0], $0xffff  }
0x40a: {  	v28 =	vld.idx.msk [tilespmem:v27+s2+$0x0], $0xffff  }
0x40b: {  	v32 =	vmovc v23;
	s28 =	simm.s32 $0x4;
	v34 =	vld.idx.msk [tilespmem:v63+s24+$0x0], $0xffff;
	v30 =	vmov v22;
	v27 =	vmov v20;
	v29 =	vmov v21  }
.LBB2_50:
0x40c: {  	v38 =	vadd.s32 s28, v1;
	v37 =	vshll.u32 v37, $0x2;
	v27 =	vadd.f32 v24, v27;
	v24 =	vld.idx.msk [tilespmem:v36+s2+$0x0], $0xffff;
	p0 =	sne.s32 s28, $0xC7  }
.Ltmp24:
0x40d: {  	s28 =	sadd.s32 $0x1, s28;
	v40 =	vmovc v26;
	v39 =	vor.u32 $0x2, v37;
	v36 =	vor.u32 $0x3, v37;
	v26 =	vld.idx.msk [tilespmem:v35+s2+$0x0], $0xffff;
	v35 =	vor.u32 $0x1, v37;
	(pc) =	sbr.rel @p0 .LBB2_50-.Ltmp24, $3  }
0x40e: {  	v30 =	vadd.f32 v40, v30;
	v29 =	vadd.f32 v25, v29;
	v25 =	vld.idx.msk [tilespmem:v33+s2+$0x0], $0xffff;
	v33 =	vmov v39  }
0x40f: {  	v32 =	vadd.f32 v28, v32;
	v28 =	vld.idx.msk [tilespmem:v31+s2+$0x0], $0xffff;
	v31 =	vmov v37;
	_ =	sdelay $0x1  }
0x410: {  	v37 =	vmov v34;
	v34 =	vld.idx.msk [tilespmem:v38+s24+$0x0], $0xffff  }
0x411: {  	_ =	sdelay $0x2  }
0x412: {  	v37 =	vshll.u32 v37, $0x2  }
0x413: {  	v36 =	vld.idx.msk [tilespmem:v36+s2+$0x0], $0xffff;
	v38 =	vor.u32 $0x3, v37  }
0x414: {  	v35 =	vld.idx.msk [tilespmem:v35+s2+$0x0], $0xffff;
	v39 =	vor.u32 $0x1, v37  }
0x415: {  	v33 =	vld.idx.msk [tilespmem:v33+s2+$0x0], $0xffff;
	v40 =	vor.u32 $0x2, v37  }
0x416: {  	v31 =	vld.idx.msk [tilespmem:v31+s2+$0x0], $0xffff;
	v34 =	vshll.u32 v34, $0x2  }
0x417: {  	v41 =	vor.u32 $0x1, v34;
	v37 =	vld.idx.msk [tilespmem:v37+s2+$0x0], $0xffff  }
0x418: {  	v42 =	vor.u32 $0x2, v34;
	v38 =	vld.idx.msk [tilespmem:v38+s2+$0x0], $0xffff  }
0x419: {  	v43 =	vor.u32 $0x3, v34;
	v39 =	vld.idx.msk [tilespmem:v39+s2+$0x0], $0xffff  }
0x41a: {  	v28 =	vadd.f32 v28, v32;
	v62 =	vld.idx.msk [tilespmem:v40+s2+$0x0], $0xffff  }
0x41b: {  	v26 =	vadd.f32 v26, v30;
	v30 =	vld.idx.msk [tilespmem:v34+s2+$0x0], $0xffff  }
0x41c: {  	v25 =	vadd.f32 v25, v29;
	v28 =	vadd.f32 v31, v28;
	v29 =	vld.idx.msk [tilespmem:v41+s2+$0x0], $0xffff  }
0x41d: {  	v24 =	vadd.f32 v24, v27;
	v26 =	vadd.f32 v35, v26;
	v27 =	vld.idx.msk [tilespmem:v42+s2+$0x0], $0xffff  }
0x41e: {  	v25 =	vadd.f32 v33, v25;
	v31 =	vld.idx.msk [tilespmem:v43+s2+$0x0], $0xffff;
	v28 =	vadd.f32 v37, v28  }
0x41f: {  	v24 =	vadd.f32 v36, v24;
	v26 =	vadd.f32 v39, v26  }
0x420: {  	s28 =	simm.s32 $0x0;
	v25 =	vadd.f32 v62, v25;
	v28 =	vadd.f32 v30, v28  }
0x421: {  	v24 =	vadd.f32 v38, v24;
	v26 =	vadd.f32 v29, v26;
	v29 =	vadd.s32 s28, v5  }
0x422: {  	v25 =	vadd.f32 v27, v25;
	[tilespmem:v0+s25+$0x0] =	vst.idx.msk $0xffff, v28  }
0x423: {  	v24 =	vadd.f32 v31, v24;
	[tilespmem:v2+s25+$0x0] =	vst.idx.msk $0xffff, v26  }
0x424: {  	[tilespmem:v3+s25+$0x0] =	vst.idx.msk $0xffff, v25  }
0x425: {  	s28 =	simm.s32 $0x1;
	[tilespmem:v4+s25+$0x0] =	vst.idx.msk $0xffff, v24  }
0x426: {  	v25 =	vadd.s32 s28, v5;
	v24 =	vld.idx.msk [tilespmem:v29+s24+$0x0], $0xffff;
	_ =	sdelay $0x3  }
0x427: {  	s28 =	simm.s32 $0x2  }
0x428: {  	v26 =	vadd.s32 s28, v5;
	v30 =	vld.idx.msk [tilespmem:v25+s24+$0x0], $0xffff;
	v27 =	vshll.u32 v24, $0x2  }
0x429: {  	v24 =	vor.u32 $0x3, v27  }
0x42a: {  	v28 =	vor.u32 $0x1, v27  }
0x42b: {  	v29 =	vor.u32 $0x2, v27  }
0x42c: {  	s28 =	simm.s32 $0x3  }
0x42d: {  	v63 =	vadd.s32 s28, v5;
	v37 =	vld.idx.msk [tilespmem:v26+s24+$0x0], $0xffff;
	v31 =	vshll.u32 v30, $0x2  }
0x42e: {  	v36 =	vor.u32 $0x3, v31;
	v24 =	vld.idx.msk [tilespmem:v24+s2+$0x0], $0xffff  }
0x42f: {  	v35 =	vor.u32 $0x1, v31;
	v26 =	vld.idx.msk [tilespmem:v28+s2+$0x0], $0xffff  }
0x430: {  	v33 =	vor.u32 $0x2, v31;
	v25 =	vld.idx.msk [tilespmem:v29+s2+$0x0], $0xffff  }
0x431: {  	v28 =	vld.idx.msk [tilespmem:v27+s2+$0x0], $0xffff  }
0x432: {  	v32 =	vmovc v23;
	s28 =	simm.s32 $0x4;
	v34 =	vld.idx.msk [tilespmem:v63+s24+$0x0], $0xffff;
	v30 =	vmov v22;
	v27 =	vmov v20;
	v29 =	vmov v21  }
.LBB2_52:
0x433: {  	v38 =	vadd.s32 s28, v5;
	v37 =	vshll.u32 v37, $0x2;
	v27 =	vadd.f32 v24, v27;
	v24 =	vld.idx.msk [tilespmem:v36+s2+$0x0], $0xffff;
	p0 =	sne.s32 s28, $0xC7  }
.Ltmp25:
0x434: {  	s28 =	sadd.s32 $0x1, s28;
	v40 =	vmovc v26;
	v39 =	vor.u32 $0x2, v37;
	v36 =	vor.u32 $0x3, v37;
	v26 =	vld.idx.msk [tilespmem:v35+s2+$0x0], $0xffff;
	v35 =	vor.u32 $0x1, v37;
	(pc) =	sbr.rel @p0 .LBB2_52-.Ltmp25, $3  }
0x435: {  	v30 =	vadd.f32 v40, v30;
	v29 =	vadd.f32 v25, v29;
	v25 =	vld.idx.msk [tilespmem:v33+s2+$0x0], $0xffff;
	v33 =	vmov v39  }
0x436: {  	v32 =	vadd.f32 v28, v32;
	v28 =	vld.idx.msk [tilespmem:v31+s2+$0x0], $0xffff;
	v31 =	vmov v37;
	_ =	sdelay $0x1  }
0x437: {  	v37 =	vmov v34;
	v34 =	vld.idx.msk [tilespmem:v38+s24+$0x0], $0xffff  }
0x438: {  	_ =	sdelay $0x2  }
0x439: {  	v37 =	vshll.u32 v37, $0x2  }
0x43a: {  	v36 =	vld.idx.msk [tilespmem:v36+s2+$0x0], $0xffff;
	v38 =	vor.u32 $0x3, v37  }
0x43b: {  	v35 =	vld.idx.msk [tilespmem:v35+s2+$0x0], $0xffff;
	v39 =	vor.u32 $0x1, v37  }
0x43c: {  	v33 =	vld.idx.msk [tilespmem:v33+s2+$0x0], $0xffff;
	v40 =	vor.u32 $0x2, v37  }
0x43d: {  	v31 =	vld.idx.msk [tilespmem:v31+s2+$0x0], $0xffff;
	v34 =	vshll.u32 v34, $0x2  }
0x43e: {  	v41 =	vor.u32 $0x1, v34;
	v37 =	vld.idx.msk [tilespmem:v37+s2+$0x0], $0xffff  }
0x43f: {  	v42 =	vor.u32 $0x2, v34;
	v38 =	vld.idx.msk [tilespmem:v38+s2+$0x0], $0xffff  }
0x440: {  	v43 =	vor.u32 $0x3, v34;
	v39 =	vld.idx.msk [tilespmem:v39+s2+$0x0], $0xffff  }
0x441: {  	v28 =	vadd.f32 v28, v32;
	v62 =	vld.idx.msk [tilespmem:v40+s2+$0x0], $0xffff  }
0x442: {  	v26 =	vadd.f32 v26, v30;
	v30 =	vld.idx.msk [tilespmem:v34+s2+$0x0], $0xffff  }
0x443: {  	v25 =	vadd.f32 v25, v29;
	v28 =	vadd.f32 v31, v28;
	v29 =	vld.idx.msk [tilespmem:v41+s2+$0x0], $0xffff  }
0x444: {  	v24 =	vadd.f32 v24, v27;
	v26 =	vadd.f32 v35, v26;
	v27 =	vld.idx.msk [tilespmem:v42+s2+$0x0], $0xffff  }
0x445: {  	v25 =	vadd.f32 v33, v25;
	v31 =	vld.idx.msk [tilespmem:v43+s2+$0x0], $0xffff;
	v28 =	vadd.f32 v37, v28  }
0x446: {  	v24 =	vadd.f32 v36, v24;
	v26 =	vadd.f32 v39, v26  }
0x447: {  	s28 =	simm.s32 $0x0;
	v25 =	vadd.f32 v62, v25;
	v28 =	vadd.f32 v30, v28  }
0x448: {  	v24 =	vadd.f32 v38, v24;
	v26 =	vadd.f32 v29, v26;
	v29 =	vadd.s32 s28, v10  }
0x449: {  	v25 =	vadd.f32 v27, v25;
	[tilespmem:v6+s25+$0x0] =	vst.idx.msk $0xffff, v28  }
0x44a: {  	v24 =	vadd.f32 v31, v24;
	[tilespmem:v7+s25+$0x0] =	vst.idx.msk $0xffff, v26  }
0x44b: {  	[tilespmem:v8+s25+$0x0] =	vst.idx.msk $0xffff, v25  }
0x44c: {  	s28 =	simm.s32 $0x1;
	[tilespmem:v9+s25+$0x0] =	vst.idx.msk $0xffff, v24  }
0x44d: {  	v25 =	vadd.s32 s28, v10;
	v24 =	vld.idx.msk [tilespmem:v29+s24+$0x0], $0xffff;
	_ =	sdelay $0x3  }
0x44e: {  	s28 =	simm.s32 $0x2  }
0x44f: {  	v26 =	vadd.s32 s28, v10;
	v30 =	vld.idx.msk [tilespmem:v25+s24+$0x0], $0xffff;
	v27 =	vshll.u32 v24, $0x2  }
0x450: {  	v24 =	vor.u32 $0x3, v27  }
0x451: {  	v28 =	vor.u32 $0x1, v27  }
0x452: {  	v29 =	vor.u32 $0x2, v27  }
0x453: {  	s28 =	simm.s32 $0x3  }
0x454: {  	v63 =	vadd.s32 s28, v10;
	v37 =	vld.idx.msk [tilespmem:v26+s24+$0x0], $0xffff;
	v31 =	vshll.u32 v30, $0x2  }
0x455: {  	v36 =	vor.u32 $0x3, v31;
	v24 =	vld.idx.msk [tilespmem:v24+s2+$0x0], $0xffff  }
0x456: {  	v35 =	vor.u32 $0x1, v31;
	v26 =	vld.idx.msk [tilespmem:v28+s2+$0x0], $0xffff  }
0x457: {  	v33 =	vor.u32 $0x2, v31;
	v25 =	vld.idx.msk [tilespmem:v29+s2+$0x0], $0xffff  }
0x458: {  	v28 =	vld.idx.msk [tilespmem:v27+s2+$0x0], $0xffff  }
0x459: {  	v32 =	vmovc v23;
	s28 =	simm.s32 $0x4;
	v34 =	vld.idx.msk [tilespmem:v63+s24+$0x0], $0xffff;
	v30 =	vmov v22;
	v27 =	vmov v20;
	v29 =	vmov v21  }
.LBB2_54:
0x45a: {  	v38 =	vadd.s32 s28, v10;
	v37 =	vshll.u32 v37, $0x2;
	v27 =	vadd.f32 v24, v27;
	v24 =	vld.idx.msk [tilespmem:v36+s2+$0x0], $0xffff;
	p0 =	sne.s32 s28, $0xC7  }
.Ltmp26:
0x45b: {  	s28 =	sadd.s32 $0x1, s28;
	v40 =	vmovc v26;
	v39 =	vor.u32 $0x2, v37;
	v36 =	vor.u32 $0x3, v37;
	v26 =	vld.idx.msk [tilespmem:v35+s2+$0x0], $0xffff;
	v35 =	vor.u32 $0x1, v37;
	(pc) =	sbr.rel @p0 .LBB2_54-.Ltmp26, $3  }
0x45c: {  	v30 =	vadd.f32 v40, v30;
	v29 =	vadd.f32 v25, v29;
	v25 =	vld.idx.msk [tilespmem:v33+s2+$0x0], $0xffff;
	v33 =	vmov v39  }
0x45d: {  	v32 =	vadd.f32 v28, v32;
	v28 =	vld.idx.msk [tilespmem:v31+s2+$0x0], $0xffff;
	v31 =	vmov v37;
	_ =	sdelay $0x1  }
0x45e: {  	v37 =	vmov v34;
	v34 =	vld.idx.msk [tilespmem:v38+s24+$0x0], $0xffff  }
0x45f: {  	_ =	sdelay $0x2  }
0x460: {  	v37 =	vshll.u32 v37, $0x2  }
0x461: {  	v36 =	vld.idx.msk [tilespmem:v36+s2+$0x0], $0xffff;
	v38 =	vor.u32 $0x3, v37  }
0x462: {  	v35 =	vld.idx.msk [tilespmem:v35+s2+$0x0], $0xffff;
	v39 =	vor.u32 $0x1, v37  }
0x463: {  	v33 =	vld.idx.msk [tilespmem:v33+s2+$0x0], $0xffff;
	v40 =	vor.u32 $0x2, v37  }
0x464: {  	v31 =	vld.idx.msk [tilespmem:v31+s2+$0x0], $0xffff;
	v34 =	vshll.u32 v34, $0x2  }
0x465: {  	v41 =	vor.u32 $0x1, v34;
	v37 =	vld.idx.msk [tilespmem:v37+s2+$0x0], $0xffff  }
0x466: {  	v42 =	vor.u32 $0x2, v34;
	v38 =	vld.idx.msk [tilespmem:v38+s2+$0x0], $0xffff  }
0x467: {  	v43 =	vor.u32 $0x3, v34;
	v39 =	vld.idx.msk [tilespmem:v39+s2+$0x0], $0xffff  }
0x468: {  	v28 =	vadd.f32 v28, v32;
	v62 =	vld.idx.msk [tilespmem:v40+s2+$0x0], $0xffff  }
0x469: {  	v26 =	vadd.f32 v26, v30;
	v30 =	vld.idx.msk [tilespmem:v34+s2+$0x0], $0xffff  }
0x46a: {  	v25 =	vadd.f32 v25, v29;
	v28 =	vadd.f32 v31, v28;
	v29 =	vld.idx.msk [tilespmem:v41+s2+$0x0], $0xffff  }
0x46b: {  	v24 =	vadd.f32 v24, v27;
	v26 =	vadd.f32 v35, v26;
	v27 =	vld.idx.msk [tilespmem:v42+s2+$0x0], $0xffff  }
0x46c: {  	v25 =	vadd.f32 v33, v25;
	v31 =	vld.idx.msk [tilespmem:v43+s2+$0x0], $0xffff;
	v28 =	vadd.f32 v37, v28  }
0x46d: {  	v24 =	vadd.f32 v36, v24;
	v26 =	vadd.f32 v39, v26  }
0x46e: {  	s28 =	simm.s32 $0x0;
	v25 =	vadd.f32 v62, v25;
	v28 =	vadd.f32 v30, v28  }
0x46f: {  	v24 =	vadd.f32 v38, v24;
	v26 =	vadd.f32 v29, v26;
	v29 =	vadd.s32 s28, v15  }
0x470: {  	v25 =	vadd.f32 v27, v25;
	[tilespmem:v11+s25+$0x0] =	vst.idx.msk $0xffff, v28  }
0x471: {  	v24 =	vadd.f32 v31, v24;
	[tilespmem:v12+s25+$0x0] =	vst.idx.msk $0xffff, v26  }
0x472: {  	[tilespmem:v13+s25+$0x0] =	vst.idx.msk $0xffff, v25  }
0x473: {  	s28 =	simm.s32 $0x1;
	[tilespmem:v14+s25+$0x0] =	vst.idx.msk $0xffff, v24  }
0x474: {  	v25 =	vadd.s32 s28, v15;
	v24 =	vld.idx.msk [tilespmem:v29+s24+$0x0], $0xffff;
	_ =	sdelay $0x3  }
0x475: {  	s28 =	simm.s32 $0x2  }
0x476: {  	v26 =	vadd.s32 s28, v15;
	v30 =	vld.idx.msk [tilespmem:v25+s24+$0x0], $0xffff;
	v27 =	vshll.u32 v24, $0x2  }
0x477: {  	v24 =	vor.u32 $0x3, v27  }
0x478: {  	v28 =	vor.u32 $0x1, v27  }
0x479: {  	v29 =	vor.u32 $0x2, v27  }
0x47a: {  	s28 =	simm.s32 $0x3  }
0x47b: {  	v63 =	vadd.s32 s28, v15;
	v37 =	vld.idx.msk [tilespmem:v26+s24+$0x0], $0xffff;
	v31 =	vshll.u32 v30, $0x2  }
0x47c: {  	v36 =	vor.u32 $0x3, v31;
	v24 =	vld.idx.msk [tilespmem:v24+s2+$0x0], $0xffff  }
0x47d: {  	v35 =	vor.u32 $0x1, v31;
	v26 =	vld.idx.msk [tilespmem:v28+s2+$0x0], $0xffff  }
0x47e: {  	v33 =	vor.u32 $0x2, v31;
	v25 =	vld.idx.msk [tilespmem:v29+s2+$0x0], $0xffff  }
0x47f: {  	v28 =	vld.idx.msk [tilespmem:v27+s2+$0x0], $0xffff  }
0x480: {  	v32 =	vmovc v23;
	s28 =	simm.s32 $0x4;
	v34 =	vld.idx.msk [tilespmem:v63+s24+$0x0], $0xffff;
	v30 =	vmov v22;
	v27 =	vmov v20;
	v29 =	vmov v21  }
.LBB2_56:
0x481: {  	v38 =	vadd.s32 s28, v15;
	v37 =	vshll.u32 v37, $0x2;
	v27 =	vadd.f32 v24, v27;
	v24 =	vld.idx.msk [tilespmem:v36+s2+$0x0], $0xffff;
	p0 =	sne.s32 s28, $0xC7  }
.Ltmp27:
0x482: {  	s28 =	sadd.s32 $0x1, s28;
	v40 =	vmovc v26;
	v39 =	vor.u32 $0x2, v37;
	v36 =	vor.u32 $0x3, v37;
	v26 =	vld.idx.msk [tilespmem:v35+s2+$0x0], $0xffff;
	v35 =	vor.u32 $0x1, v37;
	(pc) =	sbr.rel @p0 .LBB2_56-.Ltmp27, $3  }
0x483: {  	v30 =	vadd.f32 v40, v30;
	v29 =	vadd.f32 v25, v29;
	v25 =	vld.idx.msk [tilespmem:v33+s2+$0x0], $0xffff;
	v33 =	vmov v39  }
0x484: {  	v32 =	vadd.f32 v28, v32;
	v28 =	vld.idx.msk [tilespmem:v31+s2+$0x0], $0xffff;
	v31 =	vmov v37;
	_ =	sdelay $0x1  }
0x485: {  	v37 =	vmov v34;
	v34 =	vld.idx.msk [tilespmem:v38+s24+$0x0], $0xffff  }
0x486: {  	_ =	sdelay $0x2  }
0x487: {  	v37 =	vshll.u32 v37, $0x2  }
0x488: {  	v36 =	vld.idx.msk [tilespmem:v36+s2+$0x0], $0xffff;
	v38 =	vor.u32 $0x3, v37  }
0x489: {  	v35 =	vld.idx.msk [tilespmem:v35+s2+$0x0], $0xffff;
	v39 =	vor.u32 $0x1, v37  }
0x48a: {  	v33 =	vld.idx.msk [tilespmem:v33+s2+$0x0], $0xffff;
	v40 =	vor.u32 $0x2, v37  }
0x48b: {  	v31 =	vld.idx.msk [tilespmem:v31+s2+$0x0], $0xffff;
	v34 =	vshll.u32 v34, $0x2  }
0x48c: {  	v41 =	vor.u32 $0x1, v34;
	v37 =	vld.idx.msk [tilespmem:v37+s2+$0x0], $0xffff  }
0x48d: {  	v42 =	vor.u32 $0x2, v34;
	v38 =	vld.idx.msk [tilespmem:v38+s2+$0x0], $0xffff  }
0x48e: {  	v43 =	vor.u32 $0x3, v34;
	v39 =	vld.idx.msk [tilespmem:v39+s2+$0x0], $0xffff  }
0x48f: {  	v28 =	vadd.f32 v28, v32;
	v62 =	vld.idx.msk [tilespmem:v40+s2+$0x0], $0xffff  }
0x490: {  	v26 =	vadd.f32 v26, v30;
	v30 =	vld.idx.msk [tilespmem:v34+s2+$0x0], $0xffff  }
0x491: {  	v25 =	vadd.f32 v25, v29;
	v28 =	vadd.f32 v31, v28;
	v29 =	vld.idx.msk [tilespmem:v41+s2+$0x0], $0xffff  }
0x492: {  	v24 =	vadd.f32 v24, v27;
	v26 =	vadd.f32 v35, v26;
	v27 =	vld.idx.msk [tilespmem:v42+s2+$0x0], $0xffff  }
0x493: {  	v25 =	vadd.f32 v33, v25;
	v31 =	vld.idx.msk [tilespmem:v43+s2+$0x0], $0xffff;
	v28 =	vadd.f32 v37, v28  }
0x494: {  	v24 =	vadd.f32 v36, v24;
	v26 =	vadd.f32 v39, v26  }
0x495: {  	v25 =	vadd.f32 v62, v25;
	v28 =	vadd.f32 v30, v28  }
0x496: {  	v24 =	vadd.f32 v38, v24;
	v26 =	vadd.f32 v29, v26  }
0x497: {  	v25 =	vadd.f32 v27, v25;
	[tilespmem:v16+s25+$0x0] =	vst.idx.msk $0xffff, v28  }
0x498: {  	v24 =	vadd.f32 v31, v24;
	[tilespmem:v17+s25+$0x0] =	vst.idx.msk $0xffff, v26  }
0x499: {  	[tilespmem:v18+s25+$0x0] =	vst.idx.msk $0xffff, v25  }
0x49a: {  	s28 =	simm.s32 $0x0;
	[tilespmem:v19+s25+$0x0] =	vst.idx.msk $0xffff, v24  }
0x49b: {  	[hbm4b:s18+s28] =	stream.linear.scatter [tilespmem:s25], [sflag:$0x1], $0x100, $0x38;
	[tilespmem:$0x4380] =	vst v63  }
0x49c: {  	_ =	swait.ge [sflag:s22], $0x100  }
0x49d: {  	[sflag:s22] =	ssyncset.done $0x0  }
0x49e: {  	v24 =	vadd.s32 s28, v1;
	[sflag:s22] =	ssyncadd.s32 $0xFFFFFF00  }
0x49f: {  	[tilespmem:s24], [sflag:$0x1] =	stream.linear.gather [hbm4b:s19+s28], $0x3200, $0x38;
	[tilespmem:$0x4380] =	vst v63  }
0x4a0: {  	_ =	swait.ge [sflag:s22], $0x3200  }
0x4a1: {  	[sflag:s22] =	ssyncset.done $0x0  }
0x4a2: {  	s28 =	simm.s32 $0x1;
	[sflag:s22] =	ssyncadd.s32 $0xFFFFCE00  }
0x4a3: {  	v25 =	vadd.s32 s28, v1;
	v24 =	vld.idx.msk [tilespmem:v24+s24+$0x0], $0xffff;
	_ =	sdelay $0x3  }
0x4a4: {  	s28 =	simm.s32 $0x2  }
0x4a5: {  	v26 =	vadd.s32 s28, v1;
	v30 =	vld.idx.msk [tilespmem:v25+s24+$0x0], $0xffff;
	v27 =	vshll.u32 v24, $0x2  }
0x4a6: {  	v24 =	vor.u32 $0x3, v27  }
0x4a7: {  	v28 =	vor.u32 $0x1, v27  }
0x4a8: {  	v29 =	vor.u32 $0x2, v27  }
0x4a9: {  	s28 =	simm.s32 $0x3  }
0x4aa: {  	v63 =	vadd.s32 s28, v1;
	v37 =	vld.idx.msk [tilespmem:v26+s24+$0x0], $0xffff;
	v31 =	vshll.u32 v30, $0x2  }
0x4ab: {  	v36 =	vor.u32 $0x3, v31;
	v24 =	vld.idx.msk [tilespmem:v24+s2+$0x0], $0xffff  }
0x4ac: {  	v35 =	vor.u32 $0x1, v31;
	v26 =	vld.idx.msk [tilespmem:v28+s2+$0x0], $0xffff  }
0x4ad: {  	v33 =	vor.u32 $0x2, v31;
	v25 =	vld.idx.msk [tilespmem:v29+s2+$0x0], $0xffff  }
0x4ae: {  	v28 =	vld.idx.msk [tilespmem:v27+s2+$0x0], $0xffff  }
0x4af: {  	v32 =	vmovc v23;
	s28 =	simm.s32 $0x4;
	v34 =	vld.idx.msk [tilespmem:v63+s24+$0x0], $0xffff;
	v30 =	vmov v22;
	v27 =	vmov v20;
	v29 =	vmov v21  }
.LBB2_58:
0x4b0: {  	v38 =	vadd.s32 s28, v1;
	v37 =	vshll.u32 v37, $0x2;
	v27 =	vadd.f32 v24, v27;
	v24 =	vld.idx.msk [tilespmem:v36+s2+$0x0], $0xffff;
	p0 =	sne.s32 s28, $0xC7  }
.Ltmp28:
0x4b1: {  	s28 =	sadd.s32 $0x1, s28;
	v40 =	vmovc v26;
	v39 =	vor.u32 $0x2, v37;
	v36 =	vor.u32 $0x3, v37;
	v26 =	vld.idx.msk [tilespmem:v35+s2+$0x0], $0xffff;
	v35 =	vor.u32 $0x1, v37;
	(pc) =	sbr.rel @p0 .LBB2_58-.Ltmp28, $3  }
0x4b2: {  	v30 =	vadd.f32 v40, v30;
	v29 =	vadd.f32 v25, v29;
	v25 =	vld.idx.msk [tilespmem:v33+s2+$0x0], $0xffff;
	v33 =	vmov v39  }
0x4b3: {  	v32 =	vadd.f32 v28, v32;
	v28 =	vld.idx.msk [tilespmem:v31+s2+$0x0], $0xffff;
	v31 =	vmov v37;
	_ =	sdelay $0x1  }
0x4b4: {  	v37 =	vmov v34;
	v34 =	vld.idx.msk [tilespmem:v38+s24+$0x0], $0xffff  }
0x4b5: {  	_ =	sdelay $0x2  }
0x4b6: {  	v37 =	vshll.u32 v37, $0x2  }
0x4b7: {  	v36 =	vld.idx.msk [tilespmem:v36+s2+$0x0], $0xffff;
	v38 =	vor.u32 $0x3, v37  }
0x4b8: {  	v35 =	vld.idx.msk [tilespmem:v35+s2+$0x0], $0xffff;
	v39 =	vor.u32 $0x1, v37  }
0x4b9: {  	v33 =	vld.idx.msk [tilespmem:v33+s2+$0x0], $0xffff;
	v40 =	vor.u32 $0x2, v37  }
0x4ba: {  	v31 =	vld.idx.msk [tilespmem:v31+s2+$0x0], $0xffff;
	v34 =	vshll.u32 v34, $0x2  }
0x4bb: {  	v41 =	vor.u32 $0x1, v34;
	v37 =	vld.idx.msk [tilespmem:v37+s2+$0x0], $0xffff  }
0x4bc: {  	v42 =	vor.u32 $0x2, v34;
	v38 =	vld.idx.msk [tilespmem:v38+s2+$0x0], $0xffff  }
0x4bd: {  	v43 =	vor.u32 $0x3, v34;
	v39 =	vld.idx.msk [tilespmem:v39+s2+$0x0], $0xffff  }
0x4be: {  	v28 =	vadd.f32 v28, v32;
	v62 =	vld.idx.msk [tilespmem:v40+s2+$0x0], $0xffff  }
0x4bf: {  	v26 =	vadd.f32 v26, v30;
	v30 =	vld.idx.msk [tilespmem:v34+s2+$0x0], $0xffff  }
0x4c0: {  	v25 =	vadd.f32 v25, v29;
	v28 =	vadd.f32 v31, v28;
	v29 =	vld.idx.msk [tilespmem:v41+s2+$0x0], $0xffff  }
0x4c1: {  	v24 =	vadd.f32 v24, v27;
	v26 =	vadd.f32 v35, v26;
	v27 =	vld.idx.msk [tilespmem:v42+s2+$0x0], $0xffff  }
0x4c2: {  	v25 =	vadd.f32 v33, v25;
	v31 =	vld.idx.msk [tilespmem:v43+s2+$0x0], $0xffff;
	v28 =	vadd.f32 v37, v28  }
0x4c3: {  	v24 =	vadd.f32 v36, v24;
	v26 =	vadd.f32 v39, v26  }
0x4c4: {  	s28 =	simm.s32 $0x0;
	v25 =	vadd.f32 v62, v25;
	v28 =	vadd.f32 v30, v28  }
0x4c5: {  	v24 =	vadd.f32 v38, v24;
	v26 =	vadd.f32 v29, v26;
	v29 =	vadd.s32 s28, v5  }
0x4c6: {  	v25 =	vadd.f32 v27, v25;
	[tilespmem:v0+s25+$0x0] =	vst.idx.msk $0xffff, v28  }
0x4c7: {  	v24 =	vadd.f32 v31, v24;
	[tilespmem:v2+s25+$0x0] =	vst.idx.msk $0xffff, v26  }
0x4c8: {  	[tilespmem:v3+s25+$0x0] =	vst.idx.msk $0xffff, v25  }
0x4c9: {  	s28 =	simm.s32 $0x1;
	[tilespmem:v4+s25+$0x0] =	vst.idx.msk $0xffff, v24  }
0x4ca: {  	v25 =	vadd.s32 s28, v5;
	v24 =	vld.idx.msk [tilespmem:v29+s24+$0x0], $0xffff;
	_ =	sdelay $0x3  }
0x4cb: {  	s28 =	simm.s32 $0x2  }
0x4cc: {  	v26 =	vadd.s32 s28, v5;
	v30 =	vld.idx.msk [tilespmem:v25+s24+$0x0], $0xffff;
	v27 =	vshll.u32 v24, $0x2  }
0x4cd: {  	v24 =	vor.u32 $0x3, v27  }
0x4ce: {  	v28 =	vor.u32 $0x1, v27  }
0x4cf: {  	v29 =	vor.u32 $0x2, v27  }
0x4d0: {  	s28 =	simm.s32 $0x3  }
0x4d1: {  	v63 =	vadd.s32 s28, v5;
	v37 =	vld.idx.msk [tilespmem:v26+s24+$0x0], $0xffff;
	v31 =	vshll.u32 v30, $0x2  }
0x4d2: {  	v36 =	vor.u32 $0x3, v31;
	v24 =	vld.idx.msk [tilespmem:v24+s2+$0x0], $0xffff  }
0x4d3: {  	v35 =	vor.u32 $0x1, v31;
	v26 =	vld.idx.msk [tilespmem:v28+s2+$0x0], $0xffff  }
0x4d4: {  	v33 =	vor.u32 $0x2, v31;
	v25 =	vld.idx.msk [tilespmem:v29+s2+$0x0], $0xffff  }
0x4d5: {  	v28 =	vld.idx.msk [tilespmem:v27+s2+$0x0], $0xffff  }
0x4d6: {  	v32 =	vmovc v23;
	s28 =	simm.s32 $0x4;
	v34 =	vld.idx.msk [tilespmem:v63+s24+$0x0], $0xffff;
	v30 =	vmov v22;
	v27 =	vmov v20;
	v29 =	vmov v21  }
.LBB2_60:
0x4d7: {  	v38 =	vadd.s32 s28, v5;
	v37 =	vshll.u32 v37, $0x2;
	v27 =	vadd.f32 v24, v27;
	v24 =	vld.idx.msk [tilespmem:v36+s2+$0x0], $0xffff;
	p0 =	sne.s32 s28, $0xC7  }
.Ltmp29:
0x4d8: {  	s28 =	sadd.s32 $0x1, s28;
	v40 =	vmovc v26;
	v39 =	vor.u32 $0x2, v37;
	v36 =	vor.u32 $0x3, v37;
	v26 =	vld.idx.msk [tilespmem:v35+s2+$0x0], $0xffff;
	v35 =	vor.u32 $0x1, v37;
	(pc) =	sbr.rel @p0 .LBB2_60-.Ltmp29, $3  }
0x4d9: {  	v30 =	vadd.f32 v40, v30;
	v29 =	vadd.f32 v25, v29;
	v25 =	vld.idx.msk [tilespmem:v33+s2+$0x0], $0xffff;
	v33 =	vmov v39  }
0x4da: {  	v32 =	vadd.f32 v28, v32;
	v28 =	vld.idx.msk [tilespmem:v31+s2+$0x0], $0xffff;
	v31 =	vmov v37;
	_ =	sdelay $0x1  }
0x4db: {  	v37 =	vmov v34;
	v34 =	vld.idx.msk [tilespmem:v38+s24+$0x0], $0xffff  }
0x4dc: {  	_ =	sdelay $0x2  }
0x4dd: {  	v37 =	vshll.u32 v37, $0x2  }
0x4de: {  	v36 =	vld.idx.msk [tilespmem:v36+s2+$0x0], $0xffff;
	v38 =	vor.u32 $0x3, v37  }
0x4df: {  	v35 =	vld.idx.msk [tilespmem:v35+s2+$0x0], $0xffff;
	v39 =	vor.u32 $0x1, v37  }
0x4e0: {  	v33 =	vld.idx.msk [tilespmem:v33+s2+$0x0], $0xffff;
	v40 =	vor.u32 $0x2, v37  }
0x4e1: {  	v31 =	vld.idx.msk [tilespmem:v31+s2+$0x0], $0xffff;
	v34 =	vshll.u32 v34, $0x2  }
0x4e2: {  	v41 =	vor.u32 $0x1, v34;
	v37 =	vld.idx.msk [tilespmem:v37+s2+$0x0], $0xffff  }
0x4e3: {  	v42 =	vor.u32 $0x2, v34;
	v38 =	vld.idx.msk [tilespmem:v38+s2+$0x0], $0xffff  }
0x4e4: {  	v43 =	vor.u32 $0x3, v34;
	v39 =	vld.idx.msk [tilespmem:v39+s2+$0x0], $0xffff  }
0x4e5: {  	v28 =	vadd.f32 v28, v32;
	v62 =	vld.idx.msk [tilespmem:v40+s2+$0x0], $0xffff  }
0x4e6: {  	v26 =	vadd.f32 v26, v30;
	v30 =	vld.idx.msk [tilespmem:v34+s2+$0x0], $0xffff  }
0x4e7: {  	v25 =	vadd.f32 v25, v29;
	v28 =	vadd.f32 v31, v28;
	v29 =	vld.idx.msk [tilespmem:v41+s2+$0x0], $0xffff  }
0x4e8: {  	v24 =	vadd.f32 v24, v27;
	v26 =	vadd.f32 v35, v26;
	v27 =	vld.idx.msk [tilespmem:v42+s2+$0x0], $0xffff  }
0x4e9: {  	v25 =	vadd.f32 v33, v25;
	v31 =	vld.idx.msk [tilespmem:v43+s2+$0x0], $0xffff;
	v28 =	vadd.f32 v37, v28  }
0x4ea: {  	v24 =	vadd.f32 v36, v24;
	v26 =	vadd.f32 v39, v26  }
0x4eb: {  	s28 =	simm.s32 $0x0;
	v25 =	vadd.f32 v62, v25;
	v28 =	vadd.f32 v30, v28  }
0x4ec: {  	v24 =	vadd.f32 v38, v24;
	v26 =	vadd.f32 v29, v26;
	v29 =	vadd.s32 s28, v10  }
0x4ed: {  	v25 =	vadd.f32 v27, v25;
	[tilespmem:v6+s25+$0x0] =	vst.idx.msk $0xffff, v28  }
0x4ee: {  	v24 =	vadd.f32 v31, v24;
	[tilespmem:v7+s25+$0x0] =	vst.idx.msk $0xffff, v26  }
0x4ef: {  	[tilespmem:v8+s25+$0x0] =	vst.idx.msk $0xffff, v25  }
0x4f0: {  	s28 =	simm.s32 $0x1;
	[tilespmem:v9+s25+$0x0] =	vst.idx.msk $0xffff, v24  }
0x4f1: {  	v25 =	vadd.s32 s28, v10;
	v24 =	vld.idx.msk [tilespmem:v29+s24+$0x0], $0xffff;
	_ =	sdelay $0x3  }
0x4f2: {  	s28 =	simm.s32 $0x2  }
0x4f3: {  	v26 =	vadd.s32 s28, v10;
	v30 =	vld.idx.msk [tilespmem:v25+s24+$0x0], $0xffff;
	v27 =	vshll.u32 v24, $0x2  }
0x4f4: {  	v24 =	vor.u32 $0x3, v27  }
0x4f5: {  	v28 =	vor.u32 $0x1, v27  }
0x4f6: {  	v29 =	vor.u32 $0x2, v27  }
0x4f7: {  	s28 =	simm.s32 $0x3  }
0x4f8: {  	v63 =	vadd.s32 s28, v10;
	v37 =	vld.idx.msk [tilespmem:v26+s24+$0x0], $0xffff;
	v31 =	vshll.u32 v30, $0x2  }
0x4f9: {  	v36 =	vor.u32 $0x3, v31;
	v24 =	vld.idx.msk [tilespmem:v24+s2+$0x0], $0xffff  }
0x4fa: {  	v35 =	vor.u32 $0x1, v31;
	v26 =	vld.idx.msk [tilespmem:v28+s2+$0x0], $0xffff  }
0x4fb: {  	v33 =	vor.u32 $0x2, v31;
	v25 =	vld.idx.msk [tilespmem:v29+s2+$0x0], $0xffff  }
0x4fc: {  	v28 =	vld.idx.msk [tilespmem:v27+s2+$0x0], $0xffff  }
0x4fd: {  	v32 =	vmovc v23;
	s28 =	simm.s32 $0x4;
	v34 =	vld.idx.msk [tilespmem:v63+s24+$0x0], $0xffff;
	v30 =	vmov v22;
	v27 =	vmov v20;
	v29 =	vmov v21  }
.LBB2_62:
0x4fe: {  	v38 =	vadd.s32 s28, v10;
	v37 =	vshll.u32 v37, $0x2;
	v27 =	vadd.f32 v24, v27;
	v24 =	vld.idx.msk [tilespmem:v36+s2+$0x0], $0xffff;
	p0 =	sne.s32 s28, $0xC7  }
.Ltmp30:
0x4ff: {  	s28 =	sadd.s32 $0x1, s28;
	v40 =	vmovc v26;
	v39 =	vor.u32 $0x2, v37;
	v36 =	vor.u32 $0x3, v37;
	v26 =	vld.idx.msk [tilespmem:v35+s2+$0x0], $0xffff;
	v35 =	vor.u32 $0x1, v37;
	(pc) =	sbr.rel @p0 .LBB2_62-.Ltmp30, $3  }
0x500: {  	v30 =	vadd.f32 v40, v30;
	v29 =	vadd.f32 v25, v29;
	v25 =	vld.idx.msk [tilespmem:v33+s2+$0x0], $0xffff;
	v33 =	vmov v39  }
0x501: {  	v32 =	vadd.f32 v28, v32;
	v28 =	vld.idx.msk [tilespmem:v31+s2+$0x0], $0xffff;
	v31 =	vmov v37;
	_ =	sdelay $0x1  }
0x502: {  	v37 =	vmov v34;
	v34 =	vld.idx.msk [tilespmem:v38+s24+$0x0], $0xffff  }
0x503: {  	_ =	sdelay $0x2  }
0x504: {  	v37 =	vshll.u32 v37, $0x2  }
0x505: {  	v36 =	vld.idx.msk [tilespmem:v36+s2+$0x0], $0xffff;
	v38 =	vor.u32 $0x3, v37  }
0x506: {  	v35 =	vld.idx.msk [tilespmem:v35+s2+$0x0], $0xffff;
	v39 =	vor.u32 $0x1, v37  }
0x507: {  	v33 =	vld.idx.msk [tilespmem:v33+s2+$0x0], $0xffff;
	v40 =	vor.u32 $0x2, v37  }
0x508: {  	v31 =	vld.idx.msk [tilespmem:v31+s2+$0x0], $0xffff;
	v34 =	vshll.u32 v34, $0x2  }
0x509: {  	v41 =	vor.u32 $0x1, v34;
	v37 =	vld.idx.msk [tilespmem:v37+s2+$0x0], $0xffff  }
0x50a: {  	v42 =	vor.u32 $0x2, v34;
	v38 =	vld.idx.msk [tilespmem:v38+s2+$0x0], $0xffff  }
0x50b: {  	v43 =	vor.u32 $0x3, v34;
	v39 =	vld.idx.msk [tilespmem:v39+s2+$0x0], $0xffff  }
0x50c: {  	v28 =	vadd.f32 v28, v32;
	v62 =	vld.idx.msk [tilespmem:v40+s2+$0x0], $0xffff  }
0x50d: {  	v26 =	vadd.f32 v26, v30;
	v30 =	vld.idx.msk [tilespmem:v34+s2+$0x0], $0xffff  }
0x50e: {  	v25 =	vadd.f32 v25, v29;
	v28 =	vadd.f32 v31, v28;
	v29 =	vld.idx.msk [tilespmem:v41+s2+$0x0], $0xffff  }
0x50f: {  	v24 =	vadd.f32 v24, v27;
	v26 =	vadd.f32 v35, v26;
	v27 =	vld.idx.msk [tilespmem:v42+s2+$0x0], $0xffff  }
0x510: {  	v25 =	vadd.f32 v33, v25;
	v31 =	vld.idx.msk [tilespmem:v43+s2+$0x0], $0xffff;
	v28 =	vadd.f32 v37, v28  }
0x511: {  	v24 =	vadd.f32 v36, v24;
	v26 =	vadd.f32 v39, v26  }
0x512: {  	s28 =	simm.s32 $0x0;
	v25 =	vadd.f32 v62, v25;
	v28 =	vadd.f32 v30, v28  }
0x513: {  	v24 =	vadd.f32 v38, v24;
	v26 =	vadd.f32 v29, v26;
	v29 =	vadd.s32 s28, v15  }
0x514: {  	v25 =	vadd.f32 v27, v25;
	[tilespmem:v11+s25+$0x0] =	vst.idx.msk $0xffff, v28  }
0x515: {  	v24 =	vadd.f32 v31, v24;
	[tilespmem:v12+s25+$0x0] =	vst.idx.msk $0xffff, v26  }
0x516: {  	[tilespmem:v13+s25+$0x0] =	vst.idx.msk $0xffff, v25  }
0x517: {  	[tilespmem:v14+s25+$0x0] =	vst.idx.msk $0xffff, v24  }
0x518: {  	s28 =	simm.s32 $0x1;
	v24 =	vld.idx.msk [tilespmem:v29+s24+$0x0], $0xffff  }
0x519: {  	v25 =	vadd.s32 s28, v15;
	_ =	sdelay $0x2  }
0x51a: {  	s28 =	simm.s32 $0x2  }
0x51b: {  	v26 =	vadd.s32 s28, v15;
	v27 =	vshll.u32 v24, $0x2  }
0x51c: {  	v30 =	vld.idx.msk [tilespmem:v25+s24+$0x0], $0xffff;
	v28 =	vor.u32 $0x1, v27  }
0x51d: {  	v24 =	vor.u32 $0x3, v27;
	_ =	sdelay $0x1  }
0x51e: {  	v29 =	vor.u32 $0x2, v27  }
0x51f: {  	s28 =	simm.s32 $0x3;
	v33 =	vld.idx.msk [tilespmem:v26+s24+$0x0], $0xffff  }
0x520: {  	v63 =	vadd.s32 s28, v15;
	v26 =	vld.idx.msk [tilespmem:v28+s2+$0x0], $0xffff;
	v28 =	vshll.u32 v30, $0x2  }
0x521: {  	v24 =	vld.idx.msk [tilespmem:v24+s2+$0x0], $0xffff;
	v32 =	vor.u32 $0x3, v28  }
0x522: {  	v31 =	vor.u32 $0x1, v28  }
0x523: {  	v25 =	vld.idx.msk [tilespmem:v29+s2+$0x0], $0xffff;
	v29 =	vor.u32 $0x2, v28  }
0x524: {  	v27 =	vld.idx.msk [tilespmem:v27+s2+$0x0], $0xffff  }
0x525: {  	s28 =	simm.s32 $0x4;
	v30 =	vld.idx.msk [tilespmem:v63+s24+$0x0], $0xffff  }
.LBB2_64:
0x526: {  	v34 =	vadd.s32 s28, v15;
	v33 =	vshll.u32 v33, $0x2;
	v20 =	vadd.f32 v24, v20;
	v24 =	vld.idx.msk [tilespmem:v32+s2+$0x0], $0xffff;
	p0 =	sne.s32 s28, $0xC7  }
.Ltmp31:
0x527: {  	s28 =	sadd.s32 $0x1, s28;
	v36 =	vmovc v26;
	v35 =	vor.u32 $0x2, v33;
	v32 =	vor.u32 $0x3, v33;
	v26 =	vld.idx.msk [tilespmem:v31+s2+$0x0], $0xffff;
	v31 =	vor.u32 $0x1, v33;
	(pc) =	sbr.rel @p0 .LBB2_64-.Ltmp31, $3  }
0x528: {  	v22 =	vadd.f32 v36, v22;
	v21 =	vadd.f32 v25, v21;
	v25 =	vld.idx.msk [tilespmem:v29+s2+$0x0], $0xffff;
	v29 =	vmov v35  }
0x529: {  	v23 =	vadd.f32 v27, v23;
	v27 =	vld.idx.msk [tilespmem:v28+s2+$0x0], $0xffff;
	v28 =	vmov v33;
	_ =	sdelay $0x1  }
0x52a: {  	v33 =	vmov v30;
	v30 =	vld.idx.msk [tilespmem:v34+s24+$0x0], $0xffff  }
0x52b: {  	_ =	sdelay $0x2  }
0x52c: {  	v33 =	vshll.u32 v33, $0x2  }
0x52d: {  	v32 =	vld.idx.msk [tilespmem:v32+s2+$0x0], $0xffff;
	v34 =	vor.u32 $0x3, v33  }
0x52e: {  	v31 =	vld.idx.msk [tilespmem:v31+s2+$0x0], $0xffff;
	v35 =	vor.u32 $0x1, v33  }
0x52f: {  	v29 =	vld.idx.msk [tilespmem:v29+s2+$0x0], $0xffff;
	v36 =	vor.u32 $0x2, v33  }
0x530: {  	v28 =	vld.idx.msk [tilespmem:v28+s2+$0x0], $0xffff;
	v30 =	vshll.u32 v30, $0x2  }
0x531: {  	v37 =	vor.u32 $0x1, v30;
	v33 =	vld.idx.msk [tilespmem:v33+s2+$0x0], $0xffff  }
0x532: {  	v38 =	vor.u32 $0x2, v30;
	v34 =	vld.idx.msk [tilespmem:v34+s2+$0x0], $0xffff  }
0x533: {  	v39 =	vor.u32 $0x3, v30;
	v35 =	vld.idx.msk [tilespmem:v35+s2+$0x0], $0xffff  }
0x534: {  	v23 =	vadd.f32 v27, v23;
	v59 =	vld.idx.msk [tilespmem:v36+s2+$0x0], $0xffff  }
0x535: {  	v22 =	vadd.f32 v26, v22;
	v60 =	vld.idx.msk [tilespmem:v30+s2+$0x0], $0xffff  }
0x536: {  	v21 =	vadd.f32 v25, v21;
	v23 =	vadd.f32 v28, v23;
	v61 =	vld.idx.msk [tilespmem:v37+s2+$0x0], $0xffff  }
0x537: {  	v20 =	vadd.f32 v24, v20;
	v22 =	vadd.f32 v31, v22;
	v62 =	vld.idx.msk [tilespmem:v38+s2+$0x0], $0xffff  }
0x538: {  	v21 =	vadd.f32 v29, v21;
	v63 =	vld.idx.msk [tilespmem:v39+s2+$0x0], $0xffff;
	v23 =	vadd.f32 v33, v23  }
0x539: {  	v20 =	vadd.f32 v32, v20;
	v22 =	vadd.f32 v35, v22  }
0x53a: {  	v21 =	vadd.f32 v59, v21;
	v23 =	vadd.f32 v60, v23  }
0x53b: {  	v20 =	vadd.f32 v34, v20;
	v22 =	vadd.f32 v61, v22  }
0x53c: {  	v21 =	vadd.f32 v62, v21;
	[tilespmem:v16+s25+$0x0] =	vst.idx.msk $0xffff, v23  }
0x53d: {  	s26 =	sadd.s32 $0x1, s26;
	v20 =	vadd.f32 v63, v20;
	[tilespmem:v17+s25+$0x0] =	vst.idx.msk $0xffff, v22  }
0x53e: {  	p0 =	sne.s32 s26, s21;
	[tilespmem:v18+s25+$0x0] =	vst.idx.msk $0xffff, v21  }
.Ltmp32:
0x53f: {  	[tilespmem:v19+s25+$0x0] =	vst.idx.msk $0xffff, v20;
	(pc) =	sbr.rel @p0 .LBB2_1-.Ltmp32, $4  }
0x540: {  	[hbm4b:s20+s2] =	stream.linear.scatter [tilespmem:s25], [sflag:$0x1], $0x100, $0x38;
	[tilespmem:$0x4380] =	vst v63  }
0x541: {  	_ =	swait.ge [sflag:s22], $0x100  }
0x542: {  	[sflag:s22] =	ssyncset.done $0x0  }
0x543: {  	[sflag:s22] =	ssyncadd.s32 $0xFFFFFF00  }
0x544: {  	_ =	sfence.sel $0x180000  }
0x545: {  	[bflag:$0x0] =	sbarrier.arrive $0xFFFF  }
0x546: {  	p0 =	sne.s32 s1, $0x0;
	_ =	strace $0x90000047  }
0x547: {  	s0 =	sadd.s32 @!p0 $0x100000, s0;
	[bflag:$0x2] =	sbarrier.arrive $0xFFFF  }
0x548: {  	[sflag:s0] =	ssyncadd.tile.s32 @!p0 $0x1;
	_ =	shalt  }
.Lfunc_end2:
_tile_overlayer_lowered:
.L_overlay_start_2:
0x549: {  	(tag) =	ssettag $0x2  }
0x54a: {  	s0 =	rddreg [dreg:$0x0];
	s2 =	stileid.u32  }
0x54b: {  	s1 =	rddreg [dreg:$0x1];
	p0 =	sne.s32 s2, $0x0  }
0x54c: {  	s3 =	rddreg [dreg:$0x2];
	[bflag:$0x3] =	sbarrier.arrive $0xFFFF;
	s2 =	simm.s32 @!p0 $0x1C01  }
0x54d: {  	[timem:s3], [sflag:s2] =	dma.local @!p0 [hbm:s0], s1  }
0x54e: {  	s0 =	simm.s32 @!p0 $0x1  }
0x54f: {  	_ =	swait.ge @!p0 [sflag:s0], s1  }
0x550: {  	s1 =	ssub.s32 @!p0 $0x0, s1;
	[sflag:s0] =	ssyncset.done @!p0 $0x0  }
0x551: {  	[sflag:s0] =	ssyncadd.s32 @!p0 s1  }
0x552: {  	[bflag:$0x3] =	sbarrier.arrive $0xFFFF  }
0x553: {  	_ =	shalt  }

</sc_bundles>
